<compile_context>
chip_gen: v7x
topology: tpu7x:2x2x1
jax: 0.10.2.dev20260603
libtpu: 0.0.44.dev20260713+nightly
codegen_flags: <defaults>
</compile_context>

<pallas_src>
import functools

import jax
import jax.numpy as jnp
from jax import lax
from jax.experimental import pallas as pl
from jax.experimental.pallas import tpu as pltpu
from jax.experimental.pallas import tpu_sc as plsc

N_NODES = 50000
HIDDEN = 64
N_INT = 500
PHASES = 100

NC, NS, L = 2, 16, 16
NW = NC * NS
NPAD = 50176
SLICE = NPAD // NS
ROWS2D = NPAD // 128
CHUNK = 128
E_ROWS = 6250
RPT = 200
LAST_FULL = 48
BATCH = 8

_mesh = plsc.VectorSubcoreMesh(core_axis_name="c", subcore_axis_name="s")


def _zero_fill(ref, n):
    def body(i, carry):
        ref[pl.ds(i * L, L)] = jnp.zeros((L,), jnp.float32)
        return carry
    lax.fori_loop(0, n // L, body, 0)


def _one_fill(ref, n):
    def body(i, carry):
        ref[pl.ds(i * L, L)] = jnp.ones((L,), jnp.float32)
        return carry
    lax.fori_loop(0, n // L, body, 0)


def _load_rows(hbm, buf, wid):
    @pl.when(wid < NW - 1)
    def _():
        pltpu.sync_copy(hbm.at[pl.ds(wid * RPT, RPT)], buf)

    @pl.when(wid == NW - 1)
    def _():
        pltpu.sync_copy(hbm.at[pl.ds((NW - 1) * RPT, LAST_FULL)],
                        buf.at[pl.ds(0, LAST_FULL)])
        pltpu.sync_copy(hbm.at[pl.ds((NW - 1) * RPT + LAST_FULL, 2)],
                        buf.at[pl.ds(LAST_FULL, 2)])


@functools.partial(
    pl.kernel,
    out_type=jax.ShapeDtypeStruct((NC * NPAD,), jnp.float32),
    mesh=_mesh,
    scratch_types=[
        pltpu.VMEM((RPT, CHUNK), jnp.int32),
        pltpu.VMEM((CHUNK,), jnp.float32),
        pltpu.VMEM((SLICE,), jnp.float32),
        pltpu.VMEM_SHARED((NPAD,), jnp.float32),
        pltpu.SemaphoreType.DMA,
    ],
)
def _sc_degree(dst_hbm, out_hbm, dbuf, ones_v, zbuf, deg_sh, sem):
    cid = lax.axis_index("c")
    sid = lax.axis_index("s")
    wid = cid * NS + sid
    _zero_fill(zbuf, SLICE)
    _one_fill(ones_v, CHUNK)
    pltpu.sync_copy(zbuf, deg_sh.at[pl.ds(sid * SLICE, SLICE)])
    _load_rows(dst_hbm, dbuf, wid)
    plsc.subcore_barrier()

    ngroups = jnp.where(wid == NW - 1, LAST_FULL // BATCH, RPT // BATCH)

    def grp(gi, carry):
        cps = [pltpu.async_copy(ones_v, deg_sh.at[dbuf.at[gi * BATCH + j]],
                                sem, add=True) for j in range(BATCH)]
        for cp in cps:
            cp.wait()
        return carry

    lax.fori_loop(0, ngroups, grp, 0)

    @pl.when(wid == NW - 1)
    def _():
        cps = [pltpu.async_copy(ones_v, deg_sh.at[dbuf.at[LAST_FULL + j]],
                                sem, add=True) for j in range(2)]
        for cp in cps:
            cp.wait()

    plsc.subcore_barrier()
    pltpu.sync_copy(deg_sh.at[pl.ds(sid * SLICE, SLICE)], zbuf)
    pltpu.sync_copy(zbuf, out_hbm.at[pl.ds(cid * NPAD + sid * SLICE, SLICE)])


@functools.partial(
    pl.kernel,
    out_type=jax.ShapeDtypeStruct((NC * NPAD,), jnp.float32),
    mesh=_mesh,
    scratch_types=[
        pltpu.VMEM((RPT, CHUNK), jnp.int32),
        pltpu.VMEM((RPT, CHUNK), jnp.int32),
        pltpu.VMEM((BATCH, CHUNK), jnp.float32),
        pltpu.VMEM((SLICE,), jnp.float32),
        pltpu.VMEM_SHARED((NPAD,), jnp.float32),
        pltpu.VMEM_SHARED((NPAD,), jnp.float32),
        pltpu.SemaphoreType.DMA,
        pltpu.SemaphoreType.DMA,
    ],
)
def _sc_edge_sum(src_hbm, dst_hbm, g_hbm, out_hbm,
                 sbuf, dbuf, vals, zbuf, g_sh, acc_sh, gsem, ssem):
    cid = lax.axis_index("c")
    sid = lax.axis_index("s")
    wid = cid * NS + sid
    _zero_fill(zbuf, SLICE)
    pltpu.sync_copy(zbuf, acc_sh.at[pl.ds(sid * SLICE, SLICE)])
    pltpu.sync_copy(g_hbm.at[pl.ds(sid * SLICE, SLICE)], zbuf)
    pltpu.sync_copy(zbuf, g_sh.at[pl.ds(sid * SLICE, SLICE)])
    _load_rows(src_hbm, sbuf, wid)
    _load_rows(dst_hbm, dbuf, wid)
    plsc.subcore_barrier()

    ngroups = jnp.where(wid == NW - 1, LAST_FULL // BATCH, RPT // BATCH)

    def do_batch(base, nrows):
        gcps = [pltpu.async_copy(g_sh.at[sbuf.at[base + j]], vals.at[j], gsem)
                for j in range(nrows)]
        for cp in gcps:
            cp.wait()
        scps = [pltpu.async_copy(vals.at[j], acc_sh.at[dbuf.at[base + j]],
                                 ssem, add=True) for j in range(nrows)]
        for cp in scps:
            cp.wait()

    def grp(gi, carry):
        do_batch(gi * BATCH, BATCH)
        return carry

    lax.fori_loop(0, ngroups, grp, 0)

    @pl.when(wid == NW - 1)
    def _():
        do_batch(LAST_FULL, 2)

    plsc.subcore_barrier()
    pltpu.sync_copy(acc_sh.at[pl.ds(sid * SLICE, SLICE)], zbuf)
    pltpu.sync_copy(zbuf, out_hbm.at[pl.ds(cid * NPAD + sid * SLICE, SLICE)])


def _tc_elem_body(degp_ref, x_ref, g_ref, dinv_ref):
    deg = degp_ref[0] + degp_ref[1] + 1.0
    dinv = lax.rsqrt(deg)
    dinv_ref[...] = dinv
    g_ref[...] = x_ref[...] * dinv


def _tc_elem(degp, xpad):
    return pl.pallas_call(
        _tc_elem_body,
        out_shape=(jax.ShapeDtypeStruct((ROWS2D, 128), jnp.float32),
                   jax.ShapeDtypeStruct((ROWS2D, 128), jnp.float32)),
    )(degp, xpad)


BI = 10
GI = N_INT // BI


def _tc_heads_body(acc_ref, g_ref, dinv_ref, w_ref, bc_ref, wh_ref, bh_ref,
                   out_ref):
    c = dinv_ref[0] * (acc_ref[0, 0] + acc_ref[1, 0] + g_ref[0])
    pre = c[:, :, None] * w_ref[0][None, None, :] + bc_ref[0][None, None, :]
    pre = jnp.maximum(pre, 0.0)
    out = lax.dot_general(pre, wh_ref[0], (((2,), (1,)), ((0,), (0,))),
                          preferred_element_type=jnp.float32)
    out_ref[0] = out + bh_ref[0][:, None, :]


def _tc_heads(acc3, g3, dinv3, w_row, bc2, W_heads, b_heads):
    acc4 = acc3.reshape(NC, GI, BI, PHASES)
    g4 = g3.reshape(GI, BI, PHASES)
    dinv4 = dinv3.reshape(GI, BI, PHASES)
    wh4 = W_heads.reshape(GI, BI, HIDDEN, PHASES)
    bh4 = b_heads.reshape(GI, BI, PHASES)
    out = pl.pallas_call(
        _tc_heads_body,
        grid=(GI,),
        in_specs=[
            pl.BlockSpec((NC, 1, BI, PHASES), lambda i: (0, i, 0, 0)),
            pl.BlockSpec((1, BI, PHASES), lambda i: (i, 0, 0)),
            pl.BlockSpec((1, BI, PHASES), lambda i: (i, 0, 0)),
            pl.BlockSpec((1, HIDDEN), lambda i: (0, 0)),
            pl.BlockSpec((1, HIDDEN), lambda i: (0, 0)),
            pl.BlockSpec((1, BI, HIDDEN, PHASES), lambda i: (i, 0, 0, 0)),
            pl.BlockSpec((1, BI, PHASES), lambda i: (i, 0, 0)),
        ],
        out_specs=pl.BlockSpec((1, BI, PHASES, PHASES), lambda i: (i, 0, 0, 0)),
        out_shape=jax.ShapeDtypeStruct((GI, BI, PHASES, PHASES), jnp.float32),
    )(acc4, g4, dinv4, w_row, bc2, wh4, bh4)
    return out.reshape(N_INT, PHASES, PHASES)


def kernel(x_list, edge_index, W_conv, b_conv, W_heads, b_heads):
    n = x_list.size
    src2d = edge_index[0].reshape(E_ROWS, CHUNK)
    dst2d = edge_index[1].reshape(E_ROWS, CHUNK)
    xpad = jnp.pad(x_list.reshape(-1), (0, NPAD - n)).reshape(ROWS2D, 128)

    degp = _sc_degree(dst2d).reshape(NC, NPAD)
    g2, dinv2 = _tc_elem(degp.reshape(NC, ROWS2D, 128), xpad)
    g = g2.reshape(-1)
    accp = _sc_edge_sum(src2d, dst2d, g).reshape(NC, NPAD)

    acc3 = accp[:, :n].reshape(NC, N_INT, PHASES)
    g3 = g[:n].reshape(N_INT, PHASES)
    dinv3 = dinv2.reshape(-1)[:n].reshape(N_INT, PHASES)
    w_row = W_conv.reshape(1, HIDDEN)
    bc2 = b_conv.reshape(1, HIDDEN)
    return _tc_heads(acc3, g3, dinv3, w_row, bc2, W_heads, b_heads)

# --- scband reference (transcript-rebuilt; emitter-appended) ---
"""Pipeline reference for scband-traffic-signal-controller-2826088481186 (READ-ONLY COPY).

The authoritative reference and input builder live on the scoring server;
editing this copy changes nothing except your own understanding.
"""

import jax, jax.numpy as jnp
import numpy as np

NUM_NODES = 50000
N_EDGES = 800000
HIDDEN = 64
N_INT = 500
PHASES = 100


def setup_inputs(seed: int = 0) -> dict:
    key = jax.random.key(seed)
    k1, k2, k3, k4 = jax.random.split(key, 4)
    # x_list: 500 intersections, each a length-100 vector of scalar node features
    x_list = jax.random.uniform(k1, (N_INT, PHASES), dtype=jnp.float32)
    edge_index = jax.random.randint(k2, (2, N_EDGES), 0, NUM_NODES, dtype=jnp.int32)
    # GCNConv(1, hidden_dim) params
    W_conv = jax.random.normal(k3, (1, HIDDEN), dtype=jnp.float32) * 0.5
    b_conv = jnp.zeros((HIDDEN,), dtype=jnp.float32)
    # per-intersection heads: Linear(hidden_dim, n) for each n in num_nodes_phases (all n=100)
    W_heads = jax.random.normal(k4, (N_INT, HIDDEN, PHASES), dtype=jnp.float32) * 0.05
    b_heads = jnp.zeros((N_INT, PHASES), dtype=jnp.float32)
    return {"x_list": x_list, "edge_index": edge_index, "W_conv": W_conv,
            "b_conv": b_conv, "W_heads": W_heads, "b_heads": b_heads}


def _gcn_conv(x, edge_index, W, b):
    # standard GCN: add self-loops, symmetric normalization, linear then aggregate
    src = edge_index[0]
    dst = edge_index[1]
    loop = jnp.arange(NUM_NODES, dtype=src.dtype)
    src = jnp.concatenate([src, loop])
    dst = jnp.concatenate([dst, loop])
    h = x @ W  # [N, HIDDEN]
    deg = jnp.zeros((NUM_NODES,), dtype=jnp.float32).at[dst].add(1.0)
    dinv = 1.0 / jnp.sqrt(jnp.clip(deg, 1.0))
    norm = dinv[src] * dinv[dst]  # [E]
    msgs = h[src] * norm[:, None]  # gather (SparseCore)
    out = jnp.zeros((NUM_NODES, HIDDEN), dtype=jnp.float32).at[dst].add(msgs)  # scatter-add
    return out + b[None, :]


def reference(x_list, edge_index, W_conv, b_conv, W_heads, b_heads):
    # torch.cat(x_list, dim=0).unsqueeze(1) -> [N, 1]
    x = x_list.reshape(-1)[:, None]
    x = _gcn_conv(x, edge_index, W_conv, b_conv)
    x = jax.nn.relu(x)
    # F.dropout with training=False is identity (eval mode)
    # per-intersection heads over contiguous node slices (all slices equal size ->
    # vectorize the ModuleList loop as a batched matmul)
    xs = x.reshape(N_INT, PHASES, HIDDEN)
    out = jnp.einsum('iph,iho->ipo', xs, W_heads) + b_heads[:, None, :]
    return out  # [N_INT, PHASES, PHASES]; stacked version of the output list

if __name__ == "__main__":
    import jax
    _d = setup_inputs()
    print(jax.jit(kernel)(*tuple(_d.values())))

</pallas_src>

<mosaic_0001>
#map = affine_map<(d0, d1) -> (0, 0)>
#map1 = affine_map<(d0, d1) -> (0)>
module attributes {stable_mosaic.version = 14 : i64} {
  func.func @_sc_degree(%arg0: i32, %arg1: i32, %arg2: memref<6250x128xi32, #tpu.memory_space<hbm>>, %arg3: memref<100352xf32, #tpu.memory_space<hbm>>, %arg4: memref<200x128xi32, #tpu.memory_space<vmem>>, %arg5: memref<128xf32, #tpu.memory_space<vmem>>, %arg6: memref<3136xf32, #tpu.memory_space<vmem>>, %arg7: memref<50176xf32, #tpu.memory_space<vmem_shared>>, %arg8: memref<!tpu.dma_semaphore, #tpu.memory_space<semaphore_mem>>) attributes {dimension_semantics = [#tpu.dimension_semantics<core_parallel>, #tpu.dimension_semantics<subcore_parallel>], iteration_bounds = array<i64: 2, 16>, scalar_prefetch = 0 : i64, scratch_operands = 5 : i64, tpu.core_type = #tpu.core_type<sc_vector_subcore>, window_params = [{transform_indices = #map}, {transform_indices = #map1}]} {
    %mul3A = arith.constant 16 : i32
    %mul3A_0 = arith.muli %arg0, %mul3A : i32
    %add3A = arith.addi %mul3A_0, %arg1 : i32
    %scan3A = arith.constant 0 : i32
    %scan3A_1 = arith.constant 0 : i32
    %scan3A_2 = arith.constant 196 : i32
    %scan3A_3 = arith.addi %scan3A_1, %scan3A_2 : i32
    %scan3A_4 = arith.constant 1 : i32
    scf.for %scan3A_45 = %scan3A_1 to %scan3A_3 step %scan3A_4  : i32 {
      %broadcast_in_dim3A = arith.constant 0.000000e+00 : f32
      %broadcast_in_dim3A_46 = vector.broadcast %broadcast_in_dim3A : f32 to vector<16xf32>
      %mul3A_47 = arith.constant 16 : i32
      %mul3A_48 = arith.muli %scan3A_45, %mul3A_47 : i32
      %swap3A = arith.index_cast %mul3A_48 : i32 to index
      %swap3A_49 = tpu.vector_load %arg6[%swap3A] {strides = array<i32>} : memref<3136xf32, #tpu.memory_space<vmem>>, vector<16xf32>,
      %swap3A_50 = vector.shape_cast %swap3A_49 : vector<16xf32> to vector<16xf32>
      %swap3A_51 = vector.shape_cast %broadcast_in_dim3A_46 : vector<16xf32> to vector<16xf32>
      tpu.vector_store %arg6[%swap3A], %swap3A_51 {strides = array<i32>} : memref<3136xf32, #tpu.memory_space<vmem>>, vector<16xf32>,
    }
    %scan3A_5 = arith.constant 196 : i32
    %scan3A_6 = arith.constant 0 : i32
    %scan3A_7 = arith.constant 0 : i32
    %scan3A_8 = arith.constant 8 : i32
    %scan3A_9 = arith.addi %scan3A_7, %scan3A_8 : i32
    %scan3A_10 = arith.constant 1 : i32
    scf.for %scan3A_45 = %scan3A_7 to %scan3A_9 step %scan3A_10  : i32 {
      %broadcast_in_dim3A = arith.constant 1.000000e+00 : f32
      %broadcast_in_dim3A_46 = vector.broadcast %broadcast_in_dim3A : f32 to vector<16xf32>
      %mul3A_47 = arith.constant 16 : i32
      %mul3A_48 = arith.muli %scan3A_45, %mul3A_47 : i32
      %swap3A = arith.index_cast %mul3A_48 : i32 to index
      %swap3A_49 = tpu.vector_load %arg5[%swap3A] {strides = array<i32>} : memref<128xf32, #tpu.memory_space<vmem>>, vector<16xf32>,
      %swap3A_50 = vector.shape_cast %swap3A_49 : vector<16xf32> to vector<16xf32>
      %swap3A_51 = vector.shape_cast %broadcast_in_dim3A_46 : vector<16xf32> to vector<16xf32>
      tpu.vector_store %arg5[%swap3A], %swap3A_51 {strides = array<i32>} : memref<128xf32, #tpu.memory_space<vmem>>, vector<16xf32>,
    }
    %scan3A_11 = arith.constant 8 : i32
    %mul3A_12 = arith.constant 3136 : i32
    %mul3A_13 = arith.muli %arg1, %mul3A_12 : i32
    "tpu.region"() ({
      %run_scoped3A = tpu.sem_alloc : memref<!tpu.dma_semaphore, #tpu.memory_space<semaphore_mem>>
      %dma_start3A = tpu.memref_slice %arg7[%mul3A_13] : memref<50176xf32, #tpu.memory_space<vmem_shared>> -> memref<3136xf32, #tpu.memory_space<vmem_shared>>
      %dma_start3A_45 = tpu.memref_slice %arg7[%mul3A_13] : memref<50176xf32, #tpu.memory_space<vmem_shared>> -> memref<3136xf32, #tpu.memory_space<vmem_shared>>
      tpu.enqueue_dma source(%arg6 : memref<3136xf32, #tpu.memory_space<vmem>>) target(%dma_start3A_45 : memref<3136xf32, #tpu.memory_space<vmem_shared>>) target_semaphore(%run_scoped3A : memref<!tpu.dma_semaphore, #tpu.memory_space<semaphore_mem>>)
      %dma_wait3A = tpu.memref_slice %arg7[%mul3A_13] : memref<50176xf32, #tpu.memory_space<vmem_shared>> -> memref<3136xf32, #tpu.memory_space<vmem_shared>>
      %dma_wait3A_46 = tpu.memref_slice %arg7[%mul3A_13] : memref<50176xf32, #tpu.memory_space<vmem_shared>> -> memref<3136xf32, #tpu.memory_space<vmem_shared>>
      tpu.wait_dma2 semaphore(%run_scoped3A : memref<!tpu.dma_semaphore, #tpu.memory_space<semaphore_mem>>) src(%arg6 : memref<3136xf32, #tpu.memory_space<vmem>>) dst(%dma_wait3A_46 : memref<3136xf32, #tpu.memory_space<vmem_shared>>)
      tpu.yield
    }) : () -> ()
    %lt3A = arith.constant 31 : i32
    %lt3A_14 = arith.cmpi slt, %add3A, %lt3A : i32
    %convert_element_type3A = arith.extui %lt3A_14 : i1 to i32
    %cond3A = arith.constant 0 : i32
    %cond3A_15 = arith.cmpi ne, %convert_element_type3A, %cond3A : i32
    scf.if %cond3A_15 {
      %mul3A_45 = arith.constant 200 : i32
      %mul3A_46 = arith.muli %add3A, %mul3A_45 : i32
      "tpu.region"() ({
        %run_scoped3A = tpu.sem_alloc : memref<!tpu.dma_semaphore, #tpu.memory_space<semaphore_mem>>
        %dma_start3A = arith.constant 0 : i32
        %dma_start3A_47 = tpu.memref_slice %arg2[%mul3A_46, %dma_start3A] : memref<6250x128xi32, #tpu.memory_space<hbm>> -> memref<200x128xi32, #tpu.memory_space<hbm>>
        %dma_start3A_48 = arith.constant 0 : i32
        %dma_start3A_49 = tpu.memref_slice %arg2[%mul3A_46, %dma_start3A_48] : memref<6250x128xi32, #tpu.memory_space<hbm>> -> memref<200x128xi32, #tpu.memory_space<hbm>>
        tpu.enqueue_dma source(%dma_start3A_49 : memref<200x128xi32, #tpu.memory_space<hbm>>) target(%arg4 : memref<200x128xi32, #tpu.memory_space<vmem>>) target_semaphore(%run_scoped3A : memref<!tpu.dma_semaphore, #tpu.memory_space<semaphore_mem>>)
        %dma_wait3A = arith.constant 0 : i32
        %dma_wait3A_50 = tpu.memref_slice %arg2[%mul3A_46, %dma_wait3A] : memref<6250x128xi32, #tpu.memory_space<hbm>> -> memref<200x128xi32, #tpu.memory_space<hbm>>
        %dma_wait3A_51 = arith.constant 0 : i32
        %dma_wait3A_52 = tpu.memref_slice %arg2[%mul3A_46, %dma_wait3A_51] : memref<6250x128xi32, #tpu.memory_space<hbm>> -> memref<200x128xi32, #tpu.memory_space<hbm>>
        tpu.wait_dma2 semaphore(%run_scoped3A : memref<!tpu.dma_semaphore, #tpu.memory_space<semaphore_mem>>) src(%dma_wait3A_52 : memref<200x128xi32, #tpu.memory_space<hbm>>) dst(%arg4 : memref<200x128xi32, #tpu.memory_space<vmem>>)
        tpu.yield
      }) : () -> ()
    } else {
    }
    %eq3A = arith.constant 31 : i32
    %eq3A_16 = arith.cmpi eq, %add3A, %eq3A : i32
    %convert_element_type3A_17 = arith.extui %eq3A_16 : i1 to i32
    %cond3A_18 = arith.constant 0 : i32
    %cond3A_19 = arith.cmpi ne, %convert_element_type3A_17, %cond3A_18 : i32
    scf.if %cond3A_19 {
      "tpu.region"() ({
        %run_scoped3A = tpu.sem_alloc : memref<!tpu.dma_semaphore, #tpu.memory_space<semaphore_mem>>
        %dma_start3A = arith.constant 0 : i32
        %dma_start3A_45 = arith.constant 0 : i32
        %dma_start3A_46 = tpu.memref_slice %arg4[%dma_start3A, %dma_start3A_45] : memref<200x128xi32, #tpu.memory_space<vmem>> -> memref<48x128xi32, #tpu.memory_space<vmem>>
        %dma_start3A_47 = arith.constant 6200 : i32
        %dma_start3A_48 = arith.constant 0 : i32
        %dma_start3A_49 = tpu.memref_slice %arg2[%dma_start3A_47, %dma_start3A_48] : memref<6250x128xi32, #tpu.memory_space<hbm>> -> memref<48x128xi32, #tpu.memory_space<hbm>>
        %dma_start3A_50 = arith.constant 0 : i32
        %dma_start3A_51 = arith.constant 0 : i32
        %dma_start3A_52 = tpu.memref_slice %arg4[%dma_start3A_50, %dma_start3A_51] : memref<200x128xi32, #tpu.memory_space<vmem>> -> memref<48x128xi32, #tpu.memory_space<vmem>>
        %dma_start3A_53 = arith.constant 6200 : i32
        %dma_start3A_54 = arith.constant 0 : i32
        %dma_start3A_55 = tpu.memref_slice %arg2[%dma_start3A_53, %dma_start3A_54] : memref<6250x128xi32, #tpu.memory_space<hbm>> -> memref<48x128xi32, #tpu.memory_space<hbm>>
        tpu.enqueue_dma source(%dma_start3A_55 : memref<48x128xi32, #tpu.memory_space<hbm>>) target(%dma_start3A_52 : memref<48x128xi32, #tpu.memory_space<vmem>>) target_semaphore(%run_scoped3A : memref<!tpu.dma_semaphore, #tpu.memory_space<semaphore_mem>>)
        %dma_wait3A = arith.constant 0 : i32
        %dma_wait3A_56 = arith.constant 0 : i32
        %dma_wait3A_57 = tpu.memref_slice %arg4[%dma_wait3A, %dma_wait3A_56] : memref<200x128xi32, #tpu.memory_space<vmem>> -> memref<48x128xi32, #tpu.memory_space<vmem>>
        %dma_wait3A_58 = arith.constant 6200 : i32
        %dma_wait3A_59 = arith.constant 0 : i32
        %dma_wait3A_60 = tpu.memref_slice %arg2[%dma_wait3A_58, %dma_wait3A_59] : memref<6250x128xi32, #tpu.memory_space<hbm>> -> memref<48x128xi32, #tpu.memory_space<hbm>>
        %dma_wait3A_61 = arith.constant 0 : i32
        %dma_wait3A_62 = arith.constant 0 : i32
        %dma_wait3A_63 = tpu.memref_slice %arg4[%dma_wait3A_61, %dma_wait3A_62] : memref<200x128xi32, #tpu.memory_space<vmem>> -> memref<48x128xi32, #tpu.memory_space<vmem>>
        %dma_wait3A_64 = arith.constant 6200 : i32
        %dma_wait3A_65 = arith.constant 0 : i32
        %dma_wait3A_66 = tpu.memref_slice %arg2[%dma_wait3A_64, %dma_wait3A_65] : memref<6250x128xi32, #tpu.memory_space<hbm>> -> memref<48x128xi32, #tpu.memory_space<hbm>>
        tpu.wait_dma2 semaphore(%run_scoped3A : memref<!tpu.dma_semaphore, #tpu.memory_space<semaphore_mem>>) src(%dma_wait3A_66 : memref<48x128xi32, #tpu.memory_space<hbm>>) dst(%dma_wait3A_63 : memref<48x128xi32, #tpu.memory_space<vmem>>)
        tpu.yield
      }) : () -> ()
      "tpu.region"() ({
        %run_scoped3A = tpu.sem_alloc : memref<!tpu.dma_semaphore, #tpu.memory_space<semaphore_mem>>
        %dma_start3A = arith.constant 48 : i32
        %dma_start3A_45 = arith.constant 0 : i32
        %dma_start3A_46 = tpu.memref_slice %arg4[%dma_start3A, %dma_start3A_45] : memref<200x128xi32, #tpu.memory_space<vmem>> -> memref<2x128xi32, #tpu.memory_space<vmem>>
        %dma_start3A_47 = arith.constant 6248 : i32
        %dma_start3A_48 = arith.constant 0 : i32
        %dma_start3A_49 = tpu.memref_slice %arg2[%dma_start3A_47, %dma_start3A_48] : memref<6250x128xi32, #tpu.memory_space<hbm>> -> memref<2x128xi32, #tpu.memory_space<hbm>>
        %dma_start3A_50 = arith.constant 48 : i32
        %dma_start3A_51 = arith.constant 0 : i32
        %dma_start3A_52 = tpu.memref_slice %arg4[%dma_start3A_50, %dma_start3A_51] : memref<200x128xi32, #tpu.memory_space<vmem>> -> memref<2x128xi32, #tpu.memory_space<vmem>>
        %dma_start3A_53 = arith.constant 6248 : i32
        %dma_start3A_54 = arith.constant 0 : i32
        %dma_start3A_55 = tpu.memref_slice %arg2[%dma_start3A_53, %dma_start3A_54] : memref<6250x128xi32, #tpu.memory_space<hbm>> -> memref<2x128xi32, #tpu.memory_space<hbm>>
        tpu.enqueue_dma source(%dma_start3A_55 : memref<2x128xi32, #tpu.memory_space<hbm>>) target(%dma_start3A_52 : memref<2x128xi32, #tpu.memory_space<vmem>>) target_semaphore(%run_scoped3A : memref<!tpu.dma_semaphore, #tpu.memory_space<semaphore_mem>>)
        %dma_wait3A = arith.constant 48 : i32
        %dma_wait3A_56 = arith.constant 0 : i32
        %dma_wait3A_57 = tpu.memref_slice %arg4[%dma_wait3A, %dma_wait3A_56] : memref<200x128xi32, #tpu.memory_space<vmem>> -> memref<2x128xi32, #tpu.memory_space<vmem>>
        %dma_wait3A_58 = arith.constant 6248 : i32
        %dma_wait3A_59 = arith.constant 0 : i32
        %dma_wait3A_60 = tpu.memref_slice %arg2[%dma_wait3A_58, %dma_wait3A_59] : memref<6250x128xi32, #tpu.memory_space<hbm>> -> memref<2x128xi32, #tpu.memory_space<hbm>>
        %dma_wait3A_61 = arith.constant 48 : i32
        %dma_wait3A_62 = arith.constant 0 : i32
        %dma_wait3A_63 = tpu.memref_slice %arg4[%dma_wait3A_61, %dma_wait3A_62] : memref<200x128xi32, #tpu.memory_space<vmem>> -> memref<2x128xi32, #tpu.memory_space<vmem>>
        %dma_wait3A_64 = arith.constant 6248 : i32
        %dma_wait3A_65 = arith.constant 0 : i32
        %dma_wait3A_66 = tpu.memref_slice %arg2[%dma_wait3A_64, %dma_wait3A_65] : memref<6250x128xi32, #tpu.memory_space<hbm>> -> memref<2x128xi32, #tpu.memory_space<hbm>>
        tpu.wait_dma2 semaphore(%run_scoped3A : memref<!tpu.dma_semaphore, #tpu.memory_space<semaphore_mem>>) src(%dma_wait3A_66 : memref<2x128xi32, #tpu.memory_space<hbm>>) dst(%dma_wait3A_63 : memref<2x128xi32, #tpu.memory_space<vmem>>)
        tpu.yield
      }) : () -> ()
    } else {
    }
    %barrier3A = arith.constant 0 : index
    tpu.barrier barrier_id(%barrier3A)
    %eq3A_20 = arith.constant 31 : i32
    %eq3A_21 = arith.cmpi eq, %add3A, %eq3A_20 : i32
    %jit3A = arith.constant 6 : i32
    %jit3A_22 = arith.constant 25 : i32
    %select_n3A = arith.select %eq3A_21, %jit3A, %jit3A_22 : i32
    %while3A = arith.constant 0 : i32
    %while3A_23 = arith.constant 0 : i32
    %while3A_24 = arith.subi %select_n3A, %while3A_23 : i32
    %while3A_25 = arith.addi %while3A_23, %while3A_24 : i32
    %while3A_26 = arith.constant 1 : i32
    %while3A_27 = arith.divsi %while3A_24, %while3A_26 : i32
    %while3A_28 = arith.muli %while3A_27, %while3A_26 : i32
    %while3A_29 = arith.addi %while3A_23, %while3A_28 : i32
    %while3A_30 = arith.constant 1 : i32
    scf.for %while3A_45 = %while3A_23 to %while3A_29 step %while3A_30  : i32 {
      %mul3A_46 = arith.constant 8 : i32
      %mul3A_47 = arith.muli %while3A_45, %mul3A_46 : i32
      %add3A_48 = arith.constant 0 : i32
      %add3A_49 = arith.addi %mul3A_47, %add3A_48 : i32
      %dma_start3A = arith.constant 0 : i32
      %dma_start3A_50 = tpu.memref_slice %arg4[%add3A_49, %dma_start3A] : memref<200x128xi32, #tpu.memory_space<vmem>> -> memref<1x128xi32, #tpu.memory_space<vmem>>
      %dma_start3A_51 = tpu.memref_squeeze %dma_start3A_50 : memref<1x128xi32, #tpu.memory_space<vmem>> -> memref<128xi32, #tpu.memory_space<vmem>>
      %dma_start3A_52 = arith.constant 0 : i32
      %dma_start3A_53 = tpu.memref_slice %arg7[%dma_start3A_52] : memref<50176xf32, #tpu.memory_space<vmem_shared>> -> memref<50176xf32, #tpu.memory_space<vmem_shared>>
      tpu.enqueue_indirect_dma source(%arg5 : memref<128xf32, #tpu.memory_space<vmem>>) target(%dma_start3A_53 : memref<50176xf32, #tpu.memory_space<vmem_shared>>) offsets(%dma_start3A_51 : memref<128xi32, #tpu.memory_space<vmem>>) semaphore(%arg8 : memref<!tpu.dma_semaphore, #tpu.memory_space<semaphore_mem>>) {add = true}
      %mul3A_54 = arith.constant 8 : i32
      %mul3A_55 = arith.muli %while3A_45, %mul3A_54 : i32
      %add3A_56 = arith.constant 1 : i32
      %add3A_57 = arith.addi %mul3A_55, %add3A_56 : i32
      %dma_start3A_58 = arith.constant 0 : i32
      %dma_start3A_59 = tpu.memref_slice %arg4[%add3A_57, %dma_start3A_58] : memref<200x128xi32, #tpu.memory_space<vmem>> -> memref<1x128xi32, #tpu.memory_space<vmem>>
      %dma_start3A_60 = tpu.memref_squeeze %dma_start3A_59 : memref<1x128xi32, #tpu.memory_space<vmem>> -> memref<128xi32, #tpu.memory_space<vmem>>
      %dma_start3A_61 = arith.constant 0 : i32
      %dma_start3A_62 = tpu.memref_slice %arg7[%dma_start3A_61] : memref<50176xf32, #tpu.memory_space<vmem_shared>> -> memref<50176xf32, #tpu.memory_space<vmem_shared>>
      tpu.enqueue_indirect_dma source(%arg5 : memref<128xf32, #tpu.memory_space<vmem>>) target(%dma_start3A_62 : memref<50176xf32, #tpu.memory_space<vmem_shared>>) offsets(%dma_start3A_60 : memref<128xi32, #tpu.memory_space<vmem>>) semaphore(%arg8 : memref<!tpu.dma_semaphore, #tpu.memory_space<semaphore_mem>>) {add = true}
      %mul3A_63 = arith.constant 8 : i32
      %mul3A_64 = arith.muli %while3A_45, %mul3A_63 : i32
      %add3A_65 = arith.constant 2 : i32
      %add3A_66 = arith.addi %mul3A_64, %add3A_65 : i32
      %dma_start3A_67 = arith.constant 0 : i32
      %dma_start3A_68 = tpu.memref_slice %arg4[%add3A_66, %dma_start3A_67] : memref<200x128xi32, #tpu.memory_space<vmem>> -> memref<1x128xi32, #tpu.memory_space<vmem>>
      %dma_start3A_69 = tpu.memref_squeeze %dma_start3A_68 : memref<1x128xi32, #tpu.memory_space<vmem>> -> memref<128xi32, #tpu.memory_space<vmem>>
      %dma_start3A_70 = arith.constant 0 : i32
      %dma_start3A_71 = tpu.memref_slice %arg7[%dma_start3A_70] : memref<50176xf32, #tpu.memory_space<vmem_shared>> -> memref<50176xf32, #tpu.memory_space<vmem_shared>>
      tpu.enqueue_indirect_dma source(%arg5 : memref<128xf32, #tpu.memory_space<vmem>>) target(%dma_start3A_71 : memref<50176xf32, #tpu.memory_space<vmem_shared>>) offsets(%dma_start3A_69 : memref<128xi32, #tpu.memory_space<vmem>>) semaphore(%arg8 : memref<!tpu.dma_semaphore, #tpu.memory_space<semaphore_mem>>) {add = true}
      %mul3A_72 = arith.constant 8 : i32
      %mul3A_73 = arith.muli %while3A_45, %mul3A_72 : i32
      %add3A_74 = arith.constant 3 : i32
      %add3A_75 = arith.addi %mul3A_73, %add3A_74 : i32
      %dma_start3A_76 = arith.constant 0 : i32
      %dma_start3A_77 = tpu.memref_slice %arg4[%add3A_75, %dma_start3A_76] : memref<200x128xi32, #tpu.memory_space<vmem>> -> memref<1x128xi32, #tpu.memory_space<vmem>>
      %dma_start3A_78 = tpu.memref_squeeze %dma_start3A_77 : memref<1x128xi32, #tpu.memory_space<vmem>> -> memref<128xi32, #tpu.memory_space<vmem>>
      %dma_start3A_79 = arith.constant 0 : i32
      %dma_start3A_80 = tpu.memref_slice %arg7[%dma_start3A_79] : memref<50176xf32, #tpu.memory_space<vmem_shared>> -> memref<50176xf32, #tpu.memory_space<vmem_shared>>
      tpu.enqueue_indirect_dma source(%arg5 : memref<128xf32, #tpu.memory_space<vmem>>) target(%dma_start3A_80 : memref<50176xf32, #tpu.memory_space<vmem_shared>>) offsets(%dma_start3A_78 : memref<128xi32, #tpu.memory_space<vmem>>) semaphore(%arg8 : memref<!tpu.dma_semaphore, #tpu.memory_space<semaphore_mem>>) {add = true}
      %mul3A_81 = arith.constant 8 : i32
      %mul3A_82 = arith.muli %while3A_45, %mul3A_81 : i32
      %add3A_83 = arith.constant 4 : i32
      %add3A_84 = arith.addi %mul3A_82, %add3A_83 : i32
      %dma_start3A_85 = arith.constant 0 : i32
      %dma_start3A_86 = tpu.memref_slice %arg4[%add3A_84, %dma_start3A_85] : memref<200x128xi32, #tpu.memory_space<vmem>> -> memref<1x128xi32, #tpu.memory_space<vmem>>
      %dma_start3A_87 = tpu.memref_squeeze %dma_start3A_86 : memref<1x128xi32, #tpu.memory_space<vmem>> -> memref<128xi32, #tpu.memory_space<vmem>>
      %dma_start3A_88 = arith.constant 0 : i32
      %dma_start3A_89 = tpu.memref_slice %arg7[%dma_start3A_88] : memref<50176xf32, #tpu.memory_space<vmem_shared>> -> memref<50176xf32, #tpu.memory_space<vmem_shared>>
      tpu.enqueue_indirect_dma source(%arg5 : memref<128xf32, #tpu.memory_space<vmem>>) target(%dma_start3A_89 : memref<50176xf32, #tpu.memory_space<vmem_shared>>) offsets(%dma_start3A_87 : memref<128xi32, #tpu.memory_space<vmem>>) semaphore(%arg8 : memref<!tpu.dma_semaphore, #tpu.memory_space<semaphore_mem>>) {add = true}
      %mul3A_90 = arith.constant 8 : i32
      %mul3A_91 = arith.muli %while3A_45, %mul3A_90 : i32
      %add3A_92 = arith.constant 5 : i32
      %add3A_93 = arith.addi %mul3A_91, %add3A_92 : i32
      %dma_start3A_94 = arith.constant 0 : i32
      %dma_start3A_95 = tpu.memref_slice %arg4[%add3A_93, %dma_start3A_94] : memref<200x128xi32, #tpu.memory_space<vmem>> -> memref<1x128xi32, #tpu.memory_space<vmem>>
      %dma_start3A_96 = tpu.memref_squeeze %dma_start3A_95 : memref<1x128xi32, #tpu.memory_space<vmem>> -> memref<128xi32, #tpu.memory_space<vmem>>
      %dma_start3A_97 = arith.constant 0 : i32
      %dma_start3A_98 = tpu.memref_slice %arg7[%dma_start3A_97] : memref<50176xf32, #tpu.memory_space<vmem_shared>> -> memref<50176xf32, #tpu.memory_space<vmem_shared>>
      tpu.enqueue_indirect_dma source(%arg5 : memref<128xf32, #tpu.memory_space<vmem>>) target(%dma_start3A_98 : memref<50176xf32, #tpu.memory_space<vmem_shared>>) offsets(%dma_start3A_96 : memref<128xi32, #tpu.memory_space<vmem>>) semaphore(%arg8 : memref<!tpu.dma_semaphore, #tpu.memory_space<semaphore_mem>>) {add = true}
      %mul3A_99 = arith.constant 8 : i32
      %mul3A_100 = arith.muli %while3A_45, %mul3A_99 : i32
      %add3A_101 = arith.constant 6 : i32
      %add3A_102 = arith.addi %mul3A_100, %add3A_101 : i32
      %dma_start3A_103 = arith.constant 0 : i32
      %dma_start3A_104 = tpu.memref_slice %arg4[%add3A_102, %dma_start3A_103] : memref<200x128xi32, #tpu.memory_space<vmem>> -> memref<1x128xi32, #tpu.memory_space<vmem>>
      %dma_start3A_105 = tpu.memref_squeeze %dma_start3A_104 : memref<1x128xi32, #tpu.memory_space<vmem>> -> memref<128xi32, #tpu.memory_space<vmem>>
      %dma_start3A_106 = arith.constant 0 : i32
      %dma_start3A_107 = tpu.memref_slice %arg7[%dma_start3A_106] : memref<50176xf32, #tpu.memory_space<vmem_shared>> -> memref<50176xf32, #tpu.memory_space<vmem_shared>>
      tpu.enqueue_indirect_dma source(%arg5 : memref<128xf32, #tpu.memory_space<vmem>>) target(%dma_start3A_107 : memref<50176xf32, #tpu.memory_space<vmem_shared>>) offsets(%dma_start3A_105 : memref<128xi32, #tpu.memory_space<vmem>>) semaphore(%arg8 : memref<!tpu.dma_semaphore, #tpu.memory_space<semaphore_mem>>) {add = true}
      %mul3A_108 = arith.constant 8 : i32
      %mul3A_109 = arith.muli %while3A_45, %mul3A_108 : i32
      %add3A_110 = arith.constant 7 : i32
      %add3A_111 = arith.addi %mul3A_109, %add3A_110 : i32
      %dma_start3A_112 = arith.constant 0 : i32
      %dma_start3A_113 = tpu.memref_slice %arg4[%add3A_111, %dma_start3A_112] : memref<200x128xi32, #tpu.memory_space<vmem>> -> memref<1x128xi32, #tpu.memory_space<vmem>>
      %dma_start3A_114 = tpu.memref_squeeze %dma_start3A_113 : memref<1x128xi32, #tpu.memory_space<vmem>> -> memref<128xi32, #tpu.memory_space<vmem>>
      %dma_start3A_115 = arith.constant 0 : i32
      %dma_start3A_116 = tpu.memref_slice %arg7[%dma_start3A_115] : memref<50176xf32, #tpu.memory_space<vmem_shared>> -> memref<50176xf32, #tpu.memory_space<vmem_shared>>
      tpu.enqueue_indirect_dma source(%arg5 : memref<128xf32, #tpu.memory_space<vmem>>) target(%dma_start3A_116 : memref<50176xf32, #tpu.memory_space<vmem_shared>>) offsets(%dma_start3A_114 : memref<128xi32, #tpu.memory_space<vmem>>) semaphore(%arg8 : memref<!tpu.dma_semaphore, #tpu.memory_space<semaphore_mem>>) {add = true}
      %dma_wait3A = arith.constant 0 : i32
      %dma_wait3A_117 = tpu.memref_slice %arg4[%add3A_49, %dma_wait3A] : memref<200x128xi32, #tpu.memory_space<vmem>> -> memref<1x128xi32, #tpu.memory_space<vmem>>
      %dma_wait3A_118 = tpu.memref_squeeze %dma_wait3A_117 : memref<1x128xi32, #tpu.memory_space<vmem>> -> memref<128xi32, #tpu.memory_space<vmem>>
      %dma_wait3A_119 = arith.constant 0 : i32
      %dma_wait3A_120 = tpu.memref_slice %arg7[%dma_wait3A_119] : memref<50176xf32, #tpu.memory_space<vmem_shared>> -> memref<50176xf32, #tpu.memory_space<vmem_shared>>
      tpu.wait_indirect_dma semaphore(%arg8 : memref<!tpu.dma_semaphore, #tpu.memory_space<semaphore_mem>>) src(%arg5 : memref<128xf32, #tpu.memory_space<vmem>>) dst(%dma_wait3A_120 : memref<50176xf32, #tpu.memory_space<vmem_shared>>)
      %dma_wait3A_121 = arith.constant 0 : i32
      %dma_wait3A_122 = tpu.memref_slice %arg4[%add3A_57, %dma_wait3A_121] : memref<200x128xi32, #tpu.memory_space<vmem>> -> memref<1x128xi32, #tpu.memory_space<vmem>>
      %dma_wait3A_123 = tpu.memref_squeeze %dma_wait3A_122 : memref<1x128xi32, #tpu.memory_space<vmem>> -> memref<128xi32, #tpu.memory_space<vmem>>
      %dma_wait3A_124 = arith.constant 0 : i32
      %dma_wait3A_125 = tpu.memref_slice %arg7[%dma_wait3A_124] : memref<50176xf32, #tpu.memory_space<vmem_shared>> -> memref<50176xf32, #tpu.memory_space<vmem_shared>>
      tpu.wait_indirect_dma semaphore(%arg8 : memref<!tpu.dma_semaphore, #tpu.memory_space<semaphore_mem>>) src(%arg5 : memref<128xf32, #tpu.memory_space<vmem>>) dst(%dma_wait3A_125 : memref<50176xf32, #tpu.memory_space<vmem_shared>>)
      %dma_wait3A_126 = arith.constant 0 : i32
      %dma_wait3A_127 = tpu.memref_slice %arg4[%add3A_66, %dma_wait3A_126] : memref<200x128xi32, #tpu.memory_space<vmem>> -> memref<1x128xi32, #tpu.memory_space<vmem>>
      %dma_wait3A_128 = tpu.memref_squeeze %dma_wait3A_127 : memref<1x128xi32, #tpu.memory_space<vmem>> -> memref<128xi32, #tpu.memory_space<vmem>>
      %dma_wait3A_129 = arith.constant 0 : i32
      %dma_wait3A_130 = tpu.memref_slice %arg7[%dma_wait3A_129] : memref<50176xf32, #tpu.memory_space<vmem_shared>> -> memref<50176xf32, #tpu.memory_space<vmem_shared>>
      tpu.wait_indirect_dma semaphore(%arg8 : memref<!tpu.dma_semaphore, #tpu.memory_space<semaphore_mem>>) src(%arg5 : memref<128xf32, #tpu.memory_space<vmem>>) dst(%dma_wait3A_130 : memref<50176xf32, #tpu.memory_space<vmem_shared>>)
      %dma_wait3A_131 = arith.constant 0 : i32
      %dma_wait3A_132 = tpu.memref_slice %arg4[%add3A_75, %dma_wait3A_131] : memref<200x128xi32, #tpu.memory_space<vmem>> -> memref<1x128xi32, #tpu.memory_space<vmem>>
      %dma_wait3A_133 = tpu.memref_squeeze %dma_wait3A_132 : memref<1x128xi32, #tpu.memory_space<vmem>> -> memref<128xi32, #tpu.memory_space<vmem>>
      %dma_wait3A_134 = arith.constant 0 : i32
      %dma_wait3A_135 = tpu.memref_slice %arg7[%dma_wait3A_134] : memref<50176xf32, #tpu.memory_space<vmem_shared>> -> memref<50176xf32, #tpu.memory_space<vmem_shared>>
      tpu.wait_indirect_dma semaphore(%arg8 : memref<!tpu.dma_semaphore, #tpu.memory_space<semaphore_mem>>) src(%arg5 : memref<128xf32, #tpu.memory_space<vmem>>) dst(%dma_wait3A_135 : memref<50176xf32, #tpu.memory_space<vmem_shared>>)
      %dma_wait3A_136 = arith.constant 0 : i32
      %dma_wait3A_137 = tpu.memref_slice %arg4[%add3A_84, %dma_wait3A_136] : memref<200x128xi32, #tpu.memory_space<vmem>> -> memref<1x128xi32, #tpu.memory_space<vmem>>
      %dma_wait3A_138 = tpu.memref_squeeze %dma_wait3A_137 : memref<1x128xi32, #tpu.memory_space<vmem>> -> memref<128xi32, #tpu.memory_space<vmem>>
      %dma_wait3A_139 = arith.constant 0 : i32
      %dma_wait3A_140 = tpu.memref_slice %arg7[%dma_wait3A_139] : memref<50176xf32, #tpu.memory_space<vmem_shared>> -> memref<50176xf32, #tpu.memory_space<vmem_shared>>
      tpu.wait_indirect_dma semaphore(%arg8 : memref<!tpu.dma_semaphore, #tpu.memory_space<semaphore_mem>>) src(%arg5 : memref<128xf32, #tpu.memory_space<vmem>>) dst(%dma_wait3A_140 : memref<50176xf32, #tpu.memory_space<vmem_shared>>)
      %dma_wait3A_141 = arith.constant 0 : i32
      %dma_wait3A_142 = tpu.memref_slice %arg4[%add3A_93, %dma_wait3A_141] : memref<200x128xi32, #tpu.memory_space<vmem>> -> memref<1x128xi32, #tpu.memory_space<vmem>>
      %dma_wait3A_143 = tpu.memref_squeeze %dma_wait3A_142 : memref<1x128xi32, #tpu.memory_space<vmem>> -> memref<128xi32, #tpu.memory_space<vmem>>
      %dma_wait3A_144 = arith.constant 0 : i32
      %dma_wait3A_145 = tpu.memref_slice %arg7[%dma_wait3A_144] : memref<50176xf32, #tpu.memory_space<vmem_shared>> -> memref<50176xf32, #tpu.memory_space<vmem_shared>>
      tpu.wait_indirect_dma semaphore(%arg8 : memref<!tpu.dma_semaphore, #tpu.memory_space<semaphore_mem>>) src(%arg5 : memref<128xf32, #tpu.memory_space<vmem>>) dst(%dma_wait3A_145 : memref<50176xf32, #tpu.memory_space<vmem_shared>>)
      %dma_wait3A_146 = arith.constant 0 : i32
      %dma_wait3A_147 = tpu.memref_slice %arg4[%add3A_102, %dma_wait3A_146] : memref<200x128xi32, #tpu.memory_space<vmem>> -> memref<1x128xi32, #tpu.memory_space<vmem>>
      %dma_wait3A_148 = tpu.memref_squeeze %dma_wait3A_147 : memref<1x128xi32, #tpu.memory_space<vmem>> -> memref<128xi32, #tpu.memory_space<vmem>>
      %dma_wait3A_149 = arith.constant 0 : i32
      %dma_wait3A_150 = tpu.memref_slice %arg7[%dma_wait3A_149] : memref<50176xf32, #tpu.memory_space<vmem_shared>> -> memref<50176xf32, #tpu.memory_space<vmem_shared>>
      tpu.wait_indirect_dma semaphore(%arg8 : memref<!tpu.dma_semaphore, #tpu.memory_space<semaphore_mem>>) src(%arg5 : memref<128xf32, #tpu.memory_space<vmem>>) dst(%dma_wait3A_150 : memref<50176xf32, #tpu.memory_space<vmem_shared>>)
      %dma_wait3A_151 = arith.constant 0 : i32
      %dma_wait3A_152 = tpu.memref_slice %arg4[%add3A_111, %dma_wait3A_151] : memref<200x128xi32, #tpu.memory_space<vmem>> -> memref<1x128xi32, #tpu.memory_space<vmem>>
      %dma_wait3A_153 = tpu.memref_squeeze %dma_wait3A_152 : memref<1x128xi32, #tpu.memory_space<vmem>> -> memref<128xi32, #tpu.memory_space<vmem>>
      %dma_wait3A_154 = arith.constant 0 : i32
      %dma_wait3A_155 = tpu.memref_slice %arg7[%dma_wait3A_154] : memref<50176xf32, #tpu.memory_space<vmem_shared>> -> memref<50176xf32, #tpu.memory_space<vmem_shared>>
      tpu.wait_indirect_dma semaphore(%arg8 : memref<!tpu.dma_semaphore, #tpu.memory_space<semaphore_mem>>) src(%arg5 : memref<128xf32, #tpu.memory_space<vmem>>) dst(%dma_wait3A_155 : memref<50176xf32, #tpu.memory_space<vmem_shared>>)
    }
    %while3A_31 = arith.constant 1 : i32
    scf.for %while3A_45 = %while3A_29 to %while3A_25 step %while3A_31  : i32 {
      %mul3A_46 = arith.constant 8 : i32
      %mul3A_47 = arith.muli %while3A_45, %mul3A_46 : i32
      %add3A_48 = arith.constant 0 : i32
      %add3A_49 = arith.addi %mul3A_47, %add3A_48 : i32
      %dma_start3A = arith.constant 0 : i32
      %dma_start3A_50 = tpu.memref_slice %arg4[%add3A_49, %dma_start3A] : memref<200x128xi32, #tpu.memory_space<vmem>> -> memref<1x128xi32, #tpu.memory_space<vmem>>
      %dma_start3A_51 = tpu.memref_squeeze %dma_start3A_50 : memref<1x128xi32, #tpu.memory_space<vmem>> -> memref<128xi32, #tpu.memory_space<vmem>>
      %dma_start3A_52 = arith.constant 0 : i32
      %dma_start3A_53 = tpu.memref_slice %arg7[%dma_start3A_52] : memref<50176xf32, #tpu.memory_space<vmem_shared>> -> memref<50176xf32, #tpu.memory_space<vmem_shared>>
      tpu.enqueue_indirect_dma source(%arg5 : memref<128xf32, #tpu.memory_space<vmem>>) target(%dma_start3A_53 : memref<50176xf32, #tpu.memory_space<vmem_shared>>) offsets(%dma_start3A_51 : memref<128xi32, #tpu.memory_space<vmem>>) semaphore(%arg8 : memref<!tpu.dma_semaphore, #tpu.memory_space<semaphore_mem>>) {add = true}
      %mul3A_54 = arith.constant 8 : i32
      %mul3A_55 = arith.muli %while3A_45, %mul3A_54 : i32
      %add3A_56 = arith.constant 1 : i32
      %add3A_57 = arith.addi %mul3A_55, %add3A_56 : i32
      %dma_start3A_58 = arith.constant 0 : i32
      %dma_start3A_59 = tpu.memref_slice %arg4[%add3A_57, %dma_start3A_58] : memref<200x128xi32, #tpu.memory_space<vmem>> -> memref<1x128xi32, #tpu.memory_space<vmem>>
      %dma_start3A_60 = tpu.memref_squeeze %dma_start3A_59 : memref<1x128xi32, #tpu.memory_space<vmem>> -> memref<128xi32, #tpu.memory_space<vmem>>
      %dma_start3A_61 = arith.constant 0 : i32
      %dma_start3A_62 = tpu.memref_slice %arg7[%dma_start3A_61] : memref<50176xf32, #tpu.memory_space<vmem_shared>> -> memref<50176xf32, #tpu.memory_space<vmem_shared>>
      tpu.enqueue_indirect_dma source(%arg5 : memref<128xf32, #tpu.memory_space<vmem>>) target(%dma_start3A_62 : memref<50176xf32, #tpu.memory_space<vmem_shared>>) offsets(%dma_start3A_60 : memref<128xi32, #tpu.memory_space<vmem>>) semaphore(%arg8 : memref<!tpu.dma_semaphore, #tpu.memory_space<semaphore_mem>>) {add = true}
      %mul3A_63 = arith.constant 8 : i32
      %mul3A_64 = arith.muli %while3A_45, %mul3A_63 : i32
      %add3A_65 = arith.constant 2 : i32
      %add3A_66 = arith.addi %mul3A_64, %add3A_65 : i32
      %dma_start3A_67 = arith.constant 0 : i32
      %dma_start3A_68 = tpu.memref_slice %arg4[%add3A_66, %dma_start3A_67] : memref<200x128xi32, #tpu.memory_space<vmem>> -> memref<1x128xi32, #tpu.memory_space<vmem>>
      %dma_start3A_69 = tpu.memref_squeeze %dma_start3A_68 : memref<1x128xi32, #tpu.memory_space<vmem>> -> memref<128xi32, #tpu.memory_space<vmem>>
      %dma_start3A_70 = arith.constant 0 : i32
      %dma_start3A_71 = tpu.memref_slice %arg7[%dma_start3A_70] : memref<50176xf32, #tpu.memory_space<vmem_shared>> -> memref<50176xf32, #tpu.memory_space<vmem_shared>>
      tpu.enqueue_indirect_dma source(%arg5 : memref<128xf32, #tpu.memory_space<vmem>>) target(%dma_start3A_71 : memref<50176xf32, #tpu.memory_space<vmem_shared>>) offsets(%dma_start3A_69 : memref<128xi32, #tpu.memory_space<vmem>>) semaphore(%arg8 : memref<!tpu.dma_semaphore, #tpu.memory_space<semaphore_mem>>) {add = true}
      %mul3A_72 = arith.constant 8 : i32
      %mul3A_73 = arith.muli %while3A_45, %mul3A_72 : i32
      %add3A_74 = arith.constant 3 : i32
      %add3A_75 = arith.addi %mul3A_73, %add3A_74 : i32
      %dma_start3A_76 = arith.constant 0 : i32
      %dma_start3A_77 = tpu.memref_slice %arg4[%add3A_75, %dma_start3A_76] : memref<200x128xi32, #tpu.memory_space<vmem>> -> memref<1x128xi32, #tpu.memory_space<vmem>>
      %dma_start3A_78 = tpu.memref_squeeze %dma_start3A_77 : memref<1x128xi32, #tpu.memory_space<vmem>> -> memref<128xi32, #tpu.memory_space<vmem>>
      %dma_start3A_79 = arith.constant 0 : i32
      %dma_start3A_80 = tpu.memref_slice %arg7[%dma_start3A_79] : memref<50176xf32, #tpu.memory_space<vmem_shared>> -> memref<50176xf32, #tpu.memory_space<vmem_shared>>
      tpu.enqueue_indirect_dma source(%arg5 : memref<128xf32, #tpu.memory_space<vmem>>) target(%dma_start3A_80 : memref<50176xf32, #tpu.memory_space<vmem_shared>>) offsets(%dma_start3A_78 : memref<128xi32, #tpu.memory_space<vmem>>) semaphore(%arg8 : memref<!tpu.dma_semaphore, #tpu.memory_space<semaphore_mem>>) {add = true}
      %mul3A_81 = arith.constant 8 : i32
      %mul3A_82 = arith.muli %while3A_45, %mul3A_81 : i32
      %add3A_83 = arith.constant 4 : i32
      %add3A_84 = arith.addi %mul3A_82, %add3A_83 : i32
      %dma_start3A_85 = arith.constant 0 : i32
      %dma_start3A_86 = tpu.memref_slice %arg4[%add3A_84, %dma_start3A_85] : memref<200x128xi32, #tpu.memory_space<vmem>> -> memref<1x128xi32, #tpu.memory_space<vmem>>
      %dma_start3A_87 = tpu.memref_squeeze %dma_start3A_86 : memref<1x128xi32, #tpu.memory_space<vmem>> -> memref<128xi32, #tpu.memory_space<vmem>>
      %dma_start3A_88 = arith.constant 0 : i32
      %dma_start3A_89 = tpu.memref_slice %arg7[%dma_start3A_88] : memref<50176xf32, #tpu.memory_space<vmem_shared>> -> memref<50176xf32, #tpu.memory_space<vmem_shared>>
      tpu.enqueue_indirect_dma source(%arg5 : memref<128xf32, #tpu.memory_space<vmem>>) target(%dma_start3A_89 : memref<50176xf32, #tpu.memory_space<vmem_shared>>) offsets(%dma_start3A_87 : memref<128xi32, #tpu.memory_space<vmem>>) semaphore(%arg8 : memref<!tpu.dma_semaphore, #tpu.memory_space<semaphore_mem>>) {add = true}
      %mul3A_90 = arith.constant 8 : i32
      %mul3A_91 = arith.muli %while3A_45, %mul3A_90 : i32
      %add3A_92 = arith.constant 5 : i32
      %add3A_93 = arith.addi %mul3A_91, %add3A_92 : i32
      %dma_start3A_94 = arith.constant 0 : i32
      %dma_start3A_95 = tpu.memref_slice %arg4[%add3A_93, %dma_start3A_94] : memref<200x128xi32, #tpu.memory_space<vmem>> -> memref<1x128xi32, #tpu.memory_space<vmem>>
      %dma_start3A_96 = tpu.memref_squeeze %dma_start3A_95 : memref<1x128xi32, #tpu.memory_space<vmem>> -> memref<128xi32, #tpu.memory_space<vmem>>
      %dma_start3A_97 = arith.constant 0 : i32
      %dma_start3A_98 = tpu.memref_slice %arg7[%dma_start3A_97] : memref<50176xf32, #tpu.memory_space<vmem_shared>> -> memref<50176xf32, #tpu.memory_space<vmem_shared>>
      tpu.enqueue_indirect_dma source(%arg5 : memref<128xf32, #tpu.memory_space<vmem>>) target(%dma_start3A_98 : memref<50176xf32, #tpu.memory_space<vmem_shared>>) offsets(%dma_start3A_96 : memref<128xi32, #tpu.memory_space<vmem>>) semaphore(%arg8 : memref<!tpu.dma_semaphore, #tpu.memory_space<semaphore_mem>>) {add = true}
      %mul3A_99 = arith.constant 8 : i32
      %mul3A_100 = arith.muli %while3A_45, %mul3A_99 : i32
      %add3A_101 = arith.constant 6 : i32
      %add3A_102 = arith.addi %mul3A_100, %add3A_101 : i32
      %dma_start3A_103 = arith.constant 0 : i32
      %dma_start3A_104 = tpu.memref_slice %arg4[%add3A_102, %dma_start3A_103] : memref<200x128xi32, #tpu.memory_space<vmem>> -> memref<1x128xi32, #tpu.memory_space<vmem>>
      %dma_start3A_105 = tpu.memref_squeeze %dma_start3A_104 : memref<1x128xi32, #tpu.memory_space<vmem>> -> memref<128xi32, #tpu.memory_space<vmem>>
      %dma_start3A_106 = arith.constant 0 : i32
      %dma_start3A_107 = tpu.memref_slice %arg7[%dma_start3A_106] : memref<50176xf32, #tpu.memory_space<vmem_shared>> -> memref<50176xf32, #tpu.memory_space<vmem_shared>>
      tpu.enqueue_indirect_dma source(%arg5 : memref<128xf32, #tpu.memory_space<vmem>>) target(%dma_start3A_107 : memref<50176xf32, #tpu.memory_space<vmem_shared>>) offsets(%dma_start3A_105 : memref<128xi32, #tpu.memory_space<vmem>>) semaphore(%arg8 : memref<!tpu.dma_semaphore, #tpu.memory_space<semaphore_mem>>) {add = true}
      %mul3A_108 = arith.constant 8 : i32
      %mul3A_109 = arith.muli %while3A_45, %mul3A_108 : i32
      %add3A_110 = arith.constant 7 : i32
      %add3A_111 = arith.addi %mul3A_109, %add3A_110 : i32
      %dma_start3A_112 = arith.constant 0 : i32
      %dma_start3A_113 = tpu.memref_slice %arg4[%add3A_111, %dma_start3A_112] : memref<200x128xi32, #tpu.memory_space<vmem>> -> memref<1x128xi32, #tpu.memory_space<vmem>>
      %dma_start3A_114 = tpu.memref_squeeze %dma_start3A_113 : memref<1x128xi32, #tpu.memory_space<vmem>> -> memref<128xi32, #tpu.memory_space<vmem>>
      %dma_start3A_115 = arith.constant 0 : i32
      %dma_start3A_116 = tpu.memref_slice %arg7[%dma_start3A_115] : memref<50176xf32, #tpu.memory_space<vmem_shared>> -> memref<50176xf32, #tpu.memory_space<vmem_shared>>
      tpu.enqueue_indirect_dma source(%arg5 : memref<128xf32, #tpu.memory_space<vmem>>) target(%dma_start3A_116 : memref<50176xf32, #tpu.memory_space<vmem_shared>>) offsets(%dma_start3A_114 : memref<128xi32, #tpu.memory_space<vmem>>) semaphore(%arg8 : memref<!tpu.dma_semaphore, #tpu.memory_space<semaphore_mem>>) {add = true}
      %dma_wait3A = arith.constant 0 : i32
      %dma_wait3A_117 = tpu.memref_slice %arg4[%add3A_49, %dma_wait3A] : memref<200x128xi32, #tpu.memory_space<vmem>> -> memref<1x128xi32, #tpu.memory_space<vmem>>
      %dma_wait3A_118 = tpu.memref_squeeze %dma_wait3A_117 : memref<1x128xi32, #tpu.memory_space<vmem>> -> memref<128xi32, #tpu.memory_space<vmem>>
      %dma_wait3A_119 = arith.constant 0 : i32
      %dma_wait3A_120 = tpu.memref_slice %arg7[%dma_wait3A_119] : memref<50176xf32, #tpu.memory_space<vmem_shared>> -> memref<50176xf32, #tpu.memory_space<vmem_shared>>
      tpu.wait_indirect_dma semaphore(%arg8 : memref<!tpu.dma_semaphore, #tpu.memory_space<semaphore_mem>>) src(%arg5 : memref<128xf32, #tpu.memory_space<vmem>>) dst(%dma_wait3A_120 : memref<50176xf32, #tpu.memory_space<vmem_shared>>)
      %dma_wait3A_121 = arith.constant 0 : i32
      %dma_wait3A_122 = tpu.memref_slice %arg4[%add3A_57, %dma_wait3A_121] : memref<200x128xi32, #tpu.memory_space<vmem>> -> memref<1x128xi32, #tpu.memory_space<vmem>>
      %dma_wait3A_123 = tpu.memref_squeeze %dma_wait3A_122 : memref<1x128xi32, #tpu.memory_space<vmem>> -> memref<128xi32, #tpu.memory_space<vmem>>
      %dma_wait3A_124 = arith.constant 0 : i32
      %dma_wait3A_125 = tpu.memref_slice %arg7[%dma_wait3A_124] : memref<50176xf32, #tpu.memory_space<vmem_shared>> -> memref<50176xf32, #tpu.memory_space<vmem_shared>>
      tpu.wait_indirect_dma semaphore(%arg8 : memref<!tpu.dma_semaphore, #tpu.memory_space<semaphore_mem>>) src(%arg5 : memref<128xf32, #tpu.memory_space<vmem>>) dst(%dma_wait3A_125 : memref<50176xf32, #tpu.memory_space<vmem_shared>>)
      %dma_wait3A_126 = arith.constant 0 : i32
      %dma_wait3A_127 = tpu.memref_slice %arg4[%add3A_66, %dma_wait3A_126] : memref<200x128xi32, #tpu.memory_space<vmem>> -> memref<1x128xi32, #tpu.memory_space<vmem>>
      %dma_wait3A_128 = tpu.memref_squeeze %dma_wait3A_127 : memref<1x128xi32, #tpu.memory_space<vmem>> -> memref<128xi32, #tpu.memory_space<vmem>>
      %dma_wait3A_129 = arith.constant 0 : i32
      %dma_wait3A_130 = tpu.memref_slice %arg7[%dma_wait3A_129] : memref<50176xf32, #tpu.memory_space<vmem_shared>> -> memref<50176xf32, #tpu.memory_space<vmem_shared>>
      tpu.wait_indirect_dma semaphore(%arg8 : memref<!tpu.dma_semaphore, #tpu.memory_space<semaphore_mem>>) src(%arg5 : memref<128xf32, #tpu.memory_space<vmem>>) dst(%dma_wait3A_130 : memref<50176xf32, #tpu.memory_space<vmem_shared>>)
      %dma_wait3A_131 = arith.constant 0 : i32
      %dma_wait3A_132 = tpu.memref_slice %arg4[%add3A_75, %dma_wait3A_131] : memref<200x128xi32, #tpu.memory_space<vmem>> -> memref<1x128xi32, #tpu.memory_space<vmem>>
      %dma_wait3A_133 = tpu.memref_squeeze %dma_wait3A_132 : memref<1x128xi32, #tpu.memory_space<vmem>> -> memref<128xi32, #tpu.memory_space<vmem>>
      %dma_wait3A_134 = arith.constant 0 : i32
      %dma_wait3A_135 = tpu.memref_slice %arg7[%dma_wait3A_134] : memref<50176xf32, #tpu.memory_space<vmem_shared>> -> memref<50176xf32, #tpu.memory_space<vmem_shared>>
      tpu.wait_indirect_dma semaphore(%arg8 : memref<!tpu.dma_semaphore, #tpu.memory_space<semaphore_mem>>) src(%arg5 : memref<128xf32, #tpu.memory_space<vmem>>) dst(%dma_wait3A_135 : memref<50176xf32, #tpu.memory_space<vmem_shared>>)
      %dma_wait3A_136 = arith.constant 0 : i32
      %dma_wait3A_137 = tpu.memref_slice %arg4[%add3A_84, %dma_wait3A_136] : memref<200x128xi32, #tpu.memory_space<vmem>> -> memref<1x128xi32, #tpu.memory_space<vmem>>
      %dma_wait3A_138 = tpu.memref_squeeze %dma_wait3A_137 : memref<1x128xi32, #tpu.memory_space<vmem>> -> memref<128xi32, #tpu.memory_space<vmem>>
      %dma_wait3A_139 = arith.constant 0 : i32
      %dma_wait3A_140 = tpu.memref_slice %arg7[%dma_wait3A_139] : memref<50176xf32, #tpu.memory_space<vmem_shared>> -> memref<50176xf32, #tpu.memory_space<vmem_shared>>
      tpu.wait_indirect_dma semaphore(%arg8 : memref<!tpu.dma_semaphore, #tpu.memory_space<semaphore_mem>>) src(%arg5 : memref<128xf32, #tpu.memory_space<vmem>>) dst(%dma_wait3A_140 : memref<50176xf32, #tpu.memory_space<vmem_shared>>)
      %dma_wait3A_141 = arith.constant 0 : i32
      %dma_wait3A_142 = tpu.memref_slice %arg4[%add3A_93, %dma_wait3A_141] : memref<200x128xi32, #tpu.memory_space<vmem>> -> memref<1x128xi32, #tpu.memory_space<vmem>>
      %dma_wait3A_143 = tpu.memref_squeeze %dma_wait3A_142 : memref<1x128xi32, #tpu.memory_space<vmem>> -> memref<128xi32, #tpu.memory_space<vmem>>
      %dma_wait3A_144 = arith.constant 0 : i32
      %dma_wait3A_145 = tpu.memref_slice %arg7[%dma_wait3A_144] : memref<50176xf32, #tpu.memory_space<vmem_shared>> -> memref<50176xf32, #tpu.memory_space<vmem_shared>>
      tpu.wait_indirect_dma semaphore(%arg8 : memref<!tpu.dma_semaphore, #tpu.memory_space<semaphore_mem>>) src(%arg5 : memref<128xf32, #tpu.memory_space<vmem>>) dst(%dma_wait3A_145 : memref<50176xf32, #tpu.memory_space<vmem_shared>>)
      %dma_wait3A_146 = arith.constant 0 : i32
      %dma_wait3A_147 = tpu.memref_slice %arg4[%add3A_102, %dma_wait3A_146] : memref<200x128xi32, #tpu.memory_space<vmem>> -> memref<1x128xi32, #tpu.memory_space<vmem>>
      %dma_wait3A_148 = tpu.memref_squeeze %dma_wait3A_147 : memref<1x128xi32, #tpu.memory_space<vmem>> -> memref<128xi32, #tpu.memory_space<vmem>>
      %dma_wait3A_149 = arith.constant 0 : i32
      %dma_wait3A_150 = tpu.memref_slice %arg7[%dma_wait3A_149] : memref<50176xf32, #tpu.memory_space<vmem_shared>> -> memref<50176xf32, #tpu.memory_space<vmem_shared>>
      tpu.wait_indirect_dma semaphore(%arg8 : memref<!tpu.dma_semaphore, #tpu.memory_space<semaphore_mem>>) src(%arg5 : memref<128xf32, #tpu.memory_space<vmem>>) dst(%dma_wait3A_150 : memref<50176xf32, #tpu.memory_space<vmem_shared>>)
      %dma_wait3A_151 = arith.constant 0 : i32
      %dma_wait3A_152 = tpu.memref_slice %arg4[%add3A_111, %dma_wait3A_151] : memref<200x128xi32, #tpu.memory_space<vmem>> -> memref<1x128xi32, #tpu.memory_space<vmem>>
      %dma_wait3A_153 = tpu.memref_squeeze %dma_wait3A_152 : memref<1x128xi32, #tpu.memory_space<vmem>> -> memref<128xi32, #tpu.memory_space<vmem>>
      %dma_wait3A_154 = arith.constant 0 : i32
      %dma_wait3A_155 = tpu.memref_slice %arg7[%dma_wait3A_154] : memref<50176xf32, #tpu.memory_space<vmem_shared>> -> memref<50176xf32, #tpu.memory_space<vmem_shared>>
      tpu.wait_indirect_dma semaphore(%arg8 : memref<!tpu.dma_semaphore, #tpu.memory_space<semaphore_mem>>) src(%arg5 : memref<128xf32, #tpu.memory_space<vmem>>) dst(%dma_wait3A_155 : memref<50176xf32, #tpu.memory_space<vmem_shared>>)
    }
    %eq3A_32 = arith.constant 31 : i32
    %eq3A_33 = arith.cmpi eq, %add3A, %eq3A_32 : i32
    %convert_element_type3A_34 = arith.extui %eq3A_33 : i1 to i32
    %cond3A_35 = arith.constant 0 : i32
    %cond3A_36 = arith.cmpi ne, %convert_element_type3A_34, %cond3A_35 : i32
    scf.if %cond3A_36 {
      %dma_start3A = arith.constant 48 : i32
      %dma_start3A_45 = arith.constant 0 : i32
      %dma_start3A_46 = tpu.memref_slice %arg4[%dma_start3A, %dma_start3A_45] : memref<200x128xi32, #tpu.memory_space<vmem>> -> memref<1x128xi32, #tpu.memory_space<vmem>>
      %dma_start3A_47 = tpu.memref_squeeze %dma_start3A_46 : memref<1x128xi32, #tpu.memory_space<vmem>> -> memref<128xi32, #tpu.memory_space<vmem>>
      %dma_start3A_48 = arith.constant 0 : i32
      %dma_start3A_49 = tpu.memref_slice %arg7[%dma_start3A_48] : memref<50176xf32, #tpu.memory_space<vmem_shared>> -> memref<50176xf32, #tpu.memory_space<vmem_shared>>
      tpu.enqueue_indirect_dma source(%arg5 : memref<128xf32, #tpu.memory_space<vmem>>) target(%dma_start3A_49 : memref<50176xf32, #tpu.memory_space<vmem_shared>>) offsets(%dma_start3A_47 : memref<128xi32, #tpu.memory_space<vmem>>) semaphore(%arg8 : memref<!tpu.dma_semaphore, #tpu.memory_space<semaphore_mem>>) {add = true}
      %dma_start3A_50 = arith.constant 49 : i32
      %dma_start3A_51 = arith.constant 0 : i32
      %dma_start3A_52 = tpu.memref_slice %arg4[%dma_start3A_50, %dma_start3A_51] : memref<200x128xi32, #tpu.memory_space<vmem>> -> memref<1x128xi32, #tpu.memory_space<vmem>>
      %dma_start3A_53 = tpu.memref_squeeze %dma_start3A_52 : memref<1x128xi32, #tpu.memory_space<vmem>> -> memref<128xi32, #tpu.memory_space<vmem>>
      %dma_start3A_54 = arith.constant 0 : i32
      %dma_start3A_55 = tpu.memref_slice %arg7[%dma_start3A_54] : memref<50176xf32, #tpu.memory_space<vmem_shared>> -> memref<50176xf32, #tpu.memory_space<vmem_shared>>
      tpu.enqueue_indirect_dma source(%arg5 : memref<128xf32, #tpu.memory_space<vmem>>) target(%dma_start3A_55 : memref<50176xf32, #tpu.memory_space<vmem_shared>>) offsets(%dma_start3A_53 : memref<128xi32, #tpu.memory_space<vmem>>) semaphore(%arg8 : memref<!tpu.dma_semaphore, #tpu.memory_space<semaphore_mem>>) {add = true}
      %dma_wait3A = arith.constant 48 : i32
      %dma_wait3A_56 = arith.constant 0 : i32
      %dma_wait3A_57 = tpu.memref_slice %arg4[%dma_wait3A, %dma_wait3A_56] : memref<200x128xi32, #tpu.memory_space<vmem>> -> memref<1x128xi32, #tpu.memory_space<vmem>>
      %dma_wait3A_58 = tpu.memref_squeeze %dma_wait3A_57 : memref<1x128xi32, #tpu.memory_space<vmem>> -> memref<128xi32, #tpu.memory_space<vmem>>
      %dma_wait3A_59 = arith.constant 0 : i32
      %dma_wait3A_60 = tpu.memref_slice %arg7[%dma_wait3A_59] : memref<50176xf32, #tpu.memory_space<vmem_shared>> -> memref<50176xf32, #tpu.memory_space<vmem_shared>>
      tpu.wait_indirect_dma semaphore(%arg8 : memref<!tpu.dma_semaphore, #tpu.memory_space<semaphore_mem>>) src(%arg5 : memref<128xf32, #tpu.memory_space<vmem>>) dst(%dma_wait3A_60 : memref<50176xf32, #tpu.memory_space<vmem_shared>>)
      %dma_wait3A_61 = arith.constant 49 : i32
      %dma_wait3A_62 = arith.constant 0 : i32
      %dma_wait3A_63 = tpu.memref_slice %arg4[%dma_wait3A_61, %dma_wait3A_62] : memref<200x128xi32, #tpu.memory_space<vmem>> -> memref<1x128xi32, #tpu.memory_space<vmem>>
      %dma_wait3A_64 = tpu.memref_squeeze %dma_wait3A_63 : memref<1x128xi32, #tpu.memory_space<vmem>> -> memref<128xi32, #tpu.memory_space<vmem>>
      %dma_wait3A_65 = arith.constant 0 : i32
      %dma_wait3A_66 = tpu.memref_slice %arg7[%dma_wait3A_65] : memref<50176xf32, #tpu.memory_space<vmem_shared>> -> memref<50176xf32, #tpu.memory_space<vmem_shared>>
      tpu.wait_indirect_dma semaphore(%arg8 : memref<!tpu.dma_semaphore, #tpu.memory_space<semaphore_mem>>) src(%arg5 : memref<128xf32, #tpu.memory_space<vmem>>) dst(%dma_wait3A_66 : memref<50176xf32, #tpu.memory_space<vmem_shared>>)
    } else {
    }
    %barrier3A_37 = arith.constant 0 : index
    tpu.barrier barrier_id(%barrier3A_37)
    %mul3A_38 = arith.constant 3136 : i32
    %mul3A_39 = arith.muli %arg1, %mul3A_38 : i32
    "tpu.region"() ({
      %run_scoped3A = tpu.sem_alloc : memref<!tpu.dma_semaphore, #tpu.memory_space<semaphore_mem>>
      %dma_start3A = tpu.memref_slice %arg7[%mul3A_39] : memref<50176xf32, #tpu.memory_space<vmem_shared>> -> memref<3136xf32, #tpu.memory_space<vmem_shared>>
      %dma_start3A_45 = tpu.memref_slice %arg7[%mul3A_39] : memref<50176xf32, #tpu.memory_space<vmem_shared>> -> memref<3136xf32, #tpu.memory_space<vmem_shared>>
      tpu.enqueue_dma source(%dma_start3A_45 : memref<3136xf32, #tpu.memory_space<vmem_shared>>) target(%arg6 : memref<3136xf32, #tpu.memory_space<vmem>>) target_semaphore(%run_scoped3A : memref<!tpu.dma_semaphore, #tpu.memory_space<semaphore_mem>>)
      %dma_wait3A = tpu.memref_slice %arg7[%mul3A_39] : memref<50176xf32, #tpu.memory_space<vmem_shared>> -> memref<3136xf32, #tpu.memory_space<vmem_shared>>
      %dma_wait3A_46 = tpu.memref_slice %arg7[%mul3A_39] : memref<50176xf32, #tpu.memory_space<vmem_shared>> -> memref<3136xf32, #tpu.memory_space<vmem_shared>>
      tpu.wait_dma2 semaphore(%run_scoped3A : memref<!tpu.dma_semaphore, #tpu.memory_space<semaphore_mem>>) src(%dma_wait3A_46 : memref<3136xf32, #tpu.memory_space<vmem_shared>>) dst(%arg6 : memref<3136xf32, #tpu.memory_space<vmem>>)
      tpu.yield
    }) : () -> ()
    %mul3A_40 = arith.constant 50176 : i32
    %mul3A_41 = arith.muli %arg0, %mul3A_40 : i32
    %mul3A_42 = arith.constant 3136 : i32
    %mul3A_43 = arith.muli %arg1, %mul3A_42 : i32
    %add3A_44 = arith.addi %mul3A_41, %mul3A_43 : i32
    "tpu.region"() ({
      %run_scoped3A = tpu.sem_alloc : memref<!tpu.dma_semaphore, #tpu.memory_space<semaphore_mem>>
      %dma_start3A = tpu.memref_slice %arg3[%add3A_44] : memref<100352xf32, #tpu.memory_space<hbm>> -> memref<3136xf32, #tpu.memory_space<hbm>>
      %dma_start3A_45 = tpu.memref_slice %arg3[%add3A_44] : memref<100352xf32, #tpu.memory_space<hbm>> -> memref<3136xf32, #tpu.memory_space<hbm>>
      tpu.enqueue_dma source(%arg6 : memref<3136xf32, #tpu.memory_space<vmem>>) target(%dma_start3A_45 : memref<3136xf32, #tpu.memory_space<hbm>>) target_semaphore(%run_scoped3A : memref<!tpu.dma_semaphore, #tpu.memory_space<semaphore_mem>>)
      %dma_wait3A = tpu.memref_slice %arg3[%add3A_44] : memref<100352xf32, #tpu.memory_space<hbm>> -> memref<3136xf32, #tpu.memory_space<hbm>>
      %dma_wait3A_46 = tpu.memref_slice %arg3[%add3A_44] : memref<100352xf32, #tpu.memory_space<hbm>> -> memref<3136xf32, #tpu.memory_space<hbm>>
      tpu.wait_dma2 semaphore(%run_scoped3A : memref<!tpu.dma_semaphore, #tpu.memory_space<semaphore_mem>>) src(%arg6 : memref<3136xf32, #tpu.memory_space<vmem>>) dst(%dma_wait3A_46 : memref<3136xf32, #tpu.memory_space<hbm>>)
      tpu.yield
    }) : () -> ()
    return
  }
}

#map = affine_map<(d0, d1) -> (0, 0)>
#map1 = affine_map<(d0, d1) -> (0)>
module attributes {stable_mosaic.version = 14 : i64} {
  func.func @_sc_edge_sum(%arg0: i32, %arg1: i32, %arg2: memref<6250x128xi32, #tpu.memory_space<hbm>>, %arg3: memref<6250x128xi32, #tpu.memory_space<hbm>>, %arg4: memref<50176xf32, #tpu.memory_space<hbm>>, %arg5: memref<100352xf32, #tpu.memory_space<hbm>>, %arg6: memref<200x128xi32, #tpu.memory_space<vmem>>, %arg7: memref<200x128xi32, #tpu.memory_space<vmem>>, %arg8: memref<8x128xf32, #tpu.memory_space<vmem>>, %arg9: memref<3136xf32, #tpu.memory_space<vmem>>, %arg10: memref<50176xf32, #tpu.memory_space<vmem_shared>>, %arg11: memref<50176xf32, #tpu.memory_space<vmem_shared>>, %arg12: memref<!tpu.dma_semaphore, #tpu.memory_space<semaphore_mem>>, %arg13: memref<!tpu.dma_semaphore, #tpu.memory_space<semaphore_mem>>) attributes {dimension_semantics = [#tpu.dimension_semantics<core_parallel>, #tpu.dimension_semantics<subcore_parallel>], iteration_bounds = array<i64: 2, 16>, scalar_prefetch = 0 : i64, scratch_operands = 8 : i64, tpu.core_type = #tpu.core_type<sc_vector_subcore>, window_params = [{transform_indices = #map}, {transform_indices = #map}, {transform_indices = #map1}, {transform_indices = #map1}]} {
    %mul3A = arith.constant 16 : i32
    %mul3A_0 = arith.muli %arg0, %mul3A : i32
    %add3A = arith.addi %mul3A_0, %arg1 : i32
    %scan3A = arith.constant 0 : i32
    %scan3A_1 = arith.constant 0 : i32
    %scan3A_2 = arith.constant 196 : i32
    %scan3A_3 = arith.addi %scan3A_1, %scan3A_2 : i32
    %scan3A_4 = arith.constant 1 : i32
    scf.for %scan3A_53 = %scan3A_1 to %scan3A_3 step %scan3A_4  : i32 {
      %broadcast_in_dim3A = arith.constant 0.000000e+00 : f32
      %broadcast_in_dim3A_54 = vector.broadcast %broadcast_in_dim3A : f32 to vector<16xf32>
      %mul3A_55 = arith.constant 16 : i32
      %mul3A_56 = arith.muli %scan3A_53, %mul3A_55 : i32
      %swap3A = arith.index_cast %mul3A_56 : i32 to index
      %swap3A_57 = tpu.vector_load %arg9[%swap3A] {strides = array<i32>} : memref<3136xf32, #tpu.memory_space<vmem>>, vector<16xf32>,
      %swap3A_58 = vector.shape_cast %swap3A_57 : vector<16xf32> to vector<16xf32>
      %swap3A_59 = vector.shape_cast %broadcast_in_dim3A_54 : vector<16xf32> to vector<16xf32>
      tpu.vector_store %arg9[%swap3A], %swap3A_59 {strides = array<i32>} : memref<3136xf32, #tpu.memory_space<vmem>>, vector<16xf32>,
    }
    %scan3A_5 = arith.constant 196 : i32
    %mul3A_6 = arith.constant 3136 : i32
    %mul3A_7 = arith.muli %arg1, %mul3A_6 : i32
    "tpu.region"() ({
      %run_scoped3A = tpu.sem_alloc : memref<!tpu.dma_semaphore, #tpu.memory_space<semaphore_mem>>
      %dma_start3A = tpu.memref_slice %arg11[%mul3A_7] : memref<50176xf32, #tpu.memory_space<vmem_shared>> -> memref<3136xf32, #tpu.memory_space<vmem_shared>>
      %dma_start3A_53 = tpu.memref_slice %arg11[%mul3A_7] : memref<50176xf32, #tpu.memory_space<vmem_shared>> -> memref<3136xf32, #tpu.memory_space<vmem_shared>>
      tpu.enqueue_dma source(%arg9 : memref<3136xf32, #tpu.memory_space<vmem>>) target(%dma_start3A_53 : memref<3136xf32, #tpu.memory_space<vmem_shared>>) target_semaphore(%run_scoped3A : memref<!tpu.dma_semaphore, #tpu.memory_space<semaphore_mem>>)
      %dma_wait3A = tpu.memref_slice %arg11[%mul3A_7] : memref<50176xf32, #tpu.memory_space<vmem_shared>> -> memref<3136xf32, #tpu.memory_space<vmem_shared>>
      %dma_wait3A_54 = tpu.memref_slice %arg11[%mul3A_7] : memref<50176xf32, #tpu.memory_space<vmem_shared>> -> memref<3136xf32, #tpu.memory_space<vmem_shared>>
      tpu.wait_dma2 semaphore(%run_scoped3A : memref<!tpu.dma_semaphore, #tpu.memory_space<semaphore_mem>>) src(%arg9 : memref<3136xf32, #tpu.memory_space<vmem>>) dst(%dma_wait3A_54 : memref<3136xf32, #tpu.memory_space<vmem_shared>>)
      tpu.yield
    }) : () -> ()
    %mul3A_8 = arith.constant 3136 : i32
    %mul3A_9 = arith.muli %arg1, %mul3A_8 : i32
    "tpu.region"() ({
      %run_scoped3A = tpu.sem_alloc : memref<!tpu.dma_semaphore, #tpu.memory_space<semaphore_mem>>
      %dma_start3A = tpu.memref_slice %arg4[%mul3A_9] : memref<50176xf32, #tpu.memory_space<hbm>> -> memref<3136xf32, #tpu.memory_space<hbm>>
      %dma_start3A_53 = tpu.memref_slice %arg4[%mul3A_9] : memref<50176xf32, #tpu.memory_space<hbm>> -> memref<3136xf32, #tpu.memory_space<hbm>>
      tpu.enqueue_dma source(%dma_start3A_53 : memref<3136xf32, #tpu.memory_space<hbm>>) target(%arg9 : memref<3136xf32, #tpu.memory_space<vmem>>) target_semaphore(%run_scoped3A : memref<!tpu.dma_semaphore, #tpu.memory_space<semaphore_mem>>)
      %dma_wait3A = tpu.memref_slice %arg4[%mul3A_9] : memref<50176xf32, #tpu.memory_space<hbm>> -> memref<3136xf32, #tpu.memory_space<hbm>>
      %dma_wait3A_54 = tpu.memref_slice %arg4[%mul3A_9] : memref<50176xf32, #tpu.memory_space<hbm>> -> memref<3136xf32, #tpu.memory_space<hbm>>
      tpu.wait_dma2 semaphore(%run_scoped3A : memref<!tpu.dma_semaphore, #tpu.memory_space<semaphore_mem>>) src(%dma_wait3A_54 : memref<3136xf32, #tpu.memory_space<hbm>>) dst(%arg9 : memref<3136xf32, #tpu.memory_space<vmem>>)
      tpu.yield
    }) : () -> ()
    %mul3A_10 = arith.constant 3136 : i32
    %mul3A_11 = arith.muli %arg1, %mul3A_10 : i32
    "tpu.region"() ({
      %run_scoped3A = tpu.sem_alloc : memref<!tpu.dma_semaphore, #tpu.memory_space<semaphore_mem>>
      %dma_start3A = tpu.memref_slice %arg10[%mul3A_11] : memref<50176xf32, #tpu.memory_space<vmem_shared>> -> memref<3136xf32, #tpu.memory_space<vmem_shared>>
      %dma_start3A_53 = tpu.memref_slice %arg10[%mul3A_11] : memref<50176xf32, #tpu.memory_space<vmem_shared>> -> memref<3136xf32, #tpu.memory_space<vmem_shared>>
      tpu.enqueue_dma source(%arg9 : memref<3136xf32, #tpu.memory_space<vmem>>) target(%dma_start3A_53 : memref<3136xf32, #tpu.memory_space<vmem_shared>>) target_semaphore(%run_scoped3A : memref<!tpu.dma_semaphore, #tpu.memory_space<semaphore_mem>>)
      %dma_wait3A = tpu.memref_slice %arg10[%mul3A_11] : memref<50176xf32, #tpu.memory_space<vmem_shared>> -> memref<3136xf32, #tpu.memory_space<vmem_shared>>
      %dma_wait3A_54 = tpu.memref_slice %arg10[%mul3A_11] : memref<50176xf32, #tpu.memory_space<vmem_shared>> -> memref<3136xf32, #tpu.memory_space<vmem_shared>>
      tpu.wait_dma2 semaphore(%run_scoped3A : memref<!tpu.dma_semaphore, #tpu.memory_space<semaphore_mem>>) src(%arg9 : memref<3136xf32, #tpu.memory_space<vmem>>) dst(%dma_wait3A_54 : memref<3136xf32, #tpu.memory_space<vmem_shared>>)
      tpu.yield
    }) : () -> ()
    %lt3A = arith.constant 31 : i32
    %lt3A_12 = arith.cmpi slt, %add3A, %lt3A : i32
    %convert_element_type3A = arith.extui %lt3A_12 : i1 to i32
    %cond3A = arith.constant 0 : i32
    %cond3A_13 = arith.cmpi ne, %convert_element_type3A, %cond3A : i32
    scf.if %cond3A_13 {
      %mul3A_53 = arith.constant 200 : i32
      %mul3A_54 = arith.muli %add3A, %mul3A_53 : i32
      "tpu.region"() ({
        %run_scoped3A = tpu.sem_alloc : memref<!tpu.dma_semaphore, #tpu.memory_space<semaphore_mem>>
        %dma_start3A = arith.constant 0 : i32
        %dma_start3A_55 = tpu.memref_slice %arg2[%mul3A_54, %dma_start3A] : memref<6250x128xi32, #tpu.memory_space<hbm>> -> memref<200x128xi32, #tpu.memory_space<hbm>>
        %dma_start3A_56 = arith.constant 0 : i32
        %dma_start3A_57 = tpu.memref_slice %arg2[%mul3A_54, %dma_start3A_56] : memref<6250x128xi32, #tpu.memory_space<hbm>> -> memref<200x128xi32, #tpu.memory_space<hbm>>
        tpu.enqueue_dma source(%dma_start3A_57 : memref<200x128xi32, #tpu.memory_space<hbm>>) target(%arg6 : memref<200x128xi32, #tpu.memory_space<vmem>>) target_semaphore(%run_scoped3A : memref<!tpu.dma_semaphore, #tpu.memory_space<semaphore_mem>>)
        %dma_wait3A = arith.constant 0 : i32
        %dma_wait3A_58 = tpu.memref_slice %arg2[%mul3A_54, %dma_wait3A] : memref<6250x128xi32, #tpu.memory_space<hbm>> -> memref<200x128xi32, #tpu.memory_space<hbm>>
        %dma_wait3A_59 = arith.constant 0 : i32
        %dma_wait3A_60 = tpu.memref_slice %arg2[%mul3A_54, %dma_wait3A_59] : memref<6250x128xi32, #tpu.memory_space<hbm>> -> memref<200x128xi32, #tpu.memory_space<hbm>>
        tpu.wait_dma2 semaphore(%run_scoped3A : memref<!tpu.dma_semaphore, #tpu.memory_space<semaphore_mem>>) src(%dma_wait3A_60 : memref<200x128xi32, #tpu.memory_space<hbm>>) dst(%arg6 : memref<200x128xi32, #tpu.memory_space<vmem>>)
        tpu.yield
      }) : () -> ()
    } else {
    }
    %eq3A = arith.constant 31 : i32
    %eq3A_14 = arith.cmpi eq, %add3A, %eq3A : i32
    %convert_element_type3A_15 = arith.extui %eq3A_14 : i1 to i32
    %cond3A_16 = arith.constant 0 : i32
    %cond3A_17 = arith.cmpi ne, %convert_element_type3A_15, %cond3A_16 : i32
    scf.if %cond3A_17 {
      "tpu.region"() ({
        %run_scoped3A = tpu.sem_alloc : memref<!tpu.dma_semaphore, #tpu.memory_space<semaphore_mem>>
        %dma_start3A = arith.constant 0 : i32
        %dma_start3A_53 = arith.constant 0 : i32
        %dma_start3A_54 = tpu.memref_slice %arg6[%dma_start3A, %dma_start3A_53] : memref<200x128xi32, #tpu.memory_space<vmem>> -> memref<48x128xi32, #tpu.memory_space<vmem>>
        %dma_start3A_55 = arith.constant 6200 : i32
        %dma_start3A_56 = arith.constant 0 : i32
        %dma_start3A_57 = tpu.memref_slice %arg2[%dma_start3A_55, %dma_start3A_56] : memref<6250x128xi32, #tpu.memory_space<hbm>> -> memref<48x128xi32, #tpu.memory_space<hbm>>
        %dma_start3A_58 = arith.constant 0 : i32
        %dma_start3A_59 = arith.constant 0 : i32
        %dma_start3A_60 = tpu.memref_slice %arg6[%dma_start3A_58, %dma_start3A_59] : memref<200x128xi32, #tpu.memory_space<vmem>> -> memref<48x128xi32, #tpu.memory_space<vmem>>
        %dma_start3A_61 = arith.constant 6200 : i32
        %dma_start3A_62 = arith.constant 0 : i32
        %dma_start3A_63 = tpu.memref_slice %arg2[%dma_start3A_61, %dma_start3A_62] : memref<6250x128xi32, #tpu.memory_space<hbm>> -> memref<48x128xi32, #tpu.memory_space<hbm>>
        tpu.enqueue_dma source(%dma_start3A_63 : memref<48x128xi32, #tpu.memory_space<hbm>>) target(%dma_start3A_60 : memref<48x128xi32, #tpu.memory_space<vmem>>) target_semaphore(%run_scoped3A : memref<!tpu.dma_semaphore, #tpu.memory_space<semaphore_mem>>)
        %dma_wait3A = arith.constant 0 : i32
        %dma_wait3A_64 = arith.constant 0 : i32
        %dma_wait3A_65 = tpu.memref_slice %arg6[%dma_wait3A, %dma_wait3A_64] : memref<200x128xi32, #tpu.memory_space<vmem>> -> memref<48x128xi32, #tpu.memory_space<vmem>>
        %dma_wait3A_66 = arith.constant 6200 : i32
        %dma_wait3A_67 = arith.constant 0 : i32
        %dma_wait3A_68 = tpu.memref_slice %arg2[%dma_wait3A_66, %dma_wait3A_67] : memref<6250x128xi32, #tpu.memory_space<hbm>> -> memref<48x128xi32, #tpu.memory_space<hbm>>
        %dma_wait3A_69 = arith.constant 0 : i32
        %dma_wait3A_70 = arith.constant 0 : i32
        %dma_wait3A_71 = tpu.memref_slice %arg6[%dma_wait3A_69, %dma_wait3A_70] : memref<200x128xi32, #tpu.memory_space<vmem>> -> memref<48x128xi32, #tpu.memory_space<vmem>>
        %dma_wait3A_72 = arith.constant 6200 : i32
        %dma_wait3A_73 = arith.constant 0 : i32
        %dma_wait3A_74 = tpu.memref_slice %arg2[%dma_wait3A_72, %dma_wait3A_73] : memref<6250x128xi32, #tpu.memory_space<hbm>> -> memref<48x128xi32, #tpu.memory_space<hbm>>
        tpu.wait_dma2 semaphore(%run_scoped3A : memref<!tpu.dma_semaphore, #tpu.memory_space<semaphore_mem>>) src(%dma_wait3A_74 : memref<48x128xi32, #tpu.memory_space<hbm>>) dst(%dma_wait3A_71 : memref<48x128xi32, #tpu.memory_space<vmem>>)
        tpu.yield
      }) : () -> ()
      "tpu.region"() ({
        %run_scoped3A = tpu.sem_alloc : memref<!tpu.dma_semaphore, #tpu.memory_space<semaphore_mem>>
        %dma_start3A = arith.constant 48 : i32
        %dma_start3A_53 = arith.constant 0 : i32
        %dma_start3A_54 = tpu.memref_slice %arg6[%dma_start3A, %dma_start3A_53] : memref<200x128xi32, #tpu.memory_space<vmem>> -> memref<2x128xi32, #tpu.memory_space<vmem>>
        %dma_start3A_55 = arith.constant 6248 : i32
        %dma_start3A_56 = arith.constant 0 : i32
        %dma_start3A_57 = tpu.memref_slice %arg2[%dma_start3A_55, %dma_start3A_56] : memref<6250x128xi32, #tpu.memory_space<hbm>> -> memref<2x128xi32, #tpu.memory_space<hbm>>
        %dma_start3A_58 = arith.constant 48 : i32
        %dma_start3A_59 = arith.constant 0 : i32
        %dma_start3A_60 = tpu.memref_slice %arg6[%dma_start3A_58, %dma_start3A_59] : memref<200x128xi32, #tpu.memory_space<vmem>> -> memref<2x128xi32, #tpu.memory_space<vmem>>
        %dma_start3A_61 = arith.constant 6248 : i32
        %dma_start3A_62 = arith.constant 0 : i32
        %dma_start3A_63 = tpu.memref_slice %arg2[%dma_start3A_61, %dma_start3A_62] : memref<6250x128xi32, #tpu.memory_space<hbm>> -> memref<2x128xi32, #tpu.memory_space<hbm>>
        tpu.enqueue_dma source(%dma_start3A_63 : memref<2x128xi32, #tpu.memory_space<hbm>>) target(%dma_start3A_60 : memref<2x128xi32, #tpu.memory_space<vmem>>) target_semaphore(%run_scoped3A : memref<!tpu.dma_semaphore, #tpu.memory_space<semaphore_mem>>)
        %dma_wait3A = arith.constant 48 : i32
        %dma_wait3A_64 = arith.constant 0 : i32
        %dma_wait3A_65 = tpu.memref_slice %arg6[%dma_wait3A, %dma_wait3A_64] : memref<200x128xi32, #tpu.memory_space<vmem>> -> memref<2x128xi32, #tpu.memory_space<vmem>>
        %dma_wait3A_66 = arith.constant 6248 : i32
        %dma_wait3A_67 = arith.constant 0 : i32
        %dma_wait3A_68 = tpu.memref_slice %arg2[%dma_wait3A_66, %dma_wait3A_67] : memref<6250x128xi32, #tpu.memory_space<hbm>> -> memref<2x128xi32, #tpu.memory_space<hbm>>
        %dma_wait3A_69 = arith.constant 48 : i32
        %dma_wait3A_70 = arith.constant 0 : i32
        %dma_wait3A_71 = tpu.memref_slice %arg6[%dma_wait3A_69, %dma_wait3A_70] : memref<200x128xi32, #tpu.memory_space<vmem>> -> memref<2x128xi32, #tpu.memory_space<vmem>>
        %dma_wait3A_72 = arith.constant 6248 : i32
        %dma_wait3A_73 = arith.constant 0 : i32
        %dma_wait3A_74 = tpu.memref_slice %arg2[%dma_wait3A_72, %dma_wait3A_73] : memref<6250x128xi32, #tpu.memory_space<hbm>> -> memref<2x128xi32, #tpu.memory_space<hbm>>
        tpu.wait_dma2 semaphore(%run_scoped3A : memref<!tpu.dma_semaphore, #tpu.memory_space<semaphore_mem>>) src(%dma_wait3A_74 : memref<2x128xi32, #tpu.memory_space<hbm>>) dst(%dma_wait3A_71 : memref<2x128xi32, #tpu.memory_space<vmem>>)
        tpu.yield
      }) : () -> ()
    } else {
    }
    %lt3A_18 = arith.constant 31 : i32
    %lt3A_19 = arith.cmpi slt, %add3A, %lt3A_18 : i32
    %convert_element_type3A_20 = arith.extui %lt3A_19 : i1 to i32
    %cond3A_21 = arith.constant 0 : i32
    %cond3A_22 = arith.cmpi ne, %convert_element_type3A_20, %cond3A_21 : i32
    scf.if %cond3A_22 {
      %mul3A_53 = arith.constant 200 : i32
      %mul3A_54 = arith.muli %add3A, %mul3A_53 : i32
      "tpu.region"() ({
        %run_scoped3A = tpu.sem_alloc : memref<!tpu.dma_semaphore, #tpu.memory_space<semaphore_mem>>
        %dma_start3A = arith.constant 0 : i32
        %dma_start3A_55 = tpu.memref_slice %arg3[%mul3A_54, %dma_start3A] : memref<6250x128xi32, #tpu.memory_space<hbm>> -> memref<200x128xi32, #tpu.memory_space<hbm>>
        %dma_start3A_56 = arith.constant 0 : i32
        %dma_start3A_57 = tpu.memref_slice %arg3[%mul3A_54, %dma_start3A_56] : memref<6250x128xi32, #tpu.memory_space<hbm>> -> memref<200x128xi32, #tpu.memory_space<hbm>>
        tpu.enqueue_dma source(%dma_start3A_57 : memref<200x128xi32, #tpu.memory_space<hbm>>) target(%arg7 : memref<200x128xi32, #tpu.memory_space<vmem>>) target_semaphore(%run_scoped3A : memref<!tpu.dma_semaphore, #tpu.memory_space<semaphore_mem>>)
        %dma_wait3A = arith.constant 0 : i32
        %dma_wait3A_58 = tpu.memref_slice %arg3[%mul3A_54, %dma_wait3A] : memref<6250x128xi32, #tpu.memory_space<hbm>> -> memref<200x128xi32, #tpu.memory_space<hbm>>
        %dma_wait3A_59 = arith.constant 0 : i32
        %dma_wait3A_60 = tpu.memref_slice %arg3[%mul3A_54, %dma_wait3A_59] : memref<6250x128xi32, #tpu.memory_space<hbm>> -> memref<200x128xi32, #tpu.memory_space<hbm>>
        tpu.wait_dma2 semaphore(%run_scoped3A : memref<!tpu.dma_semaphore, #tpu.memory_space<semaphore_mem>>) src(%dma_wait3A_60 : memref<200x128xi32, #tpu.memory_space<hbm>>) dst(%arg7 : memref<200x128xi32, #tpu.memory_space<vmem>>)
        tpu.yield
      }) : () -> ()
    } else {
    }
    %eq3A_23 = arith.constant 31 : i32
    %eq3A_24 = arith.cmpi eq, %add3A, %eq3A_23 : i32
    %convert_element_type3A_25 = arith.extui %eq3A_24 : i1 to i32
    %cond3A_26 = arith.constant 0 : i32
    %cond3A_27 = arith.cmpi ne, %convert_element_type3A_25, %cond3A_26 : i32
    scf.if %cond3A_27 {
      "tpu.region"() ({
        %run_scoped3A = tpu.sem_alloc : memref<!tpu.dma_semaphore, #tpu.memory_space<semaphore_mem>>
        %dma_start3A = arith.constant 0 : i32
        %dma_start3A_53 = arith.constant 0 : i32
        %dma_start3A_54 = tpu.memref_slice %arg7[%dma_start3A, %dma_start3A_53] : memref<200x128xi32, #tpu.memory_space<vmem>> -> memref<48x128xi32, #tpu.memory_space<vmem>>
        %dma_start3A_55 = arith.constant 6200 : i32
        %dma_start3A_56 = arith.constant 0 : i32
        %dma_start3A_57 = tpu.memref_slice %arg3[%dma_start3A_55, %dma_start3A_56] : memref<6250x128xi32, #tpu.memory_space<hbm>> -> memref<48x128xi32, #tpu.memory_space<hbm>>
        %dma_start3A_58 = arith.constant 0 : i32
        %dma_start3A_59 = arith.constant 0 : i32
        %dma_start3A_60 = tpu.memref_slice %arg7[%dma_start3A_58, %dma_start3A_59] : memref<200x128xi32, #tpu.memory_space<vmem>> -> memref<48x128xi32, #tpu.memory_space<vmem>>
        %dma_start3A_61 = arith.constant 6200 : i32
        %dma_start3A_62 = arith.constant 0 : i32
        %dma_start3A_63 = tpu.memref_slice %arg3[%dma_start3A_61, %dma_start3A_62] : memref<6250x128xi32, #tpu.memory_space<hbm>> -> memref<48x128xi32, #tpu.memory_space<hbm>>
        tpu.enqueue_dma source(%dma_start3A_63 : memref<48x128xi32, #tpu.memory_space<hbm>>) target(%dma_start3A_60 : memref<48x128xi32, #tpu.memory_space<vmem>>) target_semaphore(%run_scoped3A : memref<!tpu.dma_semaphore, #tpu.memory_space<semaphore_mem>>)
        %dma_wait3A = arith.constant 0 : i32
        %dma_wait3A_64 = arith.constant 0 : i32
        %dma_wait3A_65 = tpu.memref_slice %arg7[%dma_wait3A, %dma_wait3A_64] : memref<200x128xi32, #tpu.memory_space<vmem>> -> memref<48x128xi32, #tpu.memory_space<vmem>>
        %dma_wait3A_66 = arith.constant 6200 : i32
        %dma_wait3A_67 = arith.constant 0 : i32
        %dma_wait3A_68 = tpu.memref_slice %arg3[%dma_wait3A_66, %dma_wait3A_67] : memref<6250x128xi32, #tpu.memory_space<hbm>> -> memref<48x128xi32, #tpu.memory_space<hbm>>
        %dma_wait3A_69 = arith.constant 0 : i32
        %dma_wait3A_70 = arith.constant 0 : i32
        %dma_wait3A_71 = tpu.memref_slice %arg7[%dma_wait3A_69, %dma_wait3A_70] : memref<200x128xi32, #tpu.memory_space<vmem>> -> memref<48x128xi32, #tpu.memory_space<vmem>>
        %dma_wait3A_72 = arith.constant 6200 : i32
        %dma_wait3A_73 = arith.constant 0 : i32
        %dma_wait3A_74 = tpu.memref_slice %arg3[%dma_wait3A_72, %dma_wait3A_73] : memref<6250x128xi32, #tpu.memory_space<hbm>> -> memref<48x128xi32, #tpu.memory_space<hbm>>
        tpu.wait_dma2 semaphore(%run_scoped3A : memref<!tpu.dma_semaphore, #tpu.memory_space<semaphore_mem>>) src(%dma_wait3A_74 : memref<48x128xi32, #tpu.memory_space<hbm>>) dst(%dma_wait3A_71 : memref<48x128xi32, #tpu.memory_space<vmem>>)
        tpu.yield
      }) : () -> ()
      "tpu.region"() ({
        %run_scoped3A = tpu.sem_alloc : memref<!tpu.dma_semaphore, #tpu.memory_space<semaphore_mem>>
        %dma_start3A = arith.constant 48 : i32
        %dma_start3A_53 = arith.constant 0 : i32
        %dma_start3A_54 = tpu.memref_slice %arg7[%dma_start3A, %dma_start3A_53] : memref<200x128xi32, #tpu.memory_space<vmem>> -> memref<2x128xi32, #tpu.memory_space<vmem>>
        %dma_start3A_55 = arith.constant 6248 : i32
        %dma_start3A_56 = arith.constant 0 : i32
        %dma_start3A_57 = tpu.memref_slice %arg3[%dma_start3A_55, %dma_start3A_56] : memref<6250x128xi32, #tpu.memory_space<hbm>> -> memref<2x128xi32, #tpu.memory_space<hbm>>
        %dma_start3A_58 = arith.constant 48 : i32
        %dma_start3A_59 = arith.constant 0 : i32
        %dma_start3A_60 = tpu.memref_slice %arg7[%dma_start3A_58, %dma_start3A_59] : memref<200x128xi32, #tpu.memory_space<vmem>> -> memref<2x128xi32, #tpu.memory_space<vmem>>
        %dma_start3A_61 = arith.constant 6248 : i32
        %dma_start3A_62 = arith.constant 0 : i32
        %dma_start3A_63 = tpu.memref_slice %arg3[%dma_start3A_61, %dma_start3A_62] : memref<6250x128xi32, #tpu.memory_space<hbm>> -> memref<2x128xi32, #tpu.memory_space<hbm>>
        tpu.enqueue_dma source(%dma_start3A_63 : memref<2x128xi32, #tpu.memory_space<hbm>>) target(%dma_start3A_60 : memref<2x128xi32, #tpu.memory_space<vmem>>) target_semaphore(%run_scoped3A : memref<!tpu.dma_semaphore, #tpu.memory_space<semaphore_mem>>)
        %dma_wait3A = arith.constant 48 : i32
        %dma_wait3A_64 = arith.constant 0 : i32
        %dma_wait3A_65 = tpu.memref_slice %arg7[%dma_wait3A, %dma_wait3A_64] : memref<200x128xi32, #tpu.memory_space<vmem>> -> memref<2x128xi32, #tpu.memory_space<vmem>>
        %dma_wait3A_66 = arith.constant 6248 : i32
        %dma_wait3A_67 = arith.constant 0 : i32
        %dma_wait3A_68 = tpu.memref_slice %arg3[%dma_wait3A_66, %dma_wait3A_67] : memref<6250x128xi32, #tpu.memory_space<hbm>> -> memref<2x128xi32, #tpu.memory_space<hbm>>
        %dma_wait3A_69 = arith.constant 48 : i32
        %dma_wait3A_70 = arith.constant 0 : i32
        %dma_wait3A_71 = tpu.memref_slice %arg7[%dma_wait3A_69, %dma_wait3A_70] : memref<200x128xi32, #tpu.memory_space<vmem>> -> memref<2x128xi32, #tpu.memory_space<vmem>>
        %dma_wait3A_72 = arith.constant 6248 : i32
        %dma_wait3A_73 = arith.constant 0 : i32
        %dma_wait3A_74 = tpu.memref_slice %arg3[%dma_wait3A_72, %dma_wait3A_73] : memref<6250x128xi32, #tpu.memory_space<hbm>> -> memref<2x128xi32, #tpu.memory_space<hbm>>
        tpu.wait_dma2 semaphore(%run_scoped3A : memref<!tpu.dma_semaphore, #tpu.memory_space<semaphore_mem>>) src(%dma_wait3A_74 : memref<2x128xi32, #tpu.memory_space<hbm>>) dst(%dma_wait3A_71 : memref<2x128xi32, #tpu.memory_space<vmem>>)
        tpu.yield
      }) : () -> ()
    } else {
    }
    %barrier3A = arith.constant 0 : index
    tpu.barrier barrier_id(%barrier3A)
    %eq3A_28 = arith.constant 31 : i32
    %eq3A_29 = arith.cmpi eq, %add3A, %eq3A_28 : i32
    %jit3A = arith.constant 6 : i32
    %jit3A_30 = arith.constant 25 : i32
    %select_n3A = arith.select %eq3A_29, %jit3A, %jit3A_30 : i32
    %while3A = arith.constant 0 : i32
    %while3A_31 = arith.constant 0 : i32
    %while3A_32 = arith.subi %select_n3A, %while3A_31 : i32
    %while3A_33 = arith.addi %while3A_31, %while3A_32 : i32
    %while3A_34 = arith.constant 1 : i32
    %while3A_35 = arith.divsi %while3A_32, %while3A_34 : i32
    %while3A_36 = arith.muli %while3A_35, %while3A_34 : i32
    %while3A_37 = arith.addi %while3A_31, %while3A_36 : i32
    %while3A_38 = arith.constant 1 : i32
    scf.for %while3A_53 = %while3A_31 to %while3A_37 step %while3A_38  : i32 {
      %mul3A_54 = arith.constant 8 : i32
      %mul3A_55 = arith.muli %while3A_53, %mul3A_54 : i32
      %add3A_56 = arith.constant 0 : i32
      %add3A_57 = arith.addi %mul3A_55, %add3A_56 : i32
      %dma_start3A = arith.constant 0 : i32
      %dma_start3A_58 = arith.constant 0 : i32
      %dma_start3A_59 = tpu.memref_slice %arg8[%dma_start3A, %dma_start3A_58] : memref<8x128xf32, #tpu.memory_space<vmem>> -> memref<1x128xf32, #tpu.memory_space<vmem>>
      %dma_start3A_60 = tpu.memref_squeeze %dma_start3A_59 : memref<1x128xf32, #tpu.memory_space<vmem>> -> memref<128xf32, #tpu.memory_space<vmem>>
      %dma_start3A_61 = arith.constant 0 : i32
      %dma_start3A_62 = tpu.memref_slice %arg6[%add3A_57, %dma_start3A_61] : memref<200x128xi32, #tpu.memory_space<vmem>> -> memref<1x128xi32, #tpu.memory_space<vmem>>
      %dma_start3A_63 = tpu.memref_squeeze %dma_start3A_62 : memref<1x128xi32, #tpu.memory_space<vmem>> -> memref<128xi32, #tpu.memory_space<vmem>>
      %dma_start3A_64 = arith.constant 0 : i32
      %dma_start3A_65 = tpu.memref_slice %arg10[%dma_start3A_64] : memref<50176xf32, #tpu.memory_space<vmem_shared>> -> memref<50176xf32, #tpu.memory_space<vmem_shared>>
      tpu.enqueue_indirect_dma source(%dma_start3A_65 : memref<50176xf32, #tpu.memory_space<vmem_shared>>) target(%dma_start3A_60 : memref<128xf32, #tpu.memory_space<vmem>>) offsets(%dma_start3A_63 : memref<128xi32, #tpu.memory_space<vmem>>) semaphore(%arg12 : memref<!tpu.dma_semaphore, #tpu.memory_space<semaphore_mem>>)
      %add3A_66 = arith.constant 1 : i32
      %add3A_67 = arith.addi %mul3A_55, %add3A_66 : i32
      %dma_start3A_68 = arith.constant 1 : i32
      %dma_start3A_69 = arith.constant 0 : i32
      %dma_start3A_70 = tpu.memref_slice %arg8[%dma_start3A_68, %dma_start3A_69] : memref<8x128xf32, #tpu.memory_space<vmem>> -> memref<1x128xf32, #tpu.memory_space<vmem>>
      %dma_start3A_71 = tpu.memref_squeeze %dma_start3A_70 : memref<1x128xf32, #tpu.memory_space<vmem>> -> memref<128xf32, #tpu.memory_space<vmem>>
      %dma_start3A_72 = arith.constant 0 : i32
      %dma_start3A_73 = tpu.memref_slice %arg6[%add3A_67, %dma_start3A_72] : memref<200x128xi32, #tpu.memory_space<vmem>> -> memref<1x128xi32, #tpu.memory_space<vmem>>
      %dma_start3A_74 = tpu.memref_squeeze %dma_start3A_73 : memref<1x128xi32, #tpu.memory_space<vmem>> -> memref<128xi32, #tpu.memory_space<vmem>>
      %dma_start3A_75 = arith.constant 0 : i32
      %dma_start3A_76 = tpu.memref_slice %arg10[%dma_start3A_75] : memref<50176xf32, #tpu.memory_space<vmem_shared>> -> memref<50176xf32, #tpu.memory_space<vmem_shared>>
      tpu.enqueue_indirect_dma source(%dma_start3A_76 : memref<50176xf32, #tpu.memory_space<vmem_shared>>) target(%dma_start3A_71 : memref<128xf32, #tpu.memory_space<vmem>>) offsets(%dma_start3A_74 : memref<128xi32, #tpu.memory_space<vmem>>) semaphore(%arg12 : memref<!tpu.dma_semaphore, #tpu.memory_space<semaphore_mem>>)
      %add3A_77 = arith.constant 2 : i32
      %add3A_78 = arith.addi %mul3A_55, %add3A_77 : i32
      %dma_start3A_79 = arith.constant 2 : i32
      %dma_start3A_80 = arith.constant 0 : i32
      %dma_start3A_81 = tpu.memref_slice %arg8[%dma_start3A_79, %dma_start3A_80] : memref<8x128xf32, #tpu.memory_space<vmem>> -> memref<1x128xf32, #tpu.memory_space<vmem>>
      %dma_start3A_82 = tpu.memref_squeeze %dma_start3A_81 : memref<1x128xf32, #tpu.memory_space<vmem>> -> memref<128xf32, #tpu.memory_space<vmem>>
      %dma_start3A_83 = arith.constant 0 : i32
      %dma_start3A_84 = tpu.memref_slice %arg6[%add3A_78, %dma_start3A_83] : memref<200x128xi32, #tpu.memory_space<vmem>> -> memref<1x128xi32, #tpu.memory_space<vmem>>
      %dma_start3A_85 = tpu.memref_squeeze %dma_start3A_84 : memref<1x128xi32, #tpu.memory_space<vmem>> -> memref<128xi32, #tpu.memory_space<vmem>>
      %dma_start3A_86 = arith.constant 0 : i32
      %dma_start3A_87 = tpu.memref_slice %arg10[%dma_start3A_86] : memref<50176xf32, #tpu.memory_space<vmem_shared>> -> memref<50176xf32, #tpu.memory_space<vmem_shared>>
      tpu.enqueue_indirect_dma source(%dma_start3A_87 : memref<50176xf32, #tpu.memory_space<vmem_shared>>) target(%dma_start3A_82 : memref<128xf32, #tpu.memory_space<vmem>>) offsets(%dma_start3A_85 : memref<128xi32, #tpu.memory_space<vmem>>) semaphore(%arg12 : memref<!tpu.dma_semaphore, #tpu.memory_space<semaphore_mem>>)
      %add3A_88 = arith.constant 3 : i32
      %add3A_89 = arith.addi %mul3A_55, %add3A_88 : i32
      %dma_start3A_90 = arith.constant 3 : i32
      %dma_start3A_91 = arith.constant 0 : i32
      %dma_start3A_92 = tpu.memref_slice %arg8[%dma_start3A_90, %dma_start3A_91] : memref<8x128xf32, #tpu.memory_space<vmem>> -> memref<1x128xf32, #tpu.memory_space<vmem>>
      %dma_start3A_93 = tpu.memref_squeeze %dma_start3A_92 : memref<1x128xf32, #tpu.memory_space<vmem>> -> memref<128xf32, #tpu.memory_space<vmem>>
      %dma_start3A_94 = arith.constant 0 : i32
      %dma_start3A_95 = tpu.memref_slice %arg6[%add3A_89, %dma_start3A_94] : memref<200x128xi32, #tpu.memory_space<vmem>> -> memref<1x128xi32, #tpu.memory_space<vmem>>
      %dma_start3A_96 = tpu.memref_squeeze %dma_start3A_95 : memref<1x128xi32, #tpu.memory_space<vmem>> -> memref<128xi32, #tpu.memory_space<vmem>>
      %dma_start3A_97 = arith.constant 0 : i32
      %dma_start3A_98 = tpu.memref_slice %arg10[%dma_start3A_97] : memref<50176xf32, #tpu.memory_space<vmem_shared>> -> memref<50176xf32, #tpu.memory_space<vmem_shared>>
      tpu.enqueue_indirect_dma source(%dma_start3A_98 : memref<50176xf32, #tpu.memory_space<vmem_shared>>) target(%dma_start3A_93 : memref<128xf32, #tpu.memory_space<vmem>>) offsets(%dma_start3A_96 : memref<128xi32, #tpu.memory_space<vmem>>) semaphore(%arg12 : memref<!tpu.dma_semaphore, #tpu.memory_space<semaphore_mem>>)
      %add3A_99 = arith.constant 4 : i32
      %add3A_100 = arith.addi %mul3A_55, %add3A_99 : i32
      %dma_start3A_101 = arith.constant 4 : i32
      %dma_start3A_102 = arith.constant 0 : i32
      %dma_start3A_103 = tpu.memref_slice %arg8[%dma_start3A_101, %dma_start3A_102] : memref<8x128xf32, #tpu.memory_space<vmem>> -> memref<1x128xf32, #tpu.memory_space<vmem>>
      %dma_start3A_104 = tpu.memref_squeeze %dma_start3A_103 : memref<1x128xf32, #tpu.memory_space<vmem>> -> memref<128xf32, #tpu.memory_space<vmem>>
      %dma_start3A_105 = arith.constant 0 : i32
      %dma_start3A_106 = tpu.memref_slice %arg6[%add3A_100, %dma_start3A_105] : memref<200x128xi32, #tpu.memory_space<vmem>> -> memref<1x128xi32, #tpu.memory_space<vmem>>
      %dma_start3A_107 = tpu.memref_squeeze %dma_start3A_106 : memref<1x128xi32, #tpu.memory_space<vmem>> -> memref<128xi32, #tpu.memory_space<vmem>>
      %dma_start3A_108 = arith.constant 0 : i32
      %dma_start3A_109 = tpu.memref_slice %arg10[%dma_start3A_108] : memref<50176xf32, #tpu.memory_space<vmem_shared>> -> memref<50176xf32, #tpu.memory_space<vmem_shared>>
      tpu.enqueue_indirect_dma source(%dma_start3A_109 : memref<50176xf32, #tpu.memory_space<vmem_shared>>) target(%dma_start3A_104 : memref<128xf32, #tpu.memory_space<vmem>>) offsets(%dma_start3A_107 : memref<128xi32, #tpu.memory_space<vmem>>) semaphore(%arg12 : memref<!tpu.dma_semaphore, #tpu.memory_space<semaphore_mem>>)
      %add3A_110 = arith.constant 5 : i32
      %add3A_111 = arith.addi %mul3A_55, %add3A_110 : i32
      %dma_start3A_112 = arith.constant 5 : i32
      %dma_start3A_113 = arith.constant 0 : i32
      %dma_start3A_114 = tpu.memref_slice %arg8[%dma_start3A_112, %dma_start3A_113] : memref<8x128xf32, #tpu.memory_space<vmem>> -> memref<1x128xf32, #tpu.memory_space<vmem>>
      %dma_start3A_115 = tpu.memref_squeeze %dma_start3A_114 : memref<1x128xf32, #tpu.memory_space<vmem>> -> memref<128xf32, #tpu.memory_space<vmem>>
      %dma_start3A_116 = arith.constant 0 : i32
      %dma_start3A_117 = tpu.memref_slice %arg6[%add3A_111, %dma_start3A_116] : memref<200x128xi32, #tpu.memory_space<vmem>> -> memref<1x128xi32, #tpu.memory_space<vmem>>
      %dma_start3A_118 = tpu.memref_squeeze %dma_start3A_117 : memref<1x128xi32, #tpu.memory_space<vmem>> -> memref<128xi32, #tpu.memory_space<vmem>>
      %dma_start3A_119 = arith.constant 0 : i32
      %dma_start3A_120 = tpu.memref_slice %arg10[%dma_start3A_119] : memref<50176xf32, #tpu.memory_space<vmem_shared>> -> memref<50176xf32, #tpu.memory_space<vmem_shared>>
      tpu.enqueue_indirect_dma source(%dma_start3A_120 : memref<50176xf32, #tpu.memory_space<vmem_shared>>) target(%dma_start3A_115 : memref<128xf32, #tpu.memory_space<vmem>>) offsets(%dma_start3A_118 : memref<128xi32, #tpu.memory_space<vmem>>) semaphore(%arg12 : memref<!tpu.dma_semaphore, #tpu.memory_space<semaphore_mem>>)
      %add3A_121 = arith.constant 6 : i32
      %add3A_122 = arith.addi %mul3A_55, %add3A_121 : i32
      %dma_start3A_123 = arith.constant 6 : i32
      %dma_start3A_124 = arith.constant 0 : i32
      %dma_start3A_125 = tpu.memref_slice %arg8[%dma_start3A_123, %dma_start3A_124] : memref<8x128xf32, #tpu.memory_space<vmem>> -> memref<1x128xf32, #tpu.memory_space<vmem>>
      %dma_start3A_126 = tpu.memref_squeeze %dma_start3A_125 : memref<1x128xf32, #tpu.memory_space<vmem>> -> memref<128xf32, #tpu.memory_space<vmem>>
      %dma_start3A_127 = arith.constant 0 : i32
      %dma_start3A_128 = tpu.memref_slice %arg6[%add3A_122, %dma_start3A_127] : memref<200x128xi32, #tpu.memory_space<vmem>> -> memref<1x128xi32, #tpu.memory_space<vmem>>
      %dma_start3A_129 = tpu.memref_squeeze %dma_start3A_128 : memref<1x128xi32, #tpu.memory_space<vmem>> -> memref<128xi32, #tpu.memory_space<vmem>>
      %dma_start3A_130 = arith.constant 0 : i32
      %dma_start3A_131 = tpu.memref_slice %arg10[%dma_start3A_130] : memref<50176xf32, #tpu.memory_space<vmem_shared>> -> memref<50176xf32, #tpu.memory_space<vmem_shared>>
      tpu.enqueue_indirect_dma source(%dma_start3A_131 : memref<50176xf32, #tpu.memory_space<vmem_shared>>) target(%dma_start3A_126 : memref<128xf32, #tpu.memory_space<vmem>>) offsets(%dma_start3A_129 : memref<128xi32, #tpu.memory_space<vmem>>) semaphore(%arg12 : memref<!tpu.dma_semaphore, #tpu.memory_space<semaphore_mem>>)
      %add3A_132 = arith.constant 7 : i32
      %add3A_133 = arith.addi %mul3A_55, %add3A_132 : i32
      %dma_start3A_134 = arith.constant 7 : i32
      %dma_start3A_135 = arith.constant 0 : i32
      %dma_start3A_136 = tpu.memref_slice %arg8[%dma_start3A_134, %dma_start3A_135] : memref<8x128xf32, #tpu.memory_space<vmem>> -> memref<1x128xf32, #tpu.memory_space<vmem>>
      %dma_start3A_137 = tpu.memref_squeeze %dma_start3A_136 : memref<1x128xf32, #tpu.memory_space<vmem>> -> memref<128xf32, #tpu.memory_space<vmem>>
      %dma_start3A_138 = arith.constant 0 : i32
      %dma_start3A_139 = tpu.memref_slice %arg6[%add3A_133, %dma_start3A_138] : memref<200x128xi32, #tpu.memory_space<vmem>> -> memref<1x128xi32, #tpu.memory_space<vmem>>
      %dma_start3A_140 = tpu.memref_squeeze %dma_start3A_139 : memref<1x128xi32, #tpu.memory_space<vmem>> -> memref<128xi32, #tpu.memory_space<vmem>>
      %dma_start3A_141 = arith.constant 0 : i32
      %dma_start3A_142 = tpu.memref_slice %arg10[%dma_start3A_141] : memref<50176xf32, #tpu.memory_space<vmem_shared>> -> memref<50176xf32, #tpu.memory_space<vmem_shared>>
      tpu.enqueue_indirect_dma source(%dma_start3A_142 : memref<50176xf32, #tpu.memory_space<vmem_shared>>) target(%dma_start3A_137 : memref<128xf32, #tpu.memory_space<vmem>>) offsets(%dma_start3A_140 : memref<128xi32, #tpu.memory_space<vmem>>) semaphore(%arg12 : memref<!tpu.dma_semaphore, #tpu.memory_space<semaphore_mem>>)
      %dma_wait3A = arith.constant 0 : i32
      %dma_wait3A_143 = arith.constant 0 : i32
      %dma_wait3A_144 = tpu.memref_slice %arg8[%dma_wait3A, %dma_wait3A_143] : memref<8x128xf32, #tpu.memory_space<vmem>> -> memref<1x128xf32, #tpu.memory_space<vmem>>
      %dma_wait3A_145 = tpu.memref_squeeze %dma_wait3A_144 : memref<1x128xf32, #tpu.memory_space<vmem>> -> memref<128xf32, #tpu.memory_space<vmem>>
      %dma_wait3A_146 = arith.constant 0 : i32
      %dma_wait3A_147 = tpu.memref_slice %arg6[%add3A_57, %dma_wait3A_146] : memref<200x128xi32, #tpu.memory_space<vmem>> -> memref<1x128xi32, #tpu.memory_space<vmem>>
      %dma_wait3A_148 = tpu.memref_squeeze %dma_wait3A_147 : memref<1x128xi32, #tpu.memory_space<vmem>> -> memref<128xi32, #tpu.memory_space<vmem>>
      %dma_wait3A_149 = arith.constant 0 : i32
      %dma_wait3A_150 = tpu.memref_slice %arg10[%dma_wait3A_149] : memref<50176xf32, #tpu.memory_space<vmem_shared>> -> memref<50176xf32, #tpu.memory_space<vmem_shared>>
      tpu.wait_indirect_dma semaphore(%arg12 : memref<!tpu.dma_semaphore, #tpu.memory_space<semaphore_mem>>) src(%dma_wait3A_150 : memref<50176xf32, #tpu.memory_space<vmem_shared>>) dst(%dma_wait3A_145 : memref<128xf32, #tpu.memory_space<vmem>>)
      %dma_wait3A_151 = arith.constant 1 : i32
      %dma_wait3A_152 = arith.constant 0 : i32
      %dma_wait3A_153 = tpu.memref_slice %arg8[%dma_wait3A_151, %dma_wait3A_152] : memref<8x128xf32, #tpu.memory_space<vmem>> -> memref<1x128xf32, #tpu.memory_space<vmem>>
      %dma_wait3A_154 = tpu.memref_squeeze %dma_wait3A_153 : memref<1x128xf32, #tpu.memory_space<vmem>> -> memref<128xf32, #tpu.memory_space<vmem>>
      %dma_wait3A_155 = arith.constant 0 : i32
      %dma_wait3A_156 = tpu.memref_slice %arg6[%add3A_67, %dma_wait3A_155] : memref<200x128xi32, #tpu.memory_space<vmem>> -> memref<1x128xi32, #tpu.memory_space<vmem>>
      %dma_wait3A_157 = tpu.memref_squeeze %dma_wait3A_156 : memref<1x128xi32, #tpu.memory_space<vmem>> -> memref<128xi32, #tpu.memory_space<vmem>>
      %dma_wait3A_158 = arith.constant 0 : i32
      %dma_wait3A_159 = tpu.memref_slice %arg10[%dma_wait3A_158] : memref<50176xf32, #tpu.memory_space<vmem_shared>> -> memref<50176xf32, #tpu.memory_space<vmem_shared>>
      tpu.wait_indirect_dma semaphore(%arg12 : memref<!tpu.dma_semaphore, #tpu.memory_space<semaphore_mem>>) src(%dma_wait3A_159 : memref<50176xf32, #tpu.memory_space<vmem_shared>>) dst(%dma_wait3A_154 : memref<128xf32, #tpu.memory_space<vmem>>)
      %dma_wait3A_160 = arith.constant 2 : i32
      %dma_wait3A_161 = arith.constant 0 : i32
      %dma_wait3A_162 = tpu.memref_slice %arg8[%dma_wait3A_160, %dma_wait3A_161] : memref<8x128xf32, #tpu.memory_space<vmem>> -> memref<1x128xf32, #tpu.memory_space<vmem>>
      %dma_wait3A_163 = tpu.memref_squeeze %dma_wait3A_162 : memref<1x128xf32, #tpu.memory_space<vmem>> -> memref<128xf32, #tpu.memory_space<vmem>>
      %dma_wait3A_164 = arith.constant 0 : i32
      %dma_wait3A_165 = tpu.memref_slice %arg6[%add3A_78, %dma_wait3A_164] : memref<200x128xi32, #tpu.memory_space<vmem>> -> memref<1x128xi32, #tpu.memory_space<vmem>>
      %dma_wait3A_166 = tpu.memref_squeeze %dma_wait3A_165 : memref<1x128xi32, #tpu.memory_space<vmem>> -> memref<128xi32, #tpu.memory_space<vmem>>
      %dma_wait3A_167 = arith.constant 0 : i32
      %dma_wait3A_168 = tpu.memref_slice %arg10[%dma_wait3A_167] : memref<50176xf32, #tpu.memory_space<vmem_shared>> -> memref<50176xf32, #tpu.memory_space<vmem_shared>>
      tpu.wait_indirect_dma semaphore(%arg12 : memref<!tpu.dma_semaphore, #tpu.memory_space<semaphore_mem>>) src(%dma_wait3A_168 : memref<50176xf32, #tpu.memory_space<vmem_shared>>) dst(%dma_wait3A_163 : memref<128xf32, #tpu.memory_space<vmem>>)
      %dma_wait3A_169 = arith.constant 3 : i32
      %dma_wait3A_170 = arith.constant 0 : i32
      %dma_wait3A_171 = tpu.memref_slice %arg8[%dma_wait3A_169, %dma_wait3A_170] : memref<8x128xf32, #tpu.memory_space<vmem>> -> memref<1x128xf32, #tpu.memory_space<vmem>>
      %dma_wait3A_172 = tpu.memref_squeeze %dma_wait3A_171 : memref<1x128xf32, #tpu.memory_space<vmem>> -> memref<128xf32, #tpu.memory_space<vmem>>
      %dma_wait3A_173 = arith.constant 0 : i32
      %dma_wait3A_174 = tpu.memref_slice %arg6[%add3A_89, %dma_wait3A_173] : memref<200x128xi32, #tpu.memory_space<vmem>> -> memref<1x128xi32, #tpu.memory_space<vmem>>
      %dma_wait3A_175 = tpu.memref_squeeze %dma_wait3A_174 : memref<1x128xi32, #tpu.memory_space<vmem>> -> memref<128xi32, #tpu.memory_space<vmem>>
      %dma_wait3A_176 = arith.constant 0 : i32
      %dma_wait3A_177 = tpu.memref_slice %arg10[%dma_wait3A_176] : memref<50176xf32, #tpu.memory_space<vmem_shared>> -> memref<50176xf32, #tpu.memory_space<vmem_shared>>
      tpu.wait_indirect_dma semaphore(%arg12 : memref<!tpu.dma_semaphore, #tpu.memory_space<semaphore_mem>>) src(%dma_wait3A_177 : memref<50176xf32, #tpu.memory_space<vmem_shared>>) dst(%dma_wait3A_172 : memref<128xf32, #tpu.memory_space<vmem>>)
      %dma_wait3A_178 = arith.constant 4 : i32
      %dma_wait3A_179 = arith.constant 0 : i32
      %dma_wait3A_180 = tpu.memref_slice %arg8[%dma_wait3A_178, %dma_wait3A_179] : memref<8x128xf32, #tpu.memory_space<vmem>> -> memref<1x128xf32, #tpu.memory_space<vmem>>
      %dma_wait3A_181 = tpu.memref_squeeze %dma_wait3A_180 : memref<1x128xf32, #tpu.memory_space<vmem>> -> memref<128xf32, #tpu.memory_space<vmem>>
      %dma_wait3A_182 = arith.constant 0 : i32
      %dma_wait3A_183 = tpu.memref_slice %arg6[%add3A_100, %dma_wait3A_182] : memref<200x128xi32, #tpu.memory_space<vmem>> -> memref<1x128xi32, #tpu.memory_space<vmem>>
      %dma_wait3A_184 = tpu.memref_squeeze %dma_wait3A_183 : memref<1x128xi32, #tpu.memory_space<vmem>> -> memref<128xi32, #tpu.memory_space<vmem>>
      %dma_wait3A_185 = arith.constant 0 : i32
      %dma_wait3A_186 = tpu.memref_slice %arg10[%dma_wait3A_185] : memref<50176xf32, #tpu.memory_space<vmem_shared>> -> memref<50176xf32, #tpu.memory_space<vmem_shared>>
      tpu.wait_indirect_dma semaphore(%arg12 : memref<!tpu.dma_semaphore, #tpu.memory_space<semaphore_mem>>) src(%dma_wait3A_186 : memref<50176xf32, #tpu.memory_space<vmem_shared>>) dst(%dma_wait3A_181 : memref<128xf32, #tpu.memory_space<vmem>>)
      %dma_wait3A_187 = arith.constant 5 : i32
      %dma_wait3A_188 = arith.constant 0 : i32
      %dma_wait3A_189 = tpu.memref_slice %arg8[%dma_wait3A_187, %dma_wait3A_188] : memref<8x128xf32, #tpu.memory_space<vmem>> -> memref<1x128xf32, #tpu.memory_space<vmem>>
      %dma_wait3A_190 = tpu.memref_squeeze %dma_wait3A_189 : memref<1x128xf32, #tpu.memory_space<vmem>> -> memref<128xf32, #tpu.memory_space<vmem>>
      %dma_wait3A_191 = arith.constant 0 : i32
      %dma_wait3A_192 = tpu.memref_slice %arg6[%add3A_111, %dma_wait3A_191] : memref<200x128xi32, #tpu.memory_space<vmem>> -> memref<1x128xi32, #tpu.memory_space<vmem>>
      %dma_wait3A_193 = tpu.memref_squeeze %dma_wait3A_192 : memref<1x128xi32, #tpu.memory_space<vmem>> -> memref<128xi32, #tpu.memory_space<vmem>>
      %dma_wait3A_194 = arith.constant 0 : i32
      %dma_wait3A_195 = tpu.memref_slice %arg10[%dma_wait3A_194] : memref<50176xf32, #tpu.memory_space<vmem_shared>> -> memref<50176xf32, #tpu.memory_space<vmem_shared>>
      tpu.wait_indirect_dma semaphore(%arg12 : memref<!tpu.dma_semaphore, #tpu.memory_space<semaphore_mem>>) src(%dma_wait3A_195 : memref<50176xf32, #tpu.memory_space<vmem_shared>>) dst(%dma_wait3A_190 : memref<128xf32, #tpu.memory_space<vmem>>)
      %dma_wait3A_196 = arith.constant 6 : i32
      %dma_wait3A_197 = arith.constant 0 : i32
      %dma_wait3A_198 = tpu.memref_slice %arg8[%dma_wait3A_196, %dma_wait3A_197] : memref<8x128xf32, #tpu.memory_space<vmem>> -> memref<1x128xf32, #tpu.memory_space<vmem>>
      %dma_wait3A_199 = tpu.memref_squeeze %dma_wait3A_198 : memref<1x128xf32, #tpu.memory_space<vmem>> -> memref<128xf32, #tpu.memory_space<vmem>>
      %dma_wait3A_200 = arith.constant 0 : i32
      %dma_wait3A_201 = tpu.memref_slice %arg6[%add3A_122, %dma_wait3A_200] : memref<200x128xi32, #tpu.memory_space<vmem>> -> memref<1x128xi32, #tpu.memory_space<vmem>>
      %dma_wait3A_202 = tpu.memref_squeeze %dma_wait3A_201 : memref<1x128xi32, #tpu.memory_space<vmem>> -> memref<128xi32, #tpu.memory_space<vmem>>
      %dma_wait3A_203 = arith.constant 0 : i32
      %dma_wait3A_204 = tpu.memref_slice %arg10[%dma_wait3A_203] : memref<50176xf32, #tpu.memory_space<vmem_shared>> -> memref<50176xf32, #tpu.memory_space<vmem_shared>>
      tpu.wait_indirect_dma semaphore(%arg12 : memref<!tpu.dma_semaphore, #tpu.memory_space<semaphore_mem>>) src(%dma_wait3A_204 : memref<50176xf32, #tpu.memory_space<vmem_shared>>) dst(%dma_wait3A_199 : memref<128xf32, #tpu.memory_space<vmem>>)
      %dma_wait3A_205 = arith.constant 7 : i32
      %dma_wait3A_206 = arith.constant 0 : i32
      %dma_wait3A_207 = tpu.memref_slice %arg8[%dma_wait3A_205, %dma_wait3A_206] : memref<8x128xf32, #tpu.memory_space<vmem>> -> memref<1x128xf32, #tpu.memory_space<vmem>>
      %dma_wait3A_208 = tpu.memref_squeeze %dma_wait3A_207 : memref<1x128xf32, #tpu.memory_space<vmem>> -> memref<128xf32, #tpu.memory_space<vmem>>
      %dma_wait3A_209 = arith.constant 0 : i32
      %dma_wait3A_210 = tpu.memref_slice %arg6[%add3A_133, %dma_wait3A_209] : memref<200x128xi32, #tpu.memory_space<vmem>> -> memref<1x128xi32, #tpu.memory_space<vmem>>
      %dma_wait3A_211 = tpu.memref_squeeze %dma_wait3A_210 : memref<1x128xi32, #tpu.memory_space<vmem>> -> memref<128xi32, #tpu.memory_space<vmem>>
      %dma_wait3A_212 = arith.constant 0 : i32
      %dma_wait3A_213 = tpu.memref_slice %arg10[%dma_wait3A_212] : memref<50176xf32, #tpu.memory_space<vmem_shared>> -> memref<50176xf32, #tpu.memory_space<vmem_shared>>
      tpu.wait_indirect_dma semaphore(%arg12 : memref<!tpu.dma_semaphore, #tpu.memory_space<semaphore_mem>>) src(%dma_wait3A_213 : memref<50176xf32, #tpu.memory_space<vmem_shared>>) dst(%dma_wait3A_208 : memref<128xf32, #tpu.memory_space<vmem>>)
      %add3A_214 = arith.constant 0 : i32
      %add3A_215 = arith.addi %mul3A_55, %add3A_214 : i32
      %dma_start3A_216 = arith.constant 0 : i32
      %dma_start3A_217 = arith.constant 0 : i32
      %dma_start3A_218 = tpu.memref_slice %arg8[%dma_start3A_216, %dma_start3A_217] : memref<8x128xf32, #tpu.memory_space<vmem>> -> memref<1x128xf32, #tpu.memory_space<vmem>>
      %dma_start3A_219 = tpu.memref_squeeze %dma_start3A_218 : memref<1x128xf32, #tpu.memory_space<vmem>> -> memref<128xf32, #tpu.memory_space<vmem>>
      %dma_start3A_220 = arith.constant 0 : i32
      %dma_start3A_221 = tpu.memref_slice %arg7[%add3A_215, %dma_start3A_220] : memref<200x128xi32, #tpu.memory_space<vmem>> -> memref<1x128xi32, #tpu.memory_space<vmem>>
      %dma_start3A_222 = tpu.memref_squeeze %dma_start3A_221 : memref<1x128xi32, #tpu.memory_space<vmem>> -> memref<128xi32, #tpu.memory_space<vmem>>
      %dma_start3A_223 = arith.constant 0 : i32
      %dma_start3A_224 = tpu.memref_slice %arg11[%dma_start3A_223] : memref<50176xf32, #tpu.memory_space<vmem_shared>> -> memref<50176xf32, #tpu.memory_space<vmem_shared>>
      tpu.enqueue_indirect_dma source(%dma_start3A_219 : memref<128xf32, #tpu.memory_space<vmem>>) target(%dma_start3A_224 : memref<50176xf32, #tpu.memory_space<vmem_shared>>) offsets(%dma_start3A_222 : memref<128xi32, #tpu.memory_space<vmem>>) semaphore(%arg13 : memref<!tpu.dma_semaphore, #tpu.memory_space<semaphore_mem>>) {add = true}
      %add3A_225 = arith.constant 1 : i32
      %add3A_226 = arith.addi %mul3A_55, %add3A_225 : i32
      %dma_start3A_227 = arith.constant 1 : i32
      %dma_start3A_228 = arith.constant 0 : i32
      %dma_start3A_229 = tpu.memref_slice %arg8[%dma_start3A_227, %dma_start3A_228] : memref<8x128xf32, #tpu.memory_space<vmem>> -> memref<1x128xf32, #tpu.memory_space<vmem>>
      %dma_start3A_230 = tpu.memref_squeeze %dma_start3A_229 : memref<1x128xf32, #tpu.memory_space<vmem>> -> memref<128xf32, #tpu.memory_space<vmem>>
      %dma_start3A_231 = arith.constant 0 : i32
      %dma_start3A_232 = tpu.memref_slice %arg7[%add3A_226, %dma_start3A_231] : memref<200x128xi32, #tpu.memory_space<vmem>> -> memref<1x128xi32, #tpu.memory_space<vmem>>
      %dma_start3A_233 = tpu.memref_squeeze %dma_start3A_232 : memref<1x128xi32, #tpu.memory_space<vmem>> -> memref<128xi32, #tpu.memory_space<vmem>>
      %dma_start3A_234 = arith.constant 0 : i32
      %dma_start3A_235 = tpu.memref_slice %arg11[%dma_start3A_234] : memref<50176xf32, #tpu.memory_space<vmem_shared>> -> memref<50176xf32, #tpu.memory_space<vmem_shared>>
      tpu.enqueue_indirect_dma source(%dma_start3A_230 : memref<128xf32, #tpu.memory_space<vmem>>) target(%dma_start3A_235 : memref<50176xf32, #tpu.memory_space<vmem_shared>>) offsets(%dma_start3A_233 : memref<128xi32, #tpu.memory_space<vmem>>) semaphore(%arg13 : memref<!tpu.dma_semaphore, #tpu.memory_space<semaphore_mem>>) {add = true}
      %add3A_236 = arith.constant 2 : i32
      %add3A_237 = arith.addi %mul3A_55, %add3A_236 : i32
      %dma_start3A_238 = arith.constant 2 : i32
      %dma_start3A_239 = arith.constant 0 : i32
      %dma_start3A_240 = tpu.memref_slice %arg8[%dma_start3A_238, %dma_start3A_239] : memref<8x128xf32, #tpu.memory_space<vmem>> -> memref<1x128xf32, #tpu.memory_space<vmem>>
      %dma_start3A_241 = tpu.memref_squeeze %dma_start3A_240 : memref<1x128xf32, #tpu.memory_space<vmem>> -> memref<128xf32, #tpu.memory_space<vmem>>
      %dma_start3A_242 = arith.constant 0 : i32
      %dma_start3A_243 = tpu.memref_slice %arg7[%add3A_237, %dma_start3A_242] : memref<200x128xi32, #tpu.memory_space<vmem>> -> memref<1x128xi32, #tpu.memory_space<vmem>>
      %dma_start3A_244 = tpu.memref_squeeze %dma_start3A_243 : memref<1x128xi32, #tpu.memory_space<vmem>> -> memref<128xi32, #tpu.memory_space<vmem>>
      %dma_start3A_245 = arith.constant 0 : i32
      %dma_start3A_246 = tpu.memref_slice %arg11[%dma_start3A_245] : memref<50176xf32, #tpu.memory_space<vmem_shared>> -> memref<50176xf32, #tpu.memory_space<vmem_shared>>
      tpu.enqueue_indirect_dma source(%dma_start3A_241 : memref<128xf32, #tpu.memory_space<vmem>>) target(%dma_start3A_246 : memref<50176xf32, #tpu.memory_space<vmem_shared>>) offsets(%dma_start3A_244 : memref<128xi32, #tpu.memory_space<vmem>>) semaphore(%arg13 : memref<!tpu.dma_semaphore, #tpu.memory_space<semaphore_mem>>) {add = true}
      %add3A_247 = arith.constant 3 : i32
      %add3A_248 = arith.addi %mul3A_55, %add3A_247 : i32
      %dma_start3A_249 = arith.constant 3 : i32
      %dma_start3A_250 = arith.constant 0 : i32
      %dma_start3A_251 = tpu.memref_slice %arg8[%dma_start3A_249, %dma_start3A_250] : memref<8x128xf32, #tpu.memory_space<vmem>> -> memref<1x128xf32, #tpu.memory_space<vmem>>
      %dma_start3A_252 = tpu.memref_squeeze %dma_start3A_251 : memref<1x128xf32, #tpu.memory_space<vmem>> -> memref<128xf32, #tpu.memory_space<vmem>>
      %dma_start3A_253 = arith.constant 0 : i32
      %dma_start3A_254 = tpu.memref_slice %arg7[%add3A_248, %dma_start3A_253] : memref<200x128xi32, #tpu.memory_space<vmem>> -> memref<1x128xi32, #tpu.memory_space<vmem>>
      %dma_start3A_255 = tpu.memref_squeeze %dma_start3A_254 : memref<1x128xi32, #tpu.memory_space<vmem>> -> memref<128xi32, #tpu.memory_space<vmem>>
      %dma_start3A_256 = arith.constant 0 : i32
      %dma_start3A_257 = tpu.memref_slice %arg11[%dma_start3A_256] : memref<50176xf32, #tpu.memory_space<vmem_shared>> -> memref<50176xf32, #tpu.memory_space<vmem_shared>>
      tpu.enqueue_indirect_dma source(%dma_start3A_252 : memref<128xf32, #tpu.memory_space<vmem>>) target(%dma_start3A_257 : memref<50176xf32, #tpu.memory_space<vmem_shared>>) offsets(%dma_start3A_255 : memref<128xi32, #tpu.memory_space<vmem>>) semaphore(%arg13 : memref<!tpu.dma_semaphore, #tpu.memory_space<semaphore_mem>>) {add = true}
      %add3A_258 = arith.constant 4 : i32
      %add3A_259 = arith.addi %mul3A_55, %add3A_258 : i32
      %dma_start3A_260 = arith.constant 4 : i32
      %dma_start3A_261 = arith.constant 0 : i32
      %dma_start3A_262 = tpu.memref_slice %arg8[%dma_start3A_260, %dma_start3A_261] : memref<8x128xf32, #tpu.memory_space<vmem>> -> memref<1x128xf32, #tpu.memory_space<vmem>>
      %dma_start3A_263 = tpu.memref_squeeze %dma_start3A_262 : memref<1x128xf32, #tpu.memory_space<vmem>> -> memref<128xf32, #tpu.memory_space<vmem>>
      %dma_start3A_264 = arith.constant 0 : i32
      %dma_start3A_265 = tpu.memref_slice %arg7[%add3A_259, %dma_start3A_264] : memref<200x128xi32, #tpu.memory_space<vmem>> -> memref<1x128xi32, #tpu.memory_space<vmem>>
      %dma_start3A_266 = tpu.memref_squeeze %dma_start3A_265 : memref<1x128xi32, #tpu.memory_space<vmem>> -> memref<128xi32, #tpu.memory_space<vmem>>
      %dma_start3A_267 = arith.constant 0 : i32
      %dma_start3A_268 = tpu.memref_slice %arg11[%dma_start3A_267] : memref<50176xf32, #tpu.memory_space<vmem_shared>> -> memref<50176xf32, #tpu.memory_space<vmem_shared>>
      tpu.enqueue_indirect_dma source(%dma_start3A_263 : memref<128xf32, #tpu.memory_space<vmem>>) target(%dma_start3A_268 : memref<50176xf32, #tpu.memory_space<vmem_shared>>) offsets(%dma_start3A_266 : memref<128xi32, #tpu.memory_space<vmem>>) semaphore(%arg13 : memref<!tpu.dma_semaphore, #tpu.memory_space<semaphore_mem>>) {add = true}
      %add3A_269 = arith.constant 5 : i32
      %add3A_270 = arith.addi %mul3A_55, %add3A_269 : i32
      %dma_start3A_271 = arith.constant 5 : i32
      %dma_start3A_272 = arith.constant 0 : i32
      %dma_start3A_273 = tpu.memref_slice %arg8[%dma_start3A_271, %dma_start3A_272] : memref<8x128xf32, #tpu.memory_space<vmem>> -> memref<1x128xf32, #tpu.memory_space<vmem>>
      %dma_start3A_274 = tpu.memref_squeeze %dma_start3A_273 : memref<1x128xf32, #tpu.memory_space<vmem>> -> memref<128xf32, #tpu.memory_space<vmem>>
      %dma_start3A_275 = arith.constant 0 : i32
      %dma_start3A_276 = tpu.memref_slice %arg7[%add3A_270, %dma_start3A_275] : memref<200x128xi32, #tpu.memory_space<vmem>> -> memref<1x128xi32, #tpu.memory_space<vmem>>
      %dma_start3A_277 = tpu.memref_squeeze %dma_start3A_276 : memref<1x128xi32, #tpu.memory_space<vmem>> -> memref<128xi32, #tpu.memory_space<vmem>>
      %dma_start3A_278 = arith.constant 0 : i32
      %dma_start3A_279 = tpu.memref_slice %arg11[%dma_start3A_278] : memref<50176xf32, #tpu.memory_space<vmem_shared>> -> memref<50176xf32, #tpu.memory_space<vmem_shared>>
      tpu.enqueue_indirect_dma source(%dma_start3A_274 : memref<128xf32, #tpu.memory_space<vmem>>) target(%dma_start3A_279 : memref<50176xf32, #tpu.memory_space<vmem_shared>>) offsets(%dma_start3A_277 : memref<128xi32, #tpu.memory_space<vmem>>) semaphore(%arg13 : memref<!tpu.dma_semaphore, #tpu.memory_space<semaphore_mem>>) {add = true}
      %add3A_280 = arith.constant 6 : i32
      %add3A_281 = arith.addi %mul3A_55, %add3A_280 : i32
      %dma_start3A_282 = arith.constant 6 : i32
      %dma_start3A_283 = arith.constant 0 : i32
      %dma_start3A_284 = tpu.memref_slice %arg8[%dma_start3A_282, %dma_start3A_283] : memref<8x128xf32, #tpu.memory_space<vmem>> -> memref<1x128xf32, #tpu.memory_space<vmem>>
      %dma_start3A_285 = tpu.memref_squeeze %dma_start3A_284 : memref<1x128xf32, #tpu.memory_space<vmem>> -> memref<128xf32, #tpu.memory_space<vmem>>
      %dma_start3A_286 = arith.constant 0 : i32
      %dma_start3A_287 = tpu.memref_slice %arg7[%add3A_281, %dma_start3A_286] : memref<200x128xi32, #tpu.memory_space<vmem>> -> memref<1x128xi32, #tpu.memory_space<vmem>>
      %dma_start3A_288 = tpu.memref_squeeze %dma_start3A_287 : memref<1x128xi32, #tpu.memory_space<vmem>> -> memref<128xi32, #tpu.memory_space<vmem>>
      %dma_start3A_289 = arith.constant 0 : i32
      %dma_start3A_290 = tpu.memref_slice %arg11[%dma_start3A_289] : memref<50176xf32, #tpu.memory_space<vmem_shared>> -> memref<50176xf32, #tpu.memory_space<vmem_shared>>
      tpu.enqueue_indirect_dma source(%dma_start3A_285 : memref<128xf32, #tpu.memory_space<vmem>>) target(%dma_start3A_290 : memref<50176xf32, #tpu.memory_space<vmem_shared>>) offsets(%dma_start3A_288 : memref<128xi32, #tpu.memory_space<vmem>>) semaphore(%arg13 : memref<!tpu.dma_semaphore, #tpu.memory_space<semaphore_mem>>) {add = true}
      %add3A_291 = arith.constant 7 : i32
      %add3A_292 = arith.addi %mul3A_55, %add3A_291 : i32
      %dma_start3A_293 = arith.constant 7 : i32
      %dma_start3A_294 = arith.constant 0 : i32
      %dma_start3A_295 = tpu.memref_slice %arg8[%dma_start3A_293, %dma_start3A_294] : memref<8x128xf32, #tpu.memory_space<vmem>> -> memref<1x128xf32, #tpu.memory_space<vmem>>
      %dma_start3A_296 = tpu.memref_squeeze %dma_start3A_295 : memref<1x128xf32, #tpu.memory_space<vmem>> -> memref<128xf32, #tpu.memory_space<vmem>>
      %dma_start3A_297 = arith.constant 0 : i32
      %dma_start3A_298 = tpu.memref_slice %arg7[%add3A_292, %dma_start3A_297] : memref<200x128xi32, #tpu.memory_space<vmem>> -> memref<1x128xi32, #tpu.memory_space<vmem>>
      %dma_start3A_299 = tpu.memref_squeeze %dma_start3A_298 : memref<1x128xi32, #tpu.memory_space<vmem>> -> memref<128xi32, #tpu.memory_space<vmem>>
      %dma_start3A_300 = arith.constant 0 : i32
      %dma_start3A_301 = tpu.memref_slice %arg11[%dma_start3A_300] : memref<50176xf32, #tpu.memory_space<vmem_shared>> -> memref<50176xf32, #tpu.memory_space<vmem_shared>>
      tpu.enqueue_indirect_dma source(%dma_start3A_296 : memref<128xf32, #tpu.memory_space<vmem>>) target(%dma_start3A_301 : memref<50176xf32, #tpu.memory_space<vmem_shared>>) offsets(%dma_start3A_299 : memref<128xi32, #tpu.memory_space<vmem>>) semaphore(%arg13 : memref<!tpu.dma_semaphore, #tpu.memory_space<semaphore_mem>>) {add = true}
      %dma_wait3A_302 = arith.constant 0 : i32
      %dma_wait3A_303 = arith.constant 0 : i32
      %dma_wait3A_304 = tpu.memref_slice %arg8[%dma_wait3A_302, %dma_wait3A_303] : memref<8x128xf32, #tpu.memory_space<vmem>> -> memref<1x128xf32, #tpu.memory_space<vmem>>
      %dma_wait3A_305 = tpu.memref_squeeze %dma_wait3A_304 : memref<1x128xf32, #tpu.memory_space<vmem>> -> memref<128xf32, #tpu.memory_space<vmem>>
      %dma_wait3A_306 = arith.constant 0 : i32
      %dma_wait3A_307 = tpu.memref_slice %arg7[%add3A_215, %dma_wait3A_306] : memref<200x128xi32, #tpu.memory_space<vmem>> -> memref<1x128xi32, #tpu.memory_space<vmem>>
      %dma_wait3A_308 = tpu.memref_squeeze %dma_wait3A_307 : memref<1x128xi32, #tpu.memory_space<vmem>> -> memref<128xi32, #tpu.memory_space<vmem>>
      %dma_wait3A_309 = arith.constant 0 : i32
      %dma_wait3A_310 = tpu.memref_slice %arg11[%dma_wait3A_309] : memref<50176xf32, #tpu.memory_space<vmem_shared>> -> memref<50176xf32, #tpu.memory_space<vmem_shared>>
      tpu.wait_indirect_dma semaphore(%arg13 : memref<!tpu.dma_semaphore, #tpu.memory_space<semaphore_mem>>) src(%dma_wait3A_305 : memref<128xf32, #tpu.memory_space<vmem>>) dst(%dma_wait3A_310 : memref<50176xf32, #tpu.memory_space<vmem_shared>>)
      %dma_wait3A_311 = arith.constant 1 : i32
      %dma_wait3A_312 = arith.constant 0 : i32
      %dma_wait3A_313 = tpu.memref_slice %arg8[%dma_wait3A_311, %dma_wait3A_312] : memref<8x128xf32, #tpu.memory_space<vmem>> -> memref<1x128xf32, #tpu.memory_space<vmem>>
      %dma_wait3A_314 = tpu.memref_squeeze %dma_wait3A_313 : memref<1x128xf32, #tpu.memory_space<vmem>> -> memref<128xf32, #tpu.memory_space<vmem>>
      %dma_wait3A_315 = arith.constant 0 : i32
      %dma_wait3A_316 = tpu.memref_slice %arg7[%add3A_226, %dma_wait3A_315] : memref<200x128xi32, #tpu.memory_space<vmem>> -> memref<1x128xi32, #tpu.memory_space<vmem>>
      %dma_wait3A_317 = tpu.memref_squeeze %dma_wait3A_316 : memref<1x128xi32, #tpu.memory_space<vmem>> -> memref<128xi32, #tpu.memory_space<vmem>>
      %dma_wait3A_318 = arith.constant 0 : i32
      %dma_wait3A_319 = tpu.memref_slice %arg11[%dma_wait3A_318] : memref<50176xf32, #tpu.memory_space<vmem_shared>> -> memref<50176xf32, #tpu.memory_space<vmem_shared>>
      tpu.wait_indirect_dma semaphore(%arg13 : memref<!tpu.dma_semaphore, #tpu.memory_space<semaphore_mem>>) src(%dma_wait3A_314 : memref<128xf32, #tpu.memory_space<vmem>>) dst(%dma_wait3A_319 : memref<50176xf32, #tpu.memory_space<vmem_shared>>)
      %dma_wait3A_320 = arith.constant 2 : i32
      %dma_wait3A_321 = arith.constant 0 : i32
      %dma_wait3A_322 = tpu.memref_slice %arg8[%dma_wait3A_320, %dma_wait3A_321] : memref<8x128xf32, #tpu.memory_space<vmem>> -> memref<1x128xf32, #tpu.memory_space<vmem>>
      %dma_wait3A_323 = tpu.memref_squeeze %dma_wait3A_322 : memref<1x128xf32, #tpu.memory_space<vmem>> -> memref<128xf32, #tpu.memory_space<vmem>>
      %dma_wait3A_324 = arith.constant 0 : i32
      %dma_wait3A_325 = tpu.memref_slice %arg7[%add3A_237, %dma_wait3A_324] : memref<200x128xi32, #tpu.memory_space<vmem>> -> memref<1x128xi32, #tpu.memory_space<vmem>>
      %dma_wait3A_326 = tpu.memref_squeeze %dma_wait3A_325 : memref<1x128xi32, #tpu.memory_space<vmem>> -> memref<128xi32, #tpu.memory_space<vmem>>
      %dma_wait3A_327 = arith.constant 0 : i32
      %dma_wait3A_328 = tpu.memref_slice %arg11[%dma_wait3A_327] : memref<50176xf32, #tpu.memory_space<vmem_shared>> -> memref<50176xf32, #tpu.memory_space<vmem_shared>>
      tpu.wait_indirect_dma semaphore(%arg13 : memref<!tpu.dma_semaphore, #tpu.memory_space<semaphore_mem>>) src(%dma_wait3A_323 : memref<128xf32, #tpu.memory_space<vmem>>) dst(%dma_wait3A_328 : memref<50176xf32, #tpu.memory_space<vmem_shared>>)
      %dma_wait3A_329 = arith.constant 3 : i32
      %dma_wait3A_330 = arith.constant 0 : i32
      %dma_wait3A_331 = tpu.memref_slice %arg8[%dma_wait3A_329, %dma_wait3A_330] : memref<8x128xf32, #tpu.memory_space<vmem>> -> memref<1x128xf32, #tpu.memory_space<vmem>>
      %dma_wait3A_332 = tpu.memref_squeeze %dma_wait3A_331 : memref<1x128xf32, #tpu.memory_space<vmem>> -> memref<128xf32, #tpu.memory_space<vmem>>
      %dma_wait3A_333 = arith.constant 0 : i32
      %dma_wait3A_334 = tpu.memref_slice %arg7[%add3A_248, %dma_wait3A_333] : memref<200x128xi32, #tpu.memory_space<vmem>> -> memref<1x128xi32, #tpu.memory_space<vmem>>
      %dma_wait3A_335 = tpu.memref_squeeze %dma_wait3A_334 : memref<1x128xi32, #tpu.memory_space<vmem>> -> memref<128xi32, #tpu.memory_space<vmem>>
      %dma_wait3A_336 = arith.constant 0 : i32
      %dma_wait3A_337 = tpu.memref_slice %arg11[%dma_wait3A_336] : memref<50176xf32, #tpu.memory_space<vmem_shared>> -> memref<50176xf32, #tpu.memory_space<vmem_shared>>
      tpu.wait_indirect_dma semaphore(%arg13 : memref<!tpu.dma_semaphore, #tpu.memory_space<semaphore_mem>>) src(%dma_wait3A_332 : memref<128xf32, #tpu.memory_space<vmem>>) dst(%dma_wait3A_337 : memref<50176xf32, #tpu.memory_space<vmem_shared>>)
      %dma_wait3A_338 = arith.constant 4 : i32
      %dma_wait3A_339 = arith.constant 0 : i32
      %dma_wait3A_340 = tpu.memref_slice %arg8[%dma_wait3A_338, %dma_wait3A_339] : memref<8x128xf32, #tpu.memory_space<vmem>> -> memref<1x128xf32, #tpu.memory_space<vmem>>
      %dma_wait3A_341 = tpu.memref_squeeze %dma_wait3A_340 : memref<1x128xf32, #tpu.memory_space<vmem>> -> memref<128xf32, #tpu.memory_space<vmem>>
      %dma_wait3A_342 = arith.constant 0 : i32
      %dma_wait3A_343 = tpu.memref_slice %arg7[%add3A_259, %dma_wait3A_342] : memref<200x128xi32, #tpu.memory_space<vmem>> -> memref<1x128xi32, #tpu.memory_space<vmem>>
      %dma_wait3A_344 = tpu.memref_squeeze %dma_wait3A_343 : memref<1x128xi32, #tpu.memory_space<vmem>> -> memref<128xi32, #tpu.memory_space<vmem>>
      %dma_wait3A_345 = arith.constant 0 : i32
      %dma_wait3A_346 = tpu.memref_slice %arg11[%dma_wait3A_345] : memref<50176xf32, #tpu.memory_space<vmem_shared>> -> memref<50176xf32, #tpu.memory_space<vmem_shared>>
      tpu.wait_indirect_dma semaphore(%arg13 : memref<!tpu.dma_semaphore, #tpu.memory_space<semaphore_mem>>) src(%dma_wait3A_341 : memref<128xf32, #tpu.memory_space<vmem>>) dst(%dma_wait3A_346 : memref<50176xf32, #tpu.memory_space<vmem_shared>>)
      %dma_wait3A_347 = arith.constant 5 : i32
      %dma_wait3A_348 = arith.constant 0 : i32
      %dma_wait3A_349 = tpu.memref_slice %arg8[%dma_wait3A_347, %dma_wait3A_348] : memref<8x128xf32, #tpu.memory_space<vmem>> -> memref<1x128xf32, #tpu.memory_space<vmem>>
      %dma_wait3A_350 = tpu.memref_squeeze %dma_wait3A_349 : memref<1x128xf32, #tpu.memory_space<vmem>> -> memref<128xf32, #tpu.memory_space<vmem>>
      %dma_wait3A_351 = arith.constant 0 : i32
      %dma_wait3A_352 = tpu.memref_slice %arg7[%add3A_270, %dma_wait3A_351] : memref<200x128xi32, #tpu.memory_space<vmem>> -> memref<1x128xi32, #tpu.memory_space<vmem>>
      %dma_wait3A_353 = tpu.memref_squeeze %dma_wait3A_352 : memref<1x128xi32, #tpu.memory_space<vmem>> -> memref<128xi32, #tpu.memory_space<vmem>>
      %dma_wait3A_354 = arith.constant 0 : i32
      %dma_wait3A_355 = tpu.memref_slice %arg11[%dma_wait3A_354] : memref<50176xf32, #tpu.memory_space<vmem_shared>> -> memref<50176xf32, #tpu.memory_space<vmem_shared>>
      tpu.wait_indirect_dma semaphore(%arg13 : memref<!tpu.dma_semaphore, #tpu.memory_space<semaphore_mem>>) src(%dma_wait3A_350 : memref<128xf32, #tpu.memory_space<vmem>>) dst(%dma_wait3A_355 : memref<50176xf32, #tpu.memory_space<vmem_shared>>)
      %dma_wait3A_356 = arith.constant 6 : i32
      %dma_wait3A_357 = arith.constant 0 : i32
      %dma_wait3A_358 = tpu.memref_slice %arg8[%dma_wait3A_356, %dma_wait3A_357] : memref<8x128xf32, #tpu.memory_space<vmem>> -> memref<1x128xf32, #tpu.memory_space<vmem>>
      %dma_wait3A_359 = tpu.memref_squeeze %dma_wait3A_358 : memref<1x128xf32, #tpu.memory_space<vmem>> -> memref<128xf32, #tpu.memory_space<vmem>>
      %dma_wait3A_360 = arith.constant 0 : i32
      %dma_wait3A_361 = tpu.memref_slice %arg7[%add3A_281, %dma_wait3A_360] : memref<200x128xi32, #tpu.memory_space<vmem>> -> memref<1x128xi32, #tpu.memory_space<vmem>>
      %dma_wait3A_362 = tpu.memref_squeeze %dma_wait3A_361 : memref<1x128xi32, #tpu.memory_space<vmem>> -> memref<128xi32, #tpu.memory_space<vmem>>
      %dma_wait3A_363 = arith.constant 0 : i32
      %dma_wait3A_364 = tpu.memref_slice %arg11[%dma_wait3A_363] : memref<50176xf32, #tpu.memory_space<vmem_shared>> -> memref<50176xf32, #tpu.memory_space<vmem_shared>>
      tpu.wait_indirect_dma semaphore(%arg13 : memref<!tpu.dma_semaphore, #tpu.memory_space<semaphore_mem>>) src(%dma_wait3A_359 : memref<128xf32, #tpu.memory_space<vmem>>) dst(%dma_wait3A_364 : memref<50176xf32, #tpu.memory_space<vmem_shared>>)
      %dma_wait3A_365 = arith.constant 7 : i32
      %dma_wait3A_366 = arith.constant 0 : i32
      %dma_wait3A_367 = tpu.memref_slice %arg8[%dma_wait3A_365, %dma_wait3A_366] : memref<8x128xf32, #tpu.memory_space<vmem>> -> memref<1x128xf32, #tpu.memory_space<vmem>>
      %dma_wait3A_368 = tpu.memref_squeeze %dma_wait3A_367 : memref<1x128xf32, #tpu.memory_space<vmem>> -> memref<128xf32, #tpu.memory_space<vmem>>
      %dma_wait3A_369 = arith.constant 0 : i32
      %dma_wait3A_370 = tpu.memref_slice %arg7[%add3A_292, %dma_wait3A_369] : memref<200x128xi32, #tpu.memory_space<vmem>> -> memref<1x128xi32, #tpu.memory_space<vmem>>
      %dma_wait3A_371 = tpu.memref_squeeze %dma_wait3A_370 : memref<1x128xi32, #tpu.memory_space<vmem>> -> memref<128xi32, #tpu.memory_space<vmem>>
      %dma_wait3A_372 = arith.constant 0 : i32
      %dma_wait3A_373 = tpu.memref_slice %arg11[%dma_wait3A_372] : memref<50176xf32, #tpu.memory_space<vmem_shared>> -> memref<50176xf32, #tpu.memory_space<vmem_shared>>
      tpu.wait_indirect_dma semaphore(%arg13 : memref<!tpu.dma_semaphore, #tpu.memory_space<semaphore_mem>>) src(%dma_wait3A_368 : memref<128xf32, #tpu.memory_space<vmem>>) dst(%dma_wait3A_373 : memref<50176xf32, #tpu.memory_space<vmem_shared>>)
    }
    %while3A_39 = arith.constant 1 : i32
    scf.for %while3A_53 = %while3A_37 to %while3A_33 step %while3A_39  : i32 {
      %mul3A_54 = arith.constant 8 : i32
      %mul3A_55 = arith.muli %while3A_53, %mul3A_54 : i32
      %add3A_56 = arith.constant 0 : i32
      %add3A_57 = arith.addi %mul3A_55, %add3A_56 : i32
      %dma_start3A = arith.constant 0 : i32
      %dma_start3A_58 = arith.constant 0 : i32
      %dma_start3A_59 = tpu.memref_slice %arg8[%dma_start3A, %dma_start3A_58] : memref<8x128xf32, #tpu.memory_space<vmem>> -> memref<1x128xf32, #tpu.memory_space<vmem>>
      %dma_start3A_60 = tpu.memref_squeeze %dma_start3A_59 : memref<1x128xf32, #tpu.memory_space<vmem>> -> memref<128xf32, #tpu.memory_space<vmem>>
      %dma_start3A_61 = arith.constant 0 : i32
      %dma_start3A_62 = tpu.memref_slice %arg6[%add3A_57, %dma_start3A_61] : memref<200x128xi32, #tpu.memory_space<vmem>> -> memref<1x128xi32, #tpu.memory_space<vmem>>
      %dma_start3A_63 = tpu.memref_squeeze %dma_start3A_62 : memref<1x128xi32, #tpu.memory_space<vmem>> -> memref<128xi32, #tpu.memory_space<vmem>>
      %dma_start3A_64 = arith.constant 0 : i32
      %dma_start3A_65 = tpu.memref_slice %arg10[%dma_start3A_64] : memref<50176xf32, #tpu.memory_space<vmem_shared>> -> memref<50176xf32, #tpu.memory_space<vmem_shared>>
      tpu.enqueue_indirect_dma source(%dma_start3A_65 : memref<50176xf32, #tpu.memory_space<vmem_shared>>) target(%dma_start3A_60 : memref<128xf32, #tpu.memory_space<vmem>>) offsets(%dma_start3A_63 : memref<128xi32, #tpu.memory_space<vmem>>) semaphore(%arg12 : memref<!tpu.dma_semaphore, #tpu.memory_space<semaphore_mem>>)
      %add3A_66 = arith.constant 1 : i32
      %add3A_67 = arith.addi %mul3A_55, %add3A_66 : i32
      %dma_start3A_68 = arith.constant 1 : i32
      %dma_start3A_69 = arith.constant 0 : i32
      %dma_start3A_70 = tpu.memref_slice %arg8[%dma_start3A_68, %dma_start3A_69] : memref<8x128xf32, #tpu.memory_space<vmem>> -> memref<1x128xf32, #tpu.memory_space<vmem>>
      %dma_start3A_71 = tpu.memref_squeeze %dma_start3A_70 : memref<1x128xf32, #tpu.memory_space<vmem>> -> memref<128xf32, #tpu.memory_space<vmem>>
      %dma_start3A_72 = arith.constant 0 : i32
      %dma_start3A_73 = tpu.memref_slice %arg6[%add3A_67, %dma_start3A_72] : memref<200x128xi32, #tpu.memory_space<vmem>> -> memref<1x128xi32, #tpu.memory_space<vmem>>
      %dma_start3A_74 = tpu.memref_squeeze %dma_start3A_73 : memref<1x128xi32, #tpu.memory_space<vmem>> -> memref<128xi32, #tpu.memory_space<vmem>>
      %dma_start3A_75 = arith.constant 0 : i32
      %dma_start3A_76 = tpu.memref_slice %arg10[%dma_start3A_75] : memref<50176xf32, #tpu.memory_space<vmem_shared>> -> memref<50176xf32, #tpu.memory_space<vmem_shared>>
      tpu.enqueue_indirect_dma source(%dma_start3A_76 : memref<50176xf32, #tpu.memory_space<vmem_shared>>) target(%dma_start3A_71 : memref<128xf32, #tpu.memory_space<vmem>>) offsets(%dma_start3A_74 : memref<128xi32, #tpu.memory_space<vmem>>) semaphore(%arg12 : memref<!tpu.dma_semaphore, #tpu.memory_space<semaphore_mem>>)
      %add3A_77 = arith.constant 2 : i32
      %add3A_78 = arith.addi %mul3A_55, %add3A_77 : i32
      %dma_start3A_79 = arith.constant 2 : i32
      %dma_start3A_80 = arith.constant 0 : i32
      %dma_start3A_81 = tpu.memref_slice %arg8[%dma_start3A_79, %dma_start3A_80] : memref<8x128xf32, #tpu.memory_space<vmem>> -> memref<1x128xf32, #tpu.memory_space<vmem>>
      %dma_start3A_82 = tpu.memref_squeeze %dma_start3A_81 : memref<1x128xf32, #tpu.memory_space<vmem>> -> memref<128xf32, #tpu.memory_space<vmem>>
      %dma_start3A_83 = arith.constant 0 : i32
      %dma_start3A_84 = tpu.memref_slice %arg6[%add3A_78, %dma_start3A_83] : memref<200x128xi32, #tpu.memory_space<vmem>> -> memref<1x128xi32, #tpu.memory_space<vmem>>
      %dma_start3A_85 = tpu.memref_squeeze %dma_start3A_84 : memref<1x128xi32, #tpu.memory_space<vmem>> -> memref<128xi32, #tpu.memory_space<vmem>>
      %dma_start3A_86 = arith.constant 0 : i32
      %dma_start3A_87 = tpu.memref_slice %arg10[%dma_start3A_86] : memref<50176xf32, #tpu.memory_space<vmem_shared>> -> memref<50176xf32, #tpu.memory_space<vmem_shared>>
      tpu.enqueue_indirect_dma source(%dma_start3A_87 : memref<50176xf32, #tpu.memory_space<vmem_shared>>) target(%dma_start3A_82 : memref<128xf32, #tpu.memory_space<vmem>>) offsets(%dma_start3A_85 : memref<128xi32, #tpu.memory_space<vmem>>) semaphore(%arg12 : memref<!tpu.dma_semaphore, #tpu.memory_space<semaphore_mem>>)
      %add3A_88 = arith.constant 3 : i32
      %add3A_89 = arith.addi %mul3A_55, %add3A_88 : i32
      %dma_start3A_90 = arith.constant 3 : i32
      %dma_start3A_91 = arith.constant 0 : i32
      %dma_start3A_92 = tpu.memref_slice %arg8[%dma_start3A_90, %dma_start3A_91] : memref<8x128xf32, #tpu.memory_space<vmem>> -> memref<1x128xf32, #tpu.memory_space<vmem>>
      %dma_start3A_93 = tpu.memref_squeeze %dma_start3A_92 : memref<1x128xf32, #tpu.memory_space<vmem>> -> memref<128xf32, #tpu.memory_space<vmem>>
      %dma_start3A_94 = arith.constant 0 : i32
      %dma_start3A_95 = tpu.memref_slice %arg6[%add3A_89, %dma_start3A_94] : memref<200x128xi32, #tpu.memory_space<vmem>> -> memref<1x128xi32, #tpu.memory_space<vmem>>
      %dma_start3A_96 = tpu.memref_squeeze %dma_start3A_95 : memref<1x128xi32, #tpu.memory_space<vmem>> -> memref<128xi32, #tpu.memory_space<vmem>>
      %dma_start3A_97 = arith.constant 0 : i32
      %dma_start3A_98 = tpu.memref_slice %arg10[%dma_start3A_97] : memref<50176xf32, #tpu.memory_space<vmem_shared>> -> memref<50176xf32, #tpu.memory_space<vmem_shared>>
      tpu.enqueue_indirect_dma source(%dma_start3A_98 : memref<50176xf32, #tpu.memory_space<vmem_shared>>) target(%dma_start3A_93 : memref<128xf32, #tpu.memory_space<vmem>>) offsets(%dma_start3A_96 : memref<128xi32, #tpu.memory_space<vmem>>) semaphore(%arg12 : memref<!tpu.dma_semaphore, #tpu.memory_space<semaphore_mem>>)
      %add3A_99 = arith.constant 4 : i32
      %add3A_100 = arith.addi %mul3A_55, %add3A_99 : i32
      %dma_start3A_101 = arith.constant 4 : i32
      %dma_start3A_102 = arith.constant 0 : i32
      %dma_start3A_103 = tpu.memref_slice %arg8[%dma_start3A_101, %dma_start3A_102] : memref<8x128xf32, #tpu.memory_space<vmem>> -> memref<1x128xf32, #tpu.memory_space<vmem>>
      %dma_start3A_104 = tpu.memref_squeeze %dma_start3A_103 : memref<1x128xf32, #tpu.memory_space<vmem>> -> memref<128xf32, #tpu.memory_space<vmem>>
      %dma_start3A_105 = arith.constant 0 : i32
      %dma_start3A_106 = tpu.memref_slice %arg6[%add3A_100, %dma_start3A_105] : memref<200x128xi32, #tpu.memory_space<vmem>> -> memref<1x128xi32, #tpu.memory_space<vmem>>
      %dma_start3A_107 = tpu.memref_squeeze %dma_start3A_106 : memref<1x128xi32, #tpu.memory_space<vmem>> -> memref<128xi32, #tpu.memory_space<vmem>>
      %dma_start3A_108 = arith.constant 0 : i32
      %dma_start3A_109 = tpu.memref_slice %arg10[%dma_start3A_108] : memref<50176xf32, #tpu.memory_space<vmem_shared>> -> memref<50176xf32, #tpu.memory_space<vmem_shared>>
      tpu.enqueue_indirect_dma source(%dma_start3A_109 : memref<50176xf32, #tpu.memory_space<vmem_shared>>) target(%dma_start3A_104 : memref<128xf32, #tpu.memory_space<vmem>>) offsets(%dma_start3A_107 : memref<128xi32, #tpu.memory_space<vmem>>) semaphore(%arg12 : memref<!tpu.dma_semaphore, #tpu.memory_space<semaphore_mem>>)
      %add3A_110 = arith.constant 5 : i32
      %add3A_111 = arith.addi %mul3A_55, %add3A_110 : i32
      %dma_start3A_112 = arith.constant 5 : i32
      %dma_start3A_113 = arith.constant 0 : i32
      %dma_start3A_114 = tpu.memref_slice %arg8[%dma_start3A_112, %dma_start3A_113] : memref<8x128xf32, #tpu.memory_space<vmem>> -> memref<1x128xf32, #tpu.memory_space<vmem>>
      %dma_start3A_115 = tpu.memref_squeeze %dma_start3A_114 : memref<1x128xf32, #tpu.memory_space<vmem>> -> memref<128xf32, #tpu.memory_space<vmem>>
      %dma_start3A_116 = arith.constant 0 : i32
      %dma_start3A_117 = tpu.memref_slice %arg6[%add3A_111, %dma_start3A_116] : memref<200x128xi32, #tpu.memory_space<vmem>> -> memref<1x128xi32, #tpu.memory_space<vmem>>
      %dma_start3A_118 = tpu.memref_squeeze %dma_start3A_117 : memref<1x128xi32, #tpu.memory_space<vmem>> -> memref<128xi32, #tpu.memory_space<vmem>>
      %dma_start3A_119 = arith.constant 0 : i32
      %dma_start3A_120 = tpu.memref_slice %arg10[%dma_start3A_119] : memref<50176xf32, #tpu.memory_space<vmem_shared>> -> memref<50176xf32, #tpu.memory_space<vmem_shared>>
      tpu.enqueue_indirect_dma source(%dma_start3A_120 : memref<50176xf32, #tpu.memory_space<vmem_shared>>) target(%dma_start3A_115 : memref<128xf32, #tpu.memory_space<vmem>>) offsets(%dma_start3A_118 : memref<128xi32, #tpu.memory_space<vmem>>) semaphore(%arg12 : memref<!tpu.dma_semaphore, #tpu.memory_space<semaphore_mem>>)
      %add3A_121 = arith.constant 6 : i32
      %add3A_122 = arith.addi %mul3A_55, %add3A_121 : i32
      %dma_start3A_123 = arith.constant 6 : i32
      %dma_start3A_124 = arith.constant 0 : i32
      %dma_start3A_125 = tpu.memref_slice %arg8[%dma_start3A_123, %dma_start3A_124] : memref<8x128xf32, #tpu.memory_space<vmem>> -> memref<1x128xf32, #tpu.memory_space<vmem>>
      %dma_start3A_126 = tpu.memref_squeeze %dma_start3A_125 : memref<1x128xf32, #tpu.memory_space<vmem>> -> memref<128xf32, #tpu.memory_space<vmem>>
      %dma_start3A_127 = arith.constant 0 : i32
      %dma_start3A_128 = tpu.memref_slice %arg6[%add3A_122, %dma_start3A_127] : memref<200x128xi32, #tpu.memory_space<vmem>> -> memref<1x128xi32, #tpu.memory_space<vmem>>
      %dma_start3A_129 = tpu.memref_squeeze %dma_start3A_128 : memref<1x128xi32, #tpu.memory_space<vmem>> -> memref<128xi32, #tpu.memory_space<vmem>>
      %dma_start3A_130 = arith.constant 0 : i32
      %dma_start3A_131 = tpu.memref_slice %arg10[%dma_start3A_130] : memref<50176xf32, #tpu.memory_space<vmem_shared>> -> memref<50176xf32, #tpu.memory_space<vmem_shared>>
      tpu.enqueue_indirect_dma source(%dma_start3A_131 : memref<50176xf32, #tpu.memory_space<vmem_shared>>) target(%dma_start3A_126 : memref<128xf32, #tpu.memory_space<vmem>>) offsets(%dma_start3A_129 : memref<128xi32, #tpu.memory_space<vmem>>) semaphore(%arg12 : memref<!tpu.dma_semaphore, #tpu.memory_space<semaphore_mem>>)
      %add3A_132 = arith.constant 7 : i32
      %add3A_133 = arith.addi %mul3A_55, %add3A_132 : i32
      %dma_start3A_134 = arith.constant 7 : i32
      %dma_start3A_135 = arith.constant 0 : i32
      %dma_start3A_136 = tpu.memref_slice %arg8[%dma_start3A_134, %dma_start3A_135] : memref<8x128xf32, #tpu.memory_space<vmem>> -> memref<1x128xf32, #tpu.memory_space<vmem>>
      %dma_start3A_137 = tpu.memref_squeeze %dma_start3A_136 : memref<1x128xf32, #tpu.memory_space<vmem>> -> memref<128xf32, #tpu.memory_space<vmem>>
      %dma_start3A_138 = arith.constant 0 : i32
      %dma_start3A_139 = tpu.memref_slice %arg6[%add3A_133, %dma_start3A_138] : memref<200x128xi32, #tpu.memory_space<vmem>> -> memref<1x128xi32, #tpu.memory_space<vmem>>
      %dma_start3A_140 = tpu.memref_squeeze %dma_start3A_139 : memref<1x128xi32, #tpu.memory_space<vmem>> -> memref<128xi32, #tpu.memory_space<vmem>>
      %dma_start3A_141 = arith.constant 0 : i32
      %dma_start3A_142 = tpu.memref_slice %arg10[%dma_start3A_141] : memref<50176xf32, #tpu.memory_space<vmem_shared>> -> memref<50176xf32, #tpu.memory_space<vmem_shared>>
      tpu.enqueue_indirect_dma source(%dma_start3A_142 : memref<50176xf32, #tpu.memory_space<vmem_shared>>) target(%dma_start3A_137 : memref<128xf32, #tpu.memory_space<vmem>>) offsets(%dma_start3A_140 : memref<128xi32, #tpu.memory_space<vmem>>) semaphore(%arg12 : memref<!tpu.dma_semaphore, #tpu.memory_space<semaphore_mem>>)
      %dma_wait3A = arith.constant 0 : i32
      %dma_wait3A_143 = arith.constant 0 : i32
      %dma_wait3A_144 = tpu.memref_slice %arg8[%dma_wait3A, %dma_wait3A_143] : memref<8x128xf32, #tpu.memory_space<vmem>> -> memref<1x128xf32, #tpu.memory_space<vmem>>
      %dma_wait3A_145 = tpu.memref_squeeze %dma_wait3A_144 : memref<1x128xf32, #tpu.memory_space<vmem>> -> memref<128xf32, #tpu.memory_space<vmem>>
      %dma_wait3A_146 = arith.constant 0 : i32
      %dma_wait3A_147 = tpu.memref_slice %arg6[%add3A_57, %dma_wait3A_146] : memref<200x128xi32, #tpu.memory_space<vmem>> -> memref<1x128xi32, #tpu.memory_space<vmem>>
      %dma_wait3A_148 = tpu.memref_squeeze %dma_wait3A_147 : memref<1x128xi32, #tpu.memory_space<vmem>> -> memref<128xi32, #tpu.memory_space<vmem>>
      %dma_wait3A_149 = arith.constant 0 : i32
      %dma_wait3A_150 = tpu.memref_slice %arg10[%dma_wait3A_149] : memref<50176xf32, #tpu.memory_space<vmem_shared>> -> memref<50176xf32, #tpu.memory_space<vmem_shared>>
      tpu.wait_indirect_dma semaphore(%arg12 : memref<!tpu.dma_semaphore, #tpu.memory_space<semaphore_mem>>) src(%dma_wait3A_150 : memref<50176xf32, #tpu.memory_space<vmem_shared>>) dst(%dma_wait3A_145 : memref<128xf32, #tpu.memory_space<vmem>>)
      %dma_wait3A_151 = arith.constant 1 : i32
      %dma_wait3A_152 = arith.constant 0 : i32
      %dma_wait3A_153 = tpu.memref_slice %arg8[%dma_wait3A_151, %dma_wait3A_152] : memref<8x128xf32, #tpu.memory_space<vmem>> -> memref<1x128xf32, #tpu.memory_space<vmem>>
      %dma_wait3A_154 = tpu.memref_squeeze %dma_wait3A_153 : memref<1x128xf32, #tpu.memory_space<vmem>> -> memref<128xf32, #tpu.memory_space<vmem>>
      %dma_wait3A_155 = arith.constant 0 : i32
      %dma_wait3A_156 = tpu.memref_slice %arg6[%add3A_67, %dma_wait3A_155] : memref<200x128xi32, #tpu.memory_space<vmem>> -> memref<1x128xi32, #tpu.memory_space<vmem>>
      %dma_wait3A_157 = tpu.memref_squeeze %dma_wait3A_156 : memref<1x128xi32, #tpu.memory_space<vmem>> -> memref<128xi32, #tpu.memory_space<vmem>>
      %dma_wait3A_158 = arith.constant 0 : i32
      %dma_wait3A_159 = tpu.memref_slice %arg10[%dma_wait3A_158] : memref<50176xf32, #tpu.memory_space<vmem_shared>> -> memref<50176xf32, #tpu.memory_space<vmem_shared>>
      tpu.wait_indirect_dma semaphore(%arg12 : memref<!tpu.dma_semaphore, #tpu.memory_space<semaphore_mem>>) src(%dma_wait3A_159 : memref<50176xf32, #tpu.memory_space<vmem_shared>>) dst(%dma_wait3A_154 : memref<128xf32, #tpu.memory_space<vmem>>)
      %dma_wait3A_160 = arith.constant 2 : i32
      %dma_wait3A_161 = arith.constant 0 : i32
      %dma_wait3A_162 = tpu.memref_slice %arg8[%dma_wait3A_160, %dma_wait3A_161] : memref<8x128xf32, #tpu.memory_space<vmem>> -> memref<1x128xf32, #tpu.memory_space<vmem>>
      %dma_wait3A_163 = tpu.memref_squeeze %dma_wait3A_162 : memref<1x128xf32, #tpu.memory_space<vmem>> -> memref<128xf32, #tpu.memory_space<vmem>>
      %dma_wait3A_164 = arith.constant 0 : i32
      %dma_wait3A_165 = tpu.memref_slice %arg6[%add3A_78, %dma_wait3A_164] : memref<200x128xi32, #tpu.memory_space<vmem>> -> memref<1x128xi32, #tpu.memory_space<vmem>>
      %dma_wait3A_166 = tpu.memref_squeeze %dma_wait3A_165 : memref<1x128xi32, #tpu.memory_space<vmem>> -> memref<128xi32, #tpu.memory_space<vmem>>
      %dma_wait3A_167 = arith.constant 0 : i32
      %dma_wait3A_168 = tpu.memref_slice %arg10[%dma_wait3A_167] : memref<50176xf32, #tpu.memory_space<vmem_shared>> -> memref<50176xf32, #tpu.memory_space<vmem_shared>>
      tpu.wait_indirect_dma semaphore(%arg12 : memref<!tpu.dma_semaphore, #tpu.memory_space<semaphore_mem>>) src(%dma_wait3A_168 : memref<50176xf32, #tpu.memory_space<vmem_shared>>) dst(%dma_wait3A_163 : memref<128xf32, #tpu.memory_space<vmem>>)
      %dma_wait3A_169 = arith.constant 3 : i32
      %dma_wait3A_170 = arith.constant 0 : i32
      %dma_wait3A_171 = tpu.memref_slice %arg8[%dma_wait3A_169, %dma_wait3A_170] : memref<8x128xf32, #tpu.memory_space<vmem>> -> memref<1x128xf32, #tpu.memory_space<vmem>>
      %dma_wait3A_172 = tpu.memref_squeeze %dma_wait3A_171 : memref<1x128xf32, #tpu.memory_space<vmem>> -> memref<128xf32, #tpu.memory_space<vmem>>
      %dma_wait3A_173 = arith.constant 0 : i32
      %dma_wait3A_174 = tpu.memref_slice %arg6[%add3A_89, %dma_wait3A_173] : memref<200x128xi32, #tpu.memory_space<vmem>> -> memref<1x128xi32, #tpu.memory_space<vmem>>
      %dma_wait3A_175 = tpu.memref_squeeze %dma_wait3A_174 : memref<1x128xi32, #tpu.memory_space<vmem>> -> memref<128xi32, #tpu.memory_space<vmem>>
      %dma_wait3A_176 = arith.constant 0 : i32
      %dma_wait3A_177 = tpu.memref_slice %arg10[%dma_wait3A_176] : memref<50176xf32, #tpu.memory_space<vmem_shared>> -> memref<50176xf32, #tpu.memory_space<vmem_shared>>
      tpu.wait_indirect_dma semaphore(%arg12 : memref<!tpu.dma_semaphore, #tpu.memory_space<semaphore_mem>>) src(%dma_wait3A_177 : memref<50176xf32, #tpu.memory_space<vmem_shared>>) dst(%dma_wait3A_172 : memref<128xf32, #tpu.memory_space<vmem>>)
      %dma_wait3A_178 = arith.constant 4 : i32
      %dma_wait3A_179 = arith.constant 0 : i32
      %dma_wait3A_180 = tpu.memref_slice %arg8[%dma_wait3A_178, %dma_wait3A_179] : memref<8x128xf32, #tpu.memory_space<vmem>> -> memref<1x128xf32, #tpu.memory_space<vmem>>
      %dma_wait3A_181 = tpu.memref_squeeze %dma_wait3A_180 : memref<1x128xf32, #tpu.memory_space<vmem>> -> memref<128xf32, #tpu.memory_space<vmem>>
      %dma_wait3A_182 = arith.constant 0 : i32
      %dma_wait3A_183 = tpu.memref_slice %arg6[%add3A_100, %dma_wait3A_182] : memref<200x128xi32, #tpu.memory_space<vmem>> -> memref<1x128xi32, #tpu.memory_space<vmem>>
      %dma_wait3A_184 = tpu.memref_squeeze %dma_wait3A_183 : memref<1x128xi32, #tpu.memory_space<vmem>> -> memref<128xi32, #tpu.memory_space<vmem>>
      %dma_wait3A_185 = arith.constant 0 : i32
      %dma_wait3A_186 = tpu.memref_slice %arg10[%dma_wait3A_185] : memref<50176xf32, #tpu.memory_space<vmem_shared>> -> memref<50176xf32, #tpu.memory_space<vmem_shared>>
      tpu.wait_indirect_dma semaphore(%arg12 : memref<!tpu.dma_semaphore, #tpu.memory_space<semaphore_mem>>) src(%dma_wait3A_186 : memref<50176xf32, #tpu.memory_space<vmem_shared>>) dst(%dma_wait3A_181 : memref<128xf32, #tpu.memory_space<vmem>>)
      %dma_wait3A_187 = arith.constant 5 : i32
      %dma_wait3A_188 = arith.constant 0 : i32
      %dma_wait3A_189 = tpu.memref_slice %arg8[%dma_wait3A_187, %dma_wait3A_188] : memref<8x128xf32, #tpu.memory_space<vmem>> -> memref<1x128xf32, #tpu.memory_space<vmem>>
      %dma_wait3A_190 = tpu.memref_squeeze %dma_wait3A_189 : memref<1x128xf32, #tpu.memory_space<vmem>> -> memref<128xf32, #tpu.memory_space<vmem>>
      %dma_wait3A_191 = arith.constant 0 : i32
      %dma_wait3A_192 = tpu.memref_slice %arg6[%add3A_111, %dma_wait3A_191] : memref<200x128xi32, #tpu.memory_space<vmem>> -> memref<1x128xi32, #tpu.memory_space<vmem>>
      %dma_wait3A_193 = tpu.memref_squeeze %dma_wait3A_192 : memref<1x128xi32, #tpu.memory_space<vmem>> -> memref<128xi32, #tpu.memory_space<vmem>>
      %dma_wait3A_194 = arith.constant 0 : i32
      %dma_wait3A_195 = tpu.memref_slice %arg10[%dma_wait3A_194] : memref<50176xf32, #tpu.memory_space<vmem_shared>> -> memref<50176xf32, #tpu.memory_space<vmem_shared>>
      tpu.wait_indirect_dma semaphore(%arg12 : memref<!tpu.dma_semaphore, #tpu.memory_space<semaphore_mem>>) src(%dma_wait3A_195 : memref<50176xf32, #tpu.memory_space<vmem_shared>>) dst(%dma_wait3A_190 : memref<128xf32, #tpu.memory_space<vmem>>)
      %dma_wait3A_196 = arith.constant 6 : i32
      %dma_wait3A_197 = arith.constant 0 : i32
      %dma_wait3A_198 = tpu.memref_slice %arg8[%dma_wait3A_196, %dma_wait3A_197] : memref<8x128xf32, #tpu.memory_space<vmem>> -> memref<1x128xf32, #tpu.memory_space<vmem>>
      %dma_wait3A_199 = tpu.memref_squeeze %dma_wait3A_198 : memref<1x128xf32, #tpu.memory_space<vmem>> -> memref<128xf32, #tpu.memory_space<vmem>>
      %dma_wait3A_200 = arith.constant 0 : i32
      %dma_wait3A_201 = tpu.memref_slice %arg6[%add3A_122, %dma_wait3A_200] : memref<200x128xi32, #tpu.memory_space<vmem>> -> memref<1x128xi32, #tpu.memory_space<vmem>>
      %dma_wait3A_202 = tpu.memref_squeeze %dma_wait3A_201 : memref<1x128xi32, #tpu.memory_space<vmem>> -> memref<128xi32, #tpu.memory_space<vmem>>
      %dma_wait3A_203 = arith.constant 0 : i32
      %dma_wait3A_204 = tpu.memref_slice %arg10[%dma_wait3A_203] : memref<50176xf32, #tpu.memory_space<vmem_shared>> -> memref<50176xf32, #tpu.memory_space<vmem_shared>>
      tpu.wait_indirect_dma semaphore(%arg12 : memref<!tpu.dma_semaphore, #tpu.memory_space<semaphore_mem>>) src(%dma_wait3A_204 : memref<50176xf32, #tpu.memory_space<vmem_shared>>) dst(%dma_wait3A_199 : memref<128xf32, #tpu.memory_space<vmem>>)
      %dma_wait3A_205 = arith.constant 7 : i32
      %dma_wait3A_206 = arith.constant 0 : i32
      %dma_wait3A_207 = tpu.memref_slice %arg8[%dma_wait3A_205, %dma_wait3A_206] : memref<8x128xf32, #tpu.memory_space<vmem>> -> memref<1x128xf32, #tpu.memory_space<vmem>>
      %dma_wait3A_208 = tpu.memref_squeeze %dma_wait3A_207 : memref<1x128xf32, #tpu.memory_space<vmem>> -> memref<128xf32, #tpu.memory_space<vmem>>
      %dma_wait3A_209 = arith.constant 0 : i32
      %dma_wait3A_210 = tpu.memref_slice %arg6[%add3A_133, %dma_wait3A_209] : memref<200x128xi32, #tpu.memory_space<vmem>> -> memref<1x128xi32, #tpu.memory_space<vmem>>
      %dma_wait3A_211 = tpu.memref_squeeze %dma_wait3A_210 : memref<1x128xi32, #tpu.memory_space<vmem>> -> memref<128xi32, #tpu.memory_space<vmem>>
      %dma_wait3A_212 = arith.constant 0 : i32
      %dma_wait3A_213 = tpu.memref_slice %arg10[%dma_wait3A_212] : memref<50176xf32, #tpu.memory_space<vmem_shared>> -> memref<50176xf32, #tpu.memory_space<vmem_shared>>
      tpu.wait_indirect_dma semaphore(%arg12 : memref<!tpu.dma_semaphore, #tpu.memory_space<semaphore_mem>>) src(%dma_wait3A_213 : memref<50176xf32, #tpu.memory_space<vmem_shared>>) dst(%dma_wait3A_208 : memref<128xf32, #tpu.memory_space<vmem>>)
      %add3A_214 = arith.constant 0 : i32
      %add3A_215 = arith.addi %mul3A_55, %add3A_214 : i32
      %dma_start3A_216 = arith.constant 0 : i32
      %dma_start3A_217 = arith.constant 0 : i32
      %dma_start3A_218 = tpu.memref_slice %arg8[%dma_start3A_216, %dma_start3A_217] : memref<8x128xf32, #tpu.memory_space<vmem>> -> memref<1x128xf32, #tpu.memory_space<vmem>>
      %dma_start3A_219 = tpu.memref_squeeze %dma_start3A_218 : memref<1x128xf32, #tpu.memory_space<vmem>> -> memref<128xf32, #tpu.memory_space<vmem>>
      %dma_start3A_220 = arith.constant 0 : i32
      %dma_start3A_221 = tpu.memref_slice %arg7[%add3A_215, %dma_start3A_220] : memref<200x128xi32, #tpu.memory_space<vmem>> -> memref<1x128xi32, #tpu.memory_space<vmem>>
      %dma_start3A_222 = tpu.memref_squeeze %dma_start3A_221 : memref<1x128xi32, #tpu.memory_space<vmem>> -> memref<128xi32, #tpu.memory_space<vmem>>
      %dma_start3A_223 = arith.constant 0 : i32
      %dma_start3A_224 = tpu.memref_slice %arg11[%dma_start3A_223] : memref<50176xf32, #tpu.memory_space<vmem_shared>> -> memref<50176xf32, #tpu.memory_space<vmem_shared>>
      tpu.enqueue_indirect_dma source(%dma_start3A_219 : memref<128xf32, #tpu.memory_space<vmem>>) target(%dma_start3A_224 : memref<50176xf32, #tpu.memory_space<vmem_shared>>) offsets(%dma_start3A_222 : memref<128xi32, #tpu.memory_space<vmem>>) semaphore(%arg13 : memref<!tpu.dma_semaphore, #tpu.memory_space<semaphore_mem>>) {add = true}
      %add3A_225 = arith.constant 1 : i32
      %add3A_226 = arith.addi %mul3A_55, %add3A_225 : i32
      %dma_start3A_227 = arith.constant 1 : i32
      %dma_start3A_228 = arith.constant 0 : i32
      %dma_start3A_229 = tpu.memref_slice %arg8[%dma_start3A_227, %dma_start3A_228] : memref<8x128xf32, #tpu.memory_space<vmem>> -> memref<1x128xf32, #tpu.memory_space<vmem>>
      %dma_start3A_230 = tpu.memref_squeeze %dma_start3A_229 : memref<1x128xf32, #tpu.memory_space<vmem>> -> memref<128xf32, #tpu.memory_space<vmem>>
      %dma_start3A_231 = arith.constant 0 : i32
      %dma_start3A_232 = tpu.memref_slice %arg7[%add3A_226, %dma_start3A_231] : memref<200x128xi32, #tpu.memory_space<vmem>> -> memref<1x128xi32, #tpu.memory_space<vmem>>
      %dma_start3A_233 = tpu.memref_squeeze %dma_start3A_232 : memref<1x128xi32, #tpu.memory_space<vmem>> -> memref<128xi32, #tpu.memory_space<vmem>>
      %dma_start3A_234 = arith.constant 0 : i32
      %dma_start3A_235 = tpu.memref_slice %arg11[%dma_start3A_234] : memref<50176xf32, #tpu.memory_space<vmem_shared>> -> memref<50176xf32, #tpu.memory_space<vmem_shared>>
      tpu.enqueue_indirect_dma source(%dma_start3A_230 : memref<128xf32, #tpu.memory_space<vmem>>) target(%dma_start3A_235 : memref<50176xf32, #tpu.memory_space<vmem_shared>>) offsets(%dma_start3A_233 : memref<128xi32, #tpu.memory_space<vmem>>) semaphore(%arg13 : memref<!tpu.dma_semaphore, #tpu.memory_space<semaphore_mem>>) {add = true}
      %add3A_236 = arith.constant 2 : i32
      %add3A_237 = arith.addi %mul3A_55, %add3A_236 : i32
      %dma_start3A_238 = arith.constant 2 : i32
      %dma_start3A_239 = arith.constant 0 : i32
      %dma_start3A_240 = tpu.memref_slice %arg8[%dma_start3A_238, %dma_start3A_239] : memref<8x128xf32, #tpu.memory_space<vmem>> -> memref<1x128xf32, #tpu.memory_space<vmem>>
      %dma_start3A_241 = tpu.memref_squeeze %dma_start3A_240 : memref<1x128xf32, #tpu.memory_space<vmem>> -> memref<128xf32, #tpu.memory_space<vmem>>
      %dma_start3A_242 = arith.constant 0 : i32
      %dma_start3A_243 = tpu.memref_slice %arg7[%add3A_237, %dma_start3A_242] : memref<200x128xi32, #tpu.memory_space<vmem>> -> memref<1x128xi32, #tpu.memory_space<vmem>>
      %dma_start3A_244 = tpu.memref_squeeze %dma_start3A_243 : memref<1x128xi32, #tpu.memory_space<vmem>> -> memref<128xi32, #tpu.memory_space<vmem>>
      %dma_start3A_245 = arith.constant 0 : i32
      %dma_start3A_246 = tpu.memref_slice %arg11[%dma_start3A_245] : memref<50176xf32, #tpu.memory_space<vmem_shared>> -> memref<50176xf32, #tpu.memory_space<vmem_shared>>
      tpu.enqueue_indirect_dma source(%dma_start3A_241 : memref<128xf32, #tpu.memory_space<vmem>>) target(%dma_start3A_246 : memref<50176xf32, #tpu.memory_space<vmem_shared>>) offsets(%dma_start3A_244 : memref<128xi32, #tpu.memory_space<vmem>>) semaphore(%arg13 : memref<!tpu.dma_semaphore, #tpu.memory_space<semaphore_mem>>) {add = true}
      %add3A_247 = arith.constant 3 : i32
      %add3A_248 = arith.addi %mul3A_55, %add3A_247 : i32
      %dma_start3A_249 = arith.constant 3 : i32
      %dma_start3A_250 = arith.constant 0 : i32
      %dma_start3A_251 = tpu.memref_slice %arg8[%dma_start3A_249, %dma_start3A_250] : memref<8x128xf32, #tpu.memory_space<vmem>> -> memref<1x128xf32, #tpu.memory_space<vmem>>
      %dma_start3A_252 = tpu.memref_squeeze %dma_start3A_251 : memref<1x128xf32, #tpu.memory_space<vmem>> -> memref<128xf32, #tpu.memory_space<vmem>>
      %dma_start3A_253 = arith.constant 0 : i32
      %dma_start3A_254 = tpu.memref_slice %arg7[%add3A_248, %dma_start3A_253] : memref<200x128xi32, #tpu.memory_space<vmem>> -> memref<1x128xi32, #tpu.memory_space<vmem>>
      %dma_start3A_255 = tpu.memref_squeeze %dma_start3A_254 : memref<1x128xi32, #tpu.memory_space<vmem>> -> memref<128xi32, #tpu.memory_space<vmem>>
      %dma_start3A_256 = arith.constant 0 : i32
      %dma_start3A_257 = tpu.memref_slice %arg11[%dma_start3A_256] : memref<50176xf32, #tpu.memory_space<vmem_shared>> -> memref<50176xf32, #tpu.memory_space<vmem_shared>>
      tpu.enqueue_indirect_dma source(%dma_start3A_252 : memref<128xf32, #tpu.memory_space<vmem>>) target(%dma_start3A_257 : memref<50176xf32, #tpu.memory_space<vmem_shared>>) offsets(%dma_start3A_255 : memref<128xi32, #tpu.memory_space<vmem>>) semaphore(%arg13 : memref<!tpu.dma_semaphore, #tpu.memory_space<semaphore_mem>>) {add = true}
      %add3A_258 = arith.constant 4 : i32
      %add3A_259 = arith.addi %mul3A_55, %add3A_258 : i32
      %dma_start3A_260 = arith.constant 4 : i32
      %dma_start3A_261 = arith.constant 0 : i32
      %dma_start3A_262 = tpu.memref_slice %arg8[%dma_start3A_260, %dma_start3A_261] : memref<8x128xf32, #tpu.memory_space<vmem>> -> memref<1x128xf32, #tpu.memory_space<vmem>>
      %dma_start3A_263 = tpu.memref_squeeze %dma_start3A_262 : memref<1x128xf32, #tpu.memory_space<vmem>> -> memref<128xf32, #tpu.memory_space<vmem>>
      %dma_start3A_264 = arith.constant 0 : i32
      %dma_start3A_265 = tpu.memref_slice %arg7[%add3A_259, %dma_start3A_264] : memref<200x128xi32, #tpu.memory_space<vmem>> -> memref<1x128xi32, #tpu.memory_space<vmem>>
      %dma_start3A_266 = tpu.memref_squeeze %dma_start3A_265 : memref<1x128xi32, #tpu.memory_space<vmem>> -> memref<128xi32, #tpu.memory_space<vmem>>
      %dma_start3A_267 = arith.constant 0 : i32
      %dma_start3A_268 = tpu.memref_slice %arg11[%dma_start3A_267] : memref<50176xf32, #tpu.memory_space<vmem_shared>> -> memref<50176xf32, #tpu.memory_space<vmem_shared>>
      tpu.enqueue_indirect_dma source(%dma_start3A_263 : memref<128xf32, #tpu.memory_space<vmem>>) target(%dma_start3A_268 : memref<50176xf32, #tpu.memory_space<vmem_shared>>) offsets(%dma_start3A_266 : memref<128xi32, #tpu.memory_space<vmem>>) semaphore(%arg13 : memref<!tpu.dma_semaphore, #tpu.memory_space<semaphore_mem>>) {add = true}
      %add3A_269 = arith.constant 5 : i32
      %add3A_270 = arith.addi %mul3A_55, %add3A_269 : i32
      %dma_start3A_271 = arith.constant 5 : i32
      %dma_start3A_272 = arith.constant 0 : i32
      %dma_start3A_273 = tpu.memref_slice %arg8[%dma_start3A_271, %dma_start3A_272] : memref<8x128xf32, #tpu.memory_space<vmem>> -> memref<1x128xf32, #tpu.memory_space<vmem>>
      %dma_start3A_274 = tpu.memref_squeeze %dma_start3A_273 : memref<1x128xf32, #tpu.memory_space<vmem>> -> memref<128xf32, #tpu.memory_space<vmem>>
      %dma_start3A_275 = arith.constant 0 : i32
      %dma_start3A_276 = tpu.memref_slice %arg7[%add3A_270, %dma_start3A_275] : memref<200x128xi32, #tpu.memory_space<vmem>> -> memref<1x128xi32, #tpu.memory_space<vmem>>
      %dma_start3A_277 = tpu.memref_squeeze %dma_start3A_276 : memref<1x128xi32, #tpu.memory_space<vmem>> -> memref<128xi32, #tpu.memory_space<vmem>>
      %dma_start3A_278 = arith.constant 0 : i32
      %dma_start3A_279 = tpu.memref_slice %arg11[%dma_start3A_278] : memref<50176xf32, #tpu.memory_space<vmem_shared>> -> memref<50176xf32, #tpu.memory_space<vmem_shared>>
      tpu.enqueue_indirect_dma source(%dma_start3A_274 : memref<128xf32, #tpu.memory_space<vmem>>) target(%dma_start3A_279 : memref<50176xf32, #tpu.memory_space<vmem_shared>>) offsets(%dma_start3A_277 : memref<128xi32, #tpu.memory_space<vmem>>) semaphore(%arg13 : memref<!tpu.dma_semaphore, #tpu.memory_space<semaphore_mem>>) {add = true}
      %add3A_280 = arith.constant 6 : i32
      %add3A_281 = arith.addi %mul3A_55, %add3A_280 : i32
      %dma_start3A_282 = arith.constant 6 : i32
      %dma_start3A_283 = arith.constant 0 : i32
      %dma_start3A_284 = tpu.memref_slice %arg8[%dma_start3A_282, %dma_start3A_283] : memref<8x128xf32, #tpu.memory_space<vmem>> -> memref<1x128xf32, #tpu.memory_space<vmem>>
      %dma_start3A_285 = tpu.memref_squeeze %dma_start3A_284 : memref<1x128xf32, #tpu.memory_space<vmem>> -> memref<128xf32, #tpu.memory_space<vmem>>
      %dma_start3A_286 = arith.constant 0 : i32
      %dma_start3A_287 = tpu.memref_slice %arg7[%add3A_281, %dma_start3A_286] : memref<200x128xi32, #tpu.memory_space<vmem>> -> memref<1x128xi32, #tpu.memory_space<vmem>>
      %dma_start3A_288 = tpu.memref_squeeze %dma_start3A_287 : memref<1x128xi32, #tpu.memory_space<vmem>> -> memref<128xi32, #tpu.memory_space<vmem>>
      %dma_start3A_289 = arith.constant 0 : i32
      %dma_start3A_290 = tpu.memref_slice %arg11[%dma_start3A_289] : memref<50176xf32, #tpu.memory_space<vmem_shared>> -> memref<50176xf32, #tpu.memory_space<vmem_shared>>
      tpu.enqueue_indirect_dma source(%dma_start3A_285 : memref<128xf32, #tpu.memory_space<vmem>>) target(%dma_start3A_290 : memref<50176xf32, #tpu.memory_space<vmem_shared>>) offsets(%dma_start3A_288 : memref<128xi32, #tpu.memory_space<vmem>>) semaphore(%arg13 : memref<!tpu.dma_semaphore, #tpu.memory_space<semaphore_mem>>) {add = true}
      %add3A_291 = arith.constant 7 : i32
      %add3A_292 = arith.addi %mul3A_55, %add3A_291 : i32
      %dma_start3A_293 = arith.constant 7 : i32
      %dma_start3A_294 = arith.constant 0 : i32
      %dma_start3A_295 = tpu.memref_slice %arg8[%dma_start3A_293, %dma_start3A_294] : memref<8x128xf32, #tpu.memory_space<vmem>> -> memref<1x128xf32, #tpu.memory_space<vmem>>
      %dma_start3A_296 = tpu.memref_squeeze %dma_start3A_295 : memref<1x128xf32, #tpu.memory_space<vmem>> -> memref<128xf32, #tpu.memory_space<vmem>>
      %dma_start3A_297 = arith.constant 0 : i32
      %dma_start3A_298 = tpu.memref_slice %arg7[%add3A_292, %dma_start3A_297] : memref<200x128xi32, #tpu.memory_space<vmem>> -> memref<1x128xi32, #tpu.memory_space<vmem>>
      %dma_start3A_299 = tpu.memref_squeeze %dma_start3A_298 : memref<1x128xi32, #tpu.memory_space<vmem>> -> memref<128xi32, #tpu.memory_space<vmem>>
      %dma_start3A_300 = arith.constant 0 : i32
      %dma_start3A_301 = tpu.memref_slice %arg11[%dma_start3A_300] : memref<50176xf32, #tpu.memory_space<vmem_shared>> -> memref<50176xf32, #tpu.memory_space<vmem_shared>>
      tpu.enqueue_indirect_dma source(%dma_start3A_296 : memref<128xf32, #tpu.memory_space<vmem>>) target(%dma_start3A_301 : memref<50176xf32, #tpu.memory_space<vmem_shared>>) offsets(%dma_start3A_299 : memref<128xi32, #tpu.memory_space<vmem>>) semaphore(%arg13 : memref<!tpu.dma_semaphore, #tpu.memory_space<semaphore_mem>>) {add = true}
      %dma_wait3A_302 = arith.constant 0 : i32
      %dma_wait3A_303 = arith.constant 0 : i32
      %dma_wait3A_304 = tpu.memref_slice %arg8[%dma_wait3A_302, %dma_wait3A_303] : memref<8x128xf32, #tpu.memory_space<vmem>> -> memref<1x128xf32, #tpu.memory_space<vmem>>
      %dma_wait3A_305 = tpu.memref_squeeze %dma_wait3A_304 : memref<1x128xf32, #tpu.memory_space<vmem>> -> memref<128xf32, #tpu.memory_space<vmem>>
      %dma_wait3A_306 = arith.constant 0 : i32
      %dma_wait3A_307 = tpu.memref_slice %arg7[%add3A_215, %dma_wait3A_306] : memref<200x128xi32, #tpu.memory_space<vmem>> -> memref<1x128xi32, #tpu.memory_space<vmem>>
      %dma_wait3A_308 = tpu.memref_squeeze %dma_wait3A_307 : memref<1x128xi32, #tpu.memory_space<vmem>> -> memref<128xi32, #tpu.memory_space<vmem>>
      %dma_wait3A_309 = arith.constant 0 : i32
      %dma_wait3A_310 = tpu.memref_slice %arg11[%dma_wait3A_309] : memref<50176xf32, #tpu.memory_space<vmem_shared>> -> memref<50176xf32, #tpu.memory_space<vmem_shared>>
      tpu.wait_indirect_dma semaphore(%arg13 : memref<!tpu.dma_semaphore, #tpu.memory_space<semaphore_mem>>) src(%dma_wait3A_305 : memref<128xf32, #tpu.memory_space<vmem>>) dst(%dma_wait3A_310 : memref<50176xf32, #tpu.memory_space<vmem_shared>>)
      %dma_wait3A_311 = arith.constant 1 : i32
      %dma_wait3A_312 = arith.constant 0 : i32
      %dma_wait3A_313 = tpu.memref_slice %arg8[%dma_wait3A_311, %dma_wait3A_312] : memref<8x128xf32, #tpu.memory_space<vmem>> -> memref<1x128xf32, #tpu.memory_space<vmem>>
      %dma_wait3A_314 = tpu.memref_squeeze %dma_wait3A_313 : memref<1x128xf32, #tpu.memory_space<vmem>> -> memref<128xf32, #tpu.memory_space<vmem>>
      %dma_wait3A_315 = arith.constant 0 : i32
      %dma_wait3A_316 = tpu.memref_slice %arg7[%add3A_226, %dma_wait3A_315] : memref<200x128xi32, #tpu.memory_space<vmem>> -> memref<1x128xi32, #tpu.memory_space<vmem>>
      %dma_wait3A_317 = tpu.memref_squeeze %dma_wait3A_316 : memref<1x128xi32, #tpu.memory_space<vmem>> -> memref<128xi32, #tpu.memory_space<vmem>>
      %dma_wait3A_318 = arith.constant 0 : i32
      %dma_wait3A_319 = tpu.memref_slice %arg11[%dma_wait3A_318] : memref<50176xf32, #tpu.memory_space<vmem_shared>> -> memref<50176xf32, #tpu.memory_space<vmem_shared>>
      tpu.wait_indirect_dma semaphore(%arg13 : memref<!tpu.dma_semaphore, #tpu.memory_space<semaphore_mem>>) src(%dma_wait3A_314 : memref<128xf32, #tpu.memory_space<vmem>>) dst(%dma_wait3A_319 : memref<50176xf32, #tpu.memory_space<vmem_shared>>)
      %dma_wait3A_320 = arith.constant 2 : i32
      %dma_wait3A_321 = arith.constant 0 : i32
      %dma_wait3A_322 = tpu.memref_slice %arg8[%dma_wait3A_320, %dma_wait3A_321] : memref<8x128xf32, #tpu.memory_space<vmem>> -> memref<1x128xf32, #tpu.memory_space<vmem>>
      %dma_wait3A_323 = tpu.memref_squeeze %dma_wait3A_322 : memref<1x128xf32, #tpu.memory_space<vmem>> -> memref<128xf32, #tpu.memory_space<vmem>>
      %dma_wait3A_324 = arith.constant 0 : i32
      %dma_wait3A_325 = tpu.memref_slice %arg7[%add3A_237, %dma_wait3A_324] : memref<200x128xi32, #tpu.memory_space<vmem>> -> memref<1x128xi32, #tpu.memory_space<vmem>>
      %dma_wait3A_326 = tpu.memref_squeeze %dma_wait3A_325 : memref<1x128xi32, #tpu.memory_space<vmem>> -> memref<128xi32, #tpu.memory_space<vmem>>
      %dma_wait3A_327 = arith.constant 0 : i32
      %dma_wait3A_328 = tpu.memref_slice %arg11[%dma_wait3A_327] : memref<50176xf32, #tpu.memory_space<vmem_shared>> -> memref<50176xf32, #tpu.memory_space<vmem_shared>>
      tpu.wait_indirect_dma semaphore(%arg13 : memref<!tpu.dma_semaphore, #tpu.memory_space<semaphore_mem>>) src(%dma_wait3A_323 : memref<128xf32, #tpu.memory_space<vmem>>) dst(%dma_wait3A_328 : memref<50176xf32, #tpu.memory_space<vmem_shared>>)
      %dma_wait3A_329 = arith.constant 3 : i32
      %dma_wait3A_330 = arith.constant 0 : i32
      %dma_wait3A_331 = tpu.memref_slice %arg8[%dma_wait3A_329, %dma_wait3A_330] : memref<8x128xf32, #tpu.memory_space<vmem>> -> memref<1x128xf32, #tpu.memory_space<vmem>>
      %dma_wait3A_332 = tpu.memref_squeeze %dma_wait3A_331 : memref<1x128xf32, #tpu.memory_space<vmem>> -> memref<128xf32, #tpu.memory_space<vmem>>
      %dma_wait3A_333 = arith.constant 0 : i32
      %dma_wait3A_334 = tpu.memref_slice %arg7[%add3A_248, %dma_wait3A_333] : memref<200x128xi32, #tpu.memory_space<vmem>> -> memref<1x128xi32, #tpu.memory_space<vmem>>
      %dma_wait3A_335 = tpu.memref_squeeze %dma_wait3A_334 : memref<1x128xi32, #tpu.memory_space<vmem>> -> memref<128xi32, #tpu.memory_space<vmem>>
      %dma_wait3A_336 = arith.constant 0 : i32
      %dma_wait3A_337 = tpu.memref_slice %arg11[%dma_wait3A_336] : memref<50176xf32, #tpu.memory_space<vmem_shared>> -> memref<50176xf32, #tpu.memory_space<vmem_shared>>
      tpu.wait_indirect_dma semaphore(%arg13 : memref<!tpu.dma_semaphore, #tpu.memory_space<semaphore_mem>>) src(%dma_wait3A_332 : memref<128xf32, #tpu.memory_space<vmem>>) dst(%dma_wait3A_337 : memref<50176xf32, #tpu.memory_space<vmem_shared>>)
      %dma_wait3A_338 = arith.constant 4 : i32
      %dma_wait3A_339 = arith.constant 0 : i32
      %dma_wait3A_340 = tpu.memref_slice %arg8[%dma_wait3A_338, %dma_wait3A_339] : memref<8x128xf32, #tpu.memory_space<vmem>> -> memref<1x128xf32, #tpu.memory_space<vmem>>
      %dma_wait3A_341 = tpu.memref_squeeze %dma_wait3A_340 : memref<1x128xf32, #tpu.memory_space<vmem>> -> memref<128xf32, #tpu.memory_space<vmem>>
      %dma_wait3A_342 = arith.constant 0 : i32
      %dma_wait3A_343 = tpu.memref_slice %arg7[%add3A_259, %dma_wait3A_342] : memref<200x128xi32, #tpu.memory_space<vmem>> -> memref<1x128xi32, #tpu.memory_space<vmem>>
      %dma_wait3A_344 = tpu.memref_squeeze %dma_wait3A_343 : memref<1x128xi32, #tpu.memory_space<vmem>> -> memref<128xi32, #tpu.memory_space<vmem>>
      %dma_wait3A_345 = arith.constant 0 : i32
      %dma_wait3A_346 = tpu.memref_slice %arg11[%dma_wait3A_345] : memref<50176xf32, #tpu.memory_space<vmem_shared>> -> memref<50176xf32, #tpu.memory_space<vmem_shared>>
      tpu.wait_indirect_dma semaphore(%arg13 : memref<!tpu.dma_semaphore, #tpu.memory_space<semaphore_mem>>) src(%dma_wait3A_341 : memref<128xf32, #tpu.memory_space<vmem>>) dst(%dma_wait3A_346 : memref<50176xf32, #tpu.memory_space<vmem_shared>>)
      %dma_wait3A_347 = arith.constant 5 : i32
      %dma_wait3A_348 = arith.constant 0 : i32
      %dma_wait3A_349 = tpu.memref_slice %arg8[%dma_wait3A_347, %dma_wait3A_348] : memref<8x128xf32, #tpu.memory_space<vmem>> -> memref<1x128xf32, #tpu.memory_space<vmem>>
      %dma_wait3A_350 = tpu.memref_squeeze %dma_wait3A_349 : memref<1x128xf32, #tpu.memory_space<vmem>> -> memref<128xf32, #tpu.memory_space<vmem>>
      %dma_wait3A_351 = arith.constant 0 : i32
      %dma_wait3A_352 = tpu.memref_slice %arg7[%add3A_270, %dma_wait3A_351] : memref<200x128xi32, #tpu.memory_space<vmem>> -> memref<1x128xi32, #tpu.memory_space<vmem>>
      %dma_wait3A_353 = tpu.memref_squeeze %dma_wait3A_352 : memref<1x128xi32, #tpu.memory_space<vmem>> -> memref<128xi32, #tpu.memory_space<vmem>>
      %dma_wait3A_354 = arith.constant 0 : i32
      %dma_wait3A_355 = tpu.memref_slice %arg11[%dma_wait3A_354] : memref<50176xf32, #tpu.memory_space<vmem_shared>> -> memref<50176xf32, #tpu.memory_space<vmem_shared>>
      tpu.wait_indirect_dma semaphore(%arg13 : memref<!tpu.dma_semaphore, #tpu.memory_space<semaphore_mem>>) src(%dma_wait3A_350 : memref<128xf32, #tpu.memory_space<vmem>>) dst(%dma_wait3A_355 : memref<50176xf32, #tpu.memory_space<vmem_shared>>)
      %dma_wait3A_356 = arith.constant 6 : i32
      %dma_wait3A_357 = arith.constant 0 : i32
      %dma_wait3A_358 = tpu.memref_slice %arg8[%dma_wait3A_356, %dma_wait3A_357] : memref<8x128xf32, #tpu.memory_space<vmem>> -> memref<1x128xf32, #tpu.memory_space<vmem>>
      %dma_wait3A_359 = tpu.memref_squeeze %dma_wait3A_358 : memref<1x128xf32, #tpu.memory_space<vmem>> -> memref<128xf32, #tpu.memory_space<vmem>>
      %dma_wait3A_360 = arith.constant 0 : i32
      %dma_wait3A_361 = tpu.memref_slice %arg7[%add3A_281, %dma_wait3A_360] : memref<200x128xi32, #tpu.memory_space<vmem>> -> memref<1x128xi32, #tpu.memory_space<vmem>>
      %dma_wait3A_362 = tpu.memref_squeeze %dma_wait3A_361 : memref<1x128xi32, #tpu.memory_space<vmem>> -> memref<128xi32, #tpu.memory_space<vmem>>
      %dma_wait3A_363 = arith.constant 0 : i32
      %dma_wait3A_364 = tpu.memref_slice %arg11[%dma_wait3A_363] : memref<50176xf32, #tpu.memory_space<vmem_shared>> -> memref<50176xf32, #tpu.memory_space<vmem_shared>>
      tpu.wait_indirect_dma semaphore(%arg13 : memref<!tpu.dma_semaphore, #tpu.memory_space<semaphore_mem>>) src(%dma_wait3A_359 : memref<128xf32, #tpu.memory_space<vmem>>) dst(%dma_wait3A_364 : memref<50176xf32, #tpu.memory_space<vmem_shared>>)
      %dma_wait3A_365 = arith.constant 7 : i32
      %dma_wait3A_366 = arith.constant 0 : i32
      %dma_wait3A_367 = tpu.memref_slice %arg8[%dma_wait3A_365, %dma_wait3A_366] : memref<8x128xf32, #tpu.memory_space<vmem>> -> memref<1x128xf32, #tpu.memory_space<vmem>>
      %dma_wait3A_368 = tpu.memref_squeeze %dma_wait3A_367 : memref<1x128xf32, #tpu.memory_space<vmem>> -> memref<128xf32, #tpu.memory_space<vmem>>
      %dma_wait3A_369 = arith.constant 0 : i32
      %dma_wait3A_370 = tpu.memref_slice %arg7[%add3A_292, %dma_wait3A_369] : memref<200x128xi32, #tpu.memory_space<vmem>> -> memref<1x128xi32, #tpu.memory_space<vmem>>
      %dma_wait3A_371 = tpu.memref_squeeze %dma_wait3A_370 : memref<1x128xi32, #tpu.memory_space<vmem>> -> memref<128xi32, #tpu.memory_space<vmem>>
      %dma_wait3A_372 = arith.constant 0 : i32
      %dma_wait3A_373 = tpu.memref_slice %arg11[%dma_wait3A_372] : memref<50176xf32, #tpu.memory_space<vmem_shared>> -> memref<50176xf32, #tpu.memory_space<vmem_shared>>
      tpu.wait_indirect_dma semaphore(%arg13 : memref<!tpu.dma_semaphore, #tpu.memory_space<semaphore_mem>>) src(%dma_wait3A_368 : memref<128xf32, #tpu.memory_space<vmem>>) dst(%dma_wait3A_373 : memref<50176xf32, #tpu.memory_space<vmem_shared>>)
    }
    %eq3A_40 = arith.constant 31 : i32
    %eq3A_41 = arith.cmpi eq, %add3A, %eq3A_40 : i32
    %convert_element_type3A_42 = arith.extui %eq3A_41 : i1 to i32
    %cond3A_43 = arith.constant 0 : i32
    %cond3A_44 = arith.cmpi ne, %convert_element_type3A_42, %cond3A_43 : i32
    scf.if %cond3A_44 {
      %dma_start3A = arith.constant 48 : i32
      %dma_start3A_53 = arith.constant 0 : i32
      %dma_start3A_54 = arith.constant 0 : i32
      %dma_start3A_55 = tpu.memref_slice %arg8[%dma_start3A_53, %dma_start3A_54] : memref<8x128xf32, #tpu.memory_space<vmem>> -> memref<1x128xf32, #tpu.memory_space<vmem>>
      %dma_start3A_56 = tpu.memref_squeeze %dma_start3A_55 : memref<1x128xf32, #tpu.memory_space<vmem>> -> memref<128xf32, #tpu.memory_space<vmem>>
      %dma_start3A_57 = arith.constant 0 : i32
      %dma_start3A_58 = tpu.memref_slice %arg6[%dma_start3A, %dma_start3A_57] : memref<200x128xi32, #tpu.memory_space<vmem>> -> memref<1x128xi32, #tpu.memory_space<vmem>>
      %dma_start3A_59 = tpu.memref_squeeze %dma_start3A_58 : memref<1x128xi32, #tpu.memory_space<vmem>> -> memref<128xi32, #tpu.memory_space<vmem>>
      %dma_start3A_60 = arith.constant 0 : i32
      %dma_start3A_61 = tpu.memref_slice %arg10[%dma_start3A_60] : memref<50176xf32, #tpu.memory_space<vmem_shared>> -> memref<50176xf32, #tpu.memory_space<vmem_shared>>
      tpu.enqueue_indirect_dma source(%dma_start3A_61 : memref<50176xf32, #tpu.memory_space<vmem_shared>>) target(%dma_start3A_56 : memref<128xf32, #tpu.memory_space<vmem>>) offsets(%dma_start3A_59 : memref<128xi32, #tpu.memory_space<vmem>>) semaphore(%arg12 : memref<!tpu.dma_semaphore, #tpu.memory_space<semaphore_mem>>)
      %dma_start3A_62 = arith.constant 49 : i32
      %dma_start3A_63 = arith.constant 1 : i32
      %dma_start3A_64 = arith.constant 0 : i32
      %dma_start3A_65 = tpu.memref_slice %arg8[%dma_start3A_63, %dma_start3A_64] : memref<8x128xf32, #tpu.memory_space<vmem>> -> memref<1x128xf32, #tpu.memory_space<vmem>>
      %dma_start3A_66 = tpu.memref_squeeze %dma_start3A_65 : memref<1x128xf32, #tpu.memory_space<vmem>> -> memref<128xf32, #tpu.memory_space<vmem>>
      %dma_start3A_67 = arith.constant 0 : i32
      %dma_start3A_68 = tpu.memref_slice %arg6[%dma_start3A_62, %dma_start3A_67] : memref<200x128xi32, #tpu.memory_space<vmem>> -> memref<1x128xi32, #tpu.memory_space<vmem>>
      %dma_start3A_69 = tpu.memref_squeeze %dma_start3A_68 : memref<1x128xi32, #tpu.memory_space<vmem>> -> memref<128xi32, #tpu.memory_space<vmem>>
      %dma_start3A_70 = arith.constant 0 : i32
      %dma_start3A_71 = tpu.memref_slice %arg10[%dma_start3A_70] : memref<50176xf32, #tpu.memory_space<vmem_shared>> -> memref<50176xf32, #tpu.memory_space<vmem_shared>>
      tpu.enqueue_indirect_dma source(%dma_start3A_71 : memref<50176xf32, #tpu.memory_space<vmem_shared>>) target(%dma_start3A_66 : memref<128xf32, #tpu.memory_space<vmem>>) offsets(%dma_start3A_69 : memref<128xi32, #tpu.memory_space<vmem>>) semaphore(%arg12 : memref<!tpu.dma_semaphore, #tpu.memory_space<semaphore_mem>>)
      %dma_wait3A = arith.constant 48 : i32
      %dma_wait3A_72 = arith.constant 0 : i32
      %dma_wait3A_73 = arith.constant 0 : i32
      %dma_wait3A_74 = tpu.memref_slice %arg8[%dma_wait3A_72, %dma_wait3A_73] : memref<8x128xf32, #tpu.memory_space<vmem>> -> memref<1x128xf32, #tpu.memory_space<vmem>>
      %dma_wait3A_75 = tpu.memref_squeeze %dma_wait3A_74 : memref<1x128xf32, #tpu.memory_space<vmem>> -> memref<128xf32, #tpu.memory_space<vmem>>
      %dma_wait3A_76 = arith.constant 0 : i32
      %dma_wait3A_77 = tpu.memref_slice %arg6[%dma_wait3A, %dma_wait3A_76] : memref<200x128xi32, #tpu.memory_space<vmem>> -> memref<1x128xi32, #tpu.memory_space<vmem>>
      %dma_wait3A_78 = tpu.memref_squeeze %dma_wait3A_77 : memref<1x128xi32, #tpu.memory_space<vmem>> -> memref<128xi32, #tpu.memory_space<vmem>>
      %dma_wait3A_79 = arith.constant 0 : i32
      %dma_wait3A_80 = tpu.memref_slice %arg10[%dma_wait3A_79] : memref<50176xf32, #tpu.memory_space<vmem_shared>> -> memref<50176xf32, #tpu.memory_space<vmem_shared>>
      tpu.wait_indirect_dma semaphore(%arg12 : memref<!tpu.dma_semaphore, #tpu.memory_space<semaphore_mem>>) src(%dma_wait3A_80 : memref<50176xf32, #tpu.memory_space<vmem_shared>>) dst(%dma_wait3A_75 : memref<128xf32, #tpu.memory_space<vmem>>)
      %dma_wait3A_81 = arith.constant 49 : i32
      %dma_wait3A_82 = arith.constant 1 : i32
      %dma_wait3A_83 = arith.constant 0 : i32
      %dma_wait3A_84 = tpu.memref_slice %arg8[%dma_wait3A_82, %dma_wait3A_83] : memref<8x128xf32, #tpu.memory_space<vmem>> -> memref<1x128xf32, #tpu.memory_space<vmem>>
      %dma_wait3A_85 = tpu.memref_squeeze %dma_wait3A_84 : memref<1x128xf32, #tpu.memory_space<vmem>> -> memref<128xf32, #tpu.memory_space<vmem>>
      %dma_wait3A_86 = arith.constant 0 : i32
      %dma_wait3A_87 = tpu.memref_slice %arg6[%dma_wait3A_81, %dma_wait3A_86] : memref<200x128xi32, #tpu.memory_space<vmem>> -> memref<1x128xi32, #tpu.memory_space<vmem>>
      %dma_wait3A_88 = tpu.memref_squeeze %dma_wait3A_87 : memref<1x128xi32, #tpu.memory_space<vmem>> -> memref<128xi32, #tpu.memory_space<vmem>>
      %dma_wait3A_89 = arith.constant 0 : i32
      %dma_wait3A_90 = tpu.memref_slice %arg10[%dma_wait3A_89] : memref<50176xf32, #tpu.memory_space<vmem_shared>> -> memref<50176xf32, #tpu.memory_space<vmem_shared>>
      tpu.wait_indirect_dma semaphore(%arg12 : memref<!tpu.dma_semaphore, #tpu.memory_space<semaphore_mem>>) src(%dma_wait3A_90 : memref<50176xf32, #tpu.memory_space<vmem_shared>>) dst(%dma_wait3A_85 : memref<128xf32, #tpu.memory_space<vmem>>)
      %dma_start3A_91 = arith.constant 0 : i32
      %dma_start3A_92 = arith.constant 48 : i32
      %dma_start3A_93 = arith.constant 0 : i32
      %dma_start3A_94 = tpu.memref_slice %arg8[%dma_start3A_91, %dma_start3A_93] : memref<8x128xf32, #tpu.memory_space<vmem>> -> memref<1x128xf32, #tpu.memory_space<vmem>>
      %dma_start3A_95 = tpu.memref_squeeze %dma_start3A_94 : memref<1x128xf32, #tpu.memory_space<vmem>> -> memref<128xf32, #tpu.memory_space<vmem>>
      %dma_start3A_96 = arith.constant 0 : i32
      %dma_start3A_97 = tpu.memref_slice %arg7[%dma_start3A_92, %dma_start3A_96] : memref<200x128xi32, #tpu.memory_space<vmem>> -> memref<1x128xi32, #tpu.memory_space<vmem>>
      %dma_start3A_98 = tpu.memref_squeeze %dma_start3A_97 : memref<1x128xi32, #tpu.memory_space<vmem>> -> memref<128xi32, #tpu.memory_space<vmem>>
      %dma_start3A_99 = arith.constant 0 : i32
      %dma_start3A_100 = tpu.memref_slice %arg11[%dma_start3A_99] : memref<50176xf32, #tpu.memory_space<vmem_shared>> -> memref<50176xf32, #tpu.memory_space<vmem_shared>>
      tpu.enqueue_indirect_dma source(%dma_start3A_95 : memref<128xf32, #tpu.memory_space<vmem>>) target(%dma_start3A_100 : memref<50176xf32, #tpu.memory_space<vmem_shared>>) offsets(%dma_start3A_98 : memref<128xi32, #tpu.memory_space<vmem>>) semaphore(%arg13 : memref<!tpu.dma_semaphore, #tpu.memory_space<semaphore_mem>>) {add = true}
      %dma_start3A_101 = arith.constant 1 : i32
      %dma_start3A_102 = arith.constant 49 : i32
      %dma_start3A_103 = arith.constant 0 : i32
      %dma_start3A_104 = tpu.memref_slice %arg8[%dma_start3A_101, %dma_start3A_103] : memref<8x128xf32, #tpu.memory_space<vmem>> -> memref<1x128xf32, #tpu.memory_space<vmem>>
      %dma_start3A_105 = tpu.memref_squeeze %dma_start3A_104 : memref<1x128xf32, #tpu.memory_space<vmem>> -> memref<128xf32, #tpu.memory_space<vmem>>
      %dma_start3A_106 = arith.constant 0 : i32
      %dma_start3A_107 = tpu.memref_slice %arg7[%dma_start3A_102, %dma_start3A_106] : memref<200x128xi32, #tpu.memory_space<vmem>> -> memref<1x128xi32, #tpu.memory_space<vmem>>
      %dma_start3A_108 = tpu.memref_squeeze %dma_start3A_107 : memref<1x128xi32, #tpu.memory_space<vmem>> -> memref<128xi32, #tpu.memory_space<vmem>>
      %dma_start3A_109 = arith.constant 0 : i32
      %dma_start3A_110 = tpu.memref_slice %arg11[%dma_start3A_109] : memref<50176xf32, #tpu.memory_space<vmem_shared>> -> memref<50176xf32, #tpu.memory_space<vmem_shared>>
      tpu.enqueue_indirect_dma source(%dma_start3A_105 : memref<128xf32, #tpu.memory_space<vmem>>) target(%dma_start3A_110 : memref<50176xf32, #tpu.memory_space<vmem_shared>>) offsets(%dma_start3A_108 : memref<128xi32, #tpu.memory_space<vmem>>) semaphore(%arg13 : memref<!tpu.dma_semaphore, #tpu.memory_space<semaphore_mem>>) {add = true}
      %dma_wait3A_111 = arith.constant 0 : i32
      %dma_wait3A_112 = arith.constant 48 : i32
      %dma_wait3A_113 = arith.constant 0 : i32
      %dma_wait3A_114 = tpu.memref_slice %arg8[%dma_wait3A_111, %dma_wait3A_113] : memref<8x128xf32, #tpu.memory_space<vmem>> -> memref<1x128xf32, #tpu.memory_space<vmem>>
      %dma_wait3A_115 = tpu.memref_squeeze %dma_wait3A_114 : memref<1x128xf32, #tpu.memory_space<vmem>> -> memref<128xf32, #tpu.memory_space<vmem>>
      %dma_wait3A_116 = arith.constant 0 : i32
      %dma_wait3A_117 = tpu.memref_slice %arg7[%dma_wait3A_112, %dma_wait3A_116] : memref<200x128xi32, #tpu.memory_space<vmem>> -> memref<1x128xi32, #tpu.memory_space<vmem>>
      %dma_wait3A_118 = tpu.memref_squeeze %dma_wait3A_117 : memref<1x128xi32, #tpu.memory_space<vmem>> -> memref<128xi32, #tpu.memory_space<vmem>>
      %dma_wait3A_119 = arith.constant 0 : i32
      %dma_wait3A_120 = tpu.memref_slice %arg11[%dma_wait3A_119] : memref<50176xf32, #tpu.memory_space<vmem_shared>> -> memref<50176xf32, #tpu.memory_space<vmem_shared>>
      tpu.wait_indirect_dma semaphore(%arg13 : memref<!tpu.dma_semaphore, #tpu.memory_space<semaphore_mem>>) src(%dma_wait3A_115 : memref<128xf32, #tpu.memory_space<vmem>>) dst(%dma_wait3A_120 : memref<50176xf32, #tpu.memory_space<vmem_shared>>)
      %dma_wait3A_121 = arith.constant 1 : i32
      %dma_wait3A_122 = arith.constant 49 : i32
      %dma_wait3A_123 = arith.constant 0 : i32
      %dma_wait3A_124 = tpu.memref_slice %arg8[%dma_wait3A_121, %dma_wait3A_123] : memref<8x128xf32, #tpu.memory_space<vmem>> -> memref<1x128xf32, #tpu.memory_space<vmem>>
      %dma_wait3A_125 = tpu.memref_squeeze %dma_wait3A_124 : memref<1x128xf32, #tpu.memory_space<vmem>> -> memref<128xf32, #tpu.memory_space<vmem>>
      %dma_wait3A_126 = arith.constant 0 : i32
      %dma_wait3A_127 = tpu.memref_slice %arg7[%dma_wait3A_122, %dma_wait3A_126] : memref<200x128xi32, #tpu.memory_space<vmem>> -> memref<1x128xi32, #tpu.memory_space<vmem>>
      %dma_wait3A_128 = tpu.memref_squeeze %dma_wait3A_127 : memref<1x128xi32, #tpu.memory_space<vmem>> -> memref<128xi32, #tpu.memory_space<vmem>>
      %dma_wait3A_129 = arith.constant 0 : i32
      %dma_wait3A_130 = tpu.memref_slice %arg11[%dma_wait3A_129] : memref<50176xf32, #tpu.memory_space<vmem_shared>> -> memref<50176xf32, #tpu.memory_space<vmem_shared>>
      tpu.wait_indirect_dma semaphore(%arg13 : memref<!tpu.dma_semaphore, #tpu.memory_space<semaphore_mem>>) src(%dma_wait3A_125 : memref<128xf32, #tpu.memory_space<vmem>>) dst(%dma_wait3A_130 : memref<50176xf32, #tpu.memory_space<vmem_shared>>)
    } else {
    }
    %barrier3A_45 = arith.constant 0 : index
    tpu.barrier barrier_id(%barrier3A_45)
    %mul3A_46 = arith.constant 3136 : i32
    %mul3A_47 = arith.muli %arg1, %mul3A_46 : i32
    "tpu.region"() ({
      %run_scoped3A = tpu.sem_alloc : memref<!tpu.dma_semaphore, #tpu.memory_space<semaphore_mem>>
      %dma_start3A = tpu.memref_slice %arg11[%mul3A_47] : memref<50176xf32, #tpu.memory_space<vmem_shared>> -> memref<3136xf32, #tpu.memory_space<vmem_shared>>
      %dma_start3A_53 = tpu.memref_slice %arg11[%mul3A_47] : memref<50176xf32, #tpu.memory_space<vmem_shared>> -> memref<3136xf32, #tpu.memory_space<vmem_shared>>
      tpu.enqueue_dma source(%dma_start3A_53 : memref<3136xf32, #tpu.memory_space<vmem_shared>>) target(%arg9 : memref<3136xf32, #tpu.memory_space<vmem>>) target_semaphore(%run_scoped3A : memref<!tpu.dma_semaphore, #tpu.memory_space<semaphore_mem>>)
      %dma_wait3A = tpu.memref_slice %arg11[%mul3A_47] : memref<50176xf32, #tpu.memory_space<vmem_shared>> -> memref<3136xf32, #tpu.memory_space<vmem_shared>>
      %dma_wait3A_54 = tpu.memref_slice %arg11[%mul3A_47] : memref<50176xf32, #tpu.memory_space<vmem_shared>> -> memref<3136xf32, #tpu.memory_space<vmem_shared>>
      tpu.wait_dma2 semaphore(%run_scoped3A : memref<!tpu.dma_semaphore, #tpu.memory_space<semaphore_mem>>) src(%dma_wait3A_54 : memref<3136xf32, #tpu.memory_space<vmem_shared>>) dst(%arg9 : memref<3136xf32, #tpu.memory_space<vmem>>)
      tpu.yield
    }) : () -> ()
    %mul3A_48 = arith.constant 50176 : i32
    %mul3A_49 = arith.muli %arg0, %mul3A_48 : i32
    %mul3A_50 = arith.constant 3136 : i32
    %mul3A_51 = arith.muli %arg1, %mul3A_50 : i32
    %add3A_52 = arith.addi %mul3A_49, %mul3A_51 : i32
    "tpu.region"() ({
      %run_scoped3A = tpu.sem_alloc : memref<!tpu.dma_semaphore, #tpu.memory_space<semaphore_mem>>
      %dma_start3A = tpu.memref_slice %arg5[%add3A_52] : memref<100352xf32, #tpu.memory_space<hbm>> -> memref<3136xf32, #tpu.memory_space<hbm>>
      %dma_start3A_53 = tpu.memref_slice %arg5[%add3A_52] : memref<100352xf32, #tpu.memory_space<hbm>> -> memref<3136xf32, #tpu.memory_space<hbm>>
      tpu.enqueue_dma source(%arg9 : memref<3136xf32, #tpu.memory_space<vmem>>) target(%dma_start3A_53 : memref<3136xf32, #tpu.memory_space<hbm>>) target_semaphore(%run_scoped3A : memref<!tpu.dma_semaphore, #tpu.memory_space<semaphore_mem>>)
      %dma_wait3A = tpu.memref_slice %arg5[%add3A_52] : memref<100352xf32, #tpu.memory_space<hbm>> -> memref<3136xf32, #tpu.memory_space<hbm>>
      %dma_wait3A_54 = tpu.memref_slice %arg5[%add3A_52] : memref<100352xf32, #tpu.memory_space<hbm>> -> memref<3136xf32, #tpu.memory_space<hbm>>
      tpu.wait_dma2 semaphore(%run_scoped3A : memref<!tpu.dma_semaphore, #tpu.memory_space<semaphore_mem>>) src(%arg9 : memref<3136xf32, #tpu.memory_space<vmem>>) dst(%dma_wait3A_54 : memref<3136xf32, #tpu.memory_space<hbm>>)
      tpu.yield
    }) : () -> ()
    return
  }
}

module attributes {stable_mosaic.version = 14 : i64} {
  func.func @_tc_elem_body(%arg0: memref<2x392x128xf32, #tpu.memory_space<vmem>>, %arg1: memref<392x128xf32, #tpu.memory_space<vmem>>, %arg2: memref<392x128xf32, #tpu.memory_space<vmem>>, %arg3: memref<392x128xf32, #tpu.memory_space<vmem>>) attributes {dimension_semantics = [], scalar_prefetch = 0 : i64, scratch_operands = 0 : i64, tpu.core_type = #tpu.core_type<tc>} {
    %get3A = arith.constant 0 : index
    %get3A_0 = arith.constant 0 : index
    %get3A_1 = arith.constant 0 : index
    %get3A_2 = vector.load %arg0[%get3A, %get3A_0, %get3A_1] : memref<2x392x128xf32, #tpu.memory_space<vmem>>, vector<1x392x128xf32>
    %get3A_3 = vector.shape_cast %get3A_2 : vector<1x392x128xf32> to vector<392x128xf32>
    %get3A_4 = arith.constant 1 : index
    %get3A_5 = arith.constant 0 : index
    %get3A_6 = arith.constant 0 : index
    %get3A_7 = vector.load %arg0[%get3A_4, %get3A_5, %get3A_6] : memref<2x392x128xf32, #tpu.memory_space<vmem>>, vector<1x392x128xf32>
    %get3A_8 = vector.shape_cast %get3A_7 : vector<1x392x128xf32> to vector<392x128xf32>
    %add3A = arith.addf %get3A_3, %get3A_8 : vector<392x128xf32>
    %add3A_9 = arith.constant 1.000000e+00 : f32
    %add3A_10 = vector.broadcast %add3A_9 : f32 to vector<392x128xf32>
    %add3A_11 = arith.addf %add3A, %add3A_10 : vector<392x128xf32>
    %rsqrt3A = math.rsqrt %add3A_11 : vector<392x128xf32>
    %swap3A = arith.constant 0 : index
    %swap3A_12 = arith.constant 0 : index
    %swap3A_13 = vector.load %arg3[%swap3A, %swap3A_12] : memref<392x128xf32, #tpu.memory_space<vmem>>, vector<392x128xf32>
    tpu.vector_store %arg3[%swap3A, %swap3A_12], %rsqrt3A {strides = array<i32>} : memref<392x128xf32, #tpu.memory_space<vmem>>, vector<392x128xf32>,
    %get3A_14 = arith.constant 0 : index
    %get3A_15 = arith.constant 0 : index
    %get3A_16 = vector.load %arg1[%get3A_14, %get3A_15] : memref<392x128xf32, #tpu.memory_space<vmem>>, vector<392x128xf32>
    %mul3A = arith.mulf %get3A_16, %rsqrt3A : vector<392x128xf32>
    %swap3A_17 = arith.constant 0 : index
    %swap3A_18 = arith.constant 0 : index
    %swap3A_19 = vector.load %arg2[%swap3A_17, %swap3A_18] : memref<392x128xf32, #tpu.memory_space<vmem>>, vector<392x128xf32>
    tpu.vector_store %arg2[%swap3A_17, %swap3A_18], %mul3A {strides = array<i32>} : memref<392x128xf32, #tpu.memory_space<vmem>>, vector<392x128xf32>,
    return
  }
}

module attributes {stable_mosaic.version = 14 : i64} {
  func.func @_tc_heads_body(%arg0: i32, %arg1: memref<2x1x10x100xf32, #tpu.memory_space<vmem>>, %arg2: memref<1x10x100xf32, #tpu.memory_space<vmem>>, %arg3: memref<1x10x100xf32, #tpu.memory_space<vmem>>, %arg4: memref<1x64xf32, #tpu.memory_space<vmem>>, %arg5: memref<1x64xf32, #tpu.memory_space<vmem>>, %arg6: memref<1x10x64x100xf32, #tpu.memory_space<vmem>>, %arg7: memref<1x10x100xf32, #tpu.memory_space<vmem>>, %arg8: memref<1x10x100x100xf32, #tpu.memory_space<vmem>>) attributes {dimension_semantics = [#tpu.dimension_semantics<arbitrary>], iteration_bounds = array<i64: 50>, scalar_prefetch = 0 : i64, scratch_operands = 0 : i64, tpu.core_type = #tpu.core_type<tc>, window_params = [{transform_indices = @transform_0, window_bounds = array<i64: 2, 1, 10, 100>}, {transform_indices = @transform_1, window_bounds = array<i64: 1, 10, 100>}, {transform_indices = @transform_2, window_bounds = array<i64: 1, 10, 100>}, {pipeline_mode = #tpu.pipeline_mode<synchronous>, transform_indices = @transform_3, window_bounds = array<i64: 1, 64>}, {pipeline_mode = #tpu.pipeline_mode<synchronous>, transform_indices = @transform_4, window_bounds = array<i64: 1, 64>}, {transform_indices = @transform_5, window_bounds = array<i64: 1, 10, 64, 100>}, {transform_indices = @transform_6, window_bounds = array<i64: 1, 10, 100>}, {transform_indices = @transform_7, window_bounds = array<i64: 1, 10, 100, 100>}]} {
    %get3A = arith.constant 0 : index
    %get3A_0 = arith.constant 0 : index
    %get3A_1 = arith.constant 0 : index
    %get3A_2 = vector.load %arg3[%get3A, %get3A_0, %get3A_1] : memref<1x10x100xf32, #tpu.memory_space<vmem>>, vector<1x10x100xf32>
    %get3A_3 = vector.shape_cast %get3A_2 : vector<1x10x100xf32> to vector<10x100xf32>
    %get3A_4 = arith.constant 0 : index
    %get3A_5 = arith.constant 0 : index
    %get3A_6 = arith.constant 0 : index
    %get3A_7 = arith.constant 0 : index
    %get3A_8 = vector.load %arg1[%get3A_4, %get3A_5, %get3A_6, %get3A_7] : memref<2x1x10x100xf32, #tpu.memory_space<vmem>>, vector<1x1x10x100xf32>
    %get3A_9 = vector.shape_cast %get3A_8 : vector<1x1x10x100xf32> to vector<10x100xf32>
    %get3A_10 = arith.constant 1 : index
    %get3A_11 = arith.constant 0 : index
    %get3A_12 = arith.constant 0 : index
    %get3A_13 = arith.constant 0 : index
    %get3A_14 = vector.load %arg1[%get3A_10, %get3A_11, %get3A_12, %get3A_13] : memref<2x1x10x100xf32, #tpu.memory_space<vmem>>, vector<1x1x10x100xf32>
    %get3A_15 = vector.shape_cast %get3A_14 : vector<1x1x10x100xf32> to vector<10x100xf32>
    %add3A = arith.addf %get3A_9, %get3A_15 : vector<10x100xf32>
    %get3A_16 = arith.constant 0 : index
    %get3A_17 = arith.constant 0 : index
    %get3A_18 = arith.constant 0 : index
    %get3A_19 = vector.load %arg2[%get3A_16, %get3A_17, %get3A_18] : memref<1x10x100xf32, #tpu.memory_space<vmem>>, vector<1x10x100xf32>
    %get3A_20 = vector.shape_cast %get3A_19 : vector<1x10x100xf32> to vector<10x100xf32>
    %add3A_21 = arith.addf %add3A, %get3A_20 : vector<10x100xf32>
    %mul3A = arith.mulf %get3A_3, %add3A_21 : vector<10x100xf32>
    %broadcast_in_dim3A = vector.shape_cast %mul3A : vector<10x100xf32> to vector<10x100x1xf32>
    %get3A_22 = arith.constant 0 : index
    %get3A_23 = arith.constant 0 : index
    %get3A_24 = vector.load %arg4[%get3A_22, %get3A_23] : memref<1x64xf32, #tpu.memory_space<vmem>>, vector<1x64xf32>
    %get3A_25 = vector.shape_cast %get3A_24 : vector<1x64xf32> to vector<64xf32>
    %broadcast_in_dim3A_26 = vector.shape_cast %get3A_25 : vector<64xf32> to vector<1x1x64xf32>
    %mul3A_27 = vector.broadcast %broadcast_in_dim3A : vector<10x100x1xf32> to vector<10x100x64xf32>
    %mul3A_28 = vector.broadcast %broadcast_in_dim3A_26 : vector<1x1x64xf32> to vector<10x100x64xf32>
    %mul3A_29 = arith.mulf %mul3A_27, %mul3A_28 : vector<10x100x64xf32>
    %get3A_30 = arith.constant 0 : index
    %get3A_31 = arith.constant 0 : index
    %get3A_32 = vector.load %arg5[%get3A_30, %get3A_31] : memref<1x64xf32, #tpu.memory_space<vmem>>, vector<1x64xf32>
    %get3A_33 = vector.shape_cast %get3A_32 : vector<1x64xf32> to vector<64xf32>
    %broadcast_in_dim3A_34 = vector.shape_cast %get3A_33 : vector<64xf32> to vector<1x1x64xf32>
    %add3A_35 = vector.broadcast %broadcast_in_dim3A_34 : vector<1x1x64xf32> to vector<10x100x64xf32>
    %add3A_36 = arith.addf %mul3A_29, %add3A_35 : vector<10x100x64xf32>
    %max3A = arith.constant 0.000000e+00 : f32
    %max3A_37 = vector.broadcast %max3A : f32 to vector<10x100x64xf32>
    %max3A_38 = arith.maximumf %add3A_36, %max3A_37 : vector<10x100x64xf32>
    %get3A_39 = arith.constant 0 : index
    %get3A_40 = arith.constant 0 : index
    %get3A_41 = arith.constant 0 : index
    %get3A_42 = arith.constant 0 : index
    %get3A_43 = vector.load %arg6[%get3A_39, %get3A_40, %get3A_41, %get3A_42] : memref<1x10x64x100xf32, #tpu.memory_space<vmem>>, vector<1x10x64x100xf32>
    %get3A_44 = vector.shape_cast %get3A_43 : vector<1x10x64x100xf32> to vector<10x64x100xf32>
    %dot_general3A = arith.constant dense<0.000000e+00> : vector<10x100x100xf32>
    %dot_general3A_45 = tpu.matmul %max3A_38, %get3A_44, %dot_general3A {dimension_numbers = #tpu.dot_dimension_numbers<[2], [1], [1], [2], [0, 0, 0, 1, 1, 2], [0], [0]>, transpose_lhs_hint = false} : vector<10x100x64xf32>, vector<10x64x100xf32>, vector<10x100x100xf32> -> vector<10x100x100xf32>
    %get3A_46 = arith.constant 0 : index
    %get3A_47 = arith.constant 0 : index
    %get3A_48 = arith.constant 0 : index
    %get3A_49 = vector.load %arg7[%get3A_46, %get3A_47, %get3A_48] : memref<1x10x100xf32, #tpu.memory_space<vmem>>, vector<1x10x100xf32>
    %get3A_50 = vector.shape_cast %get3A_49 : vector<1x10x100xf32> to vector<10x100xf32>
    %broadcast_in_dim3A_51 = vector.shape_cast %get3A_50 : vector<10x100xf32> to vector<10x1x100xf32>
    %add3A_52 = vector.broadcast %broadcast_in_dim3A_51 : vector<10x1x100xf32> to vector<10x100x100xf32>
    %add3A_53 = arith.addf %dot_general3A_45, %add3A_52 : vector<10x100x100xf32>
    %swap3A = arith.constant 0 : index
    %swap3A_54 = arith.constant 0 : index
    %swap3A_55 = arith.constant 0 : index
    %swap3A_56 = arith.constant 0 : index
    %swap3A_57 = vector.load %arg8[%swap3A, %swap3A_54, %swap3A_55, %swap3A_56] : memref<1x10x100x100xf32, #tpu.memory_space<vmem>>, vector<1x10x100x100xf32>
    %swap3A_58 = vector.shape_cast %swap3A_57 : vector<1x10x100x100xf32> to vector<10x100x100xf32>
    %swap3A_59 = vector.shape_cast %add3A_53 : vector<10x100x100xf32> to vector<1x10x100x100xf32>
    tpu.vector_store %arg8[%swap3A, %swap3A_54, %swap3A_55, %swap3A_56], %swap3A_59 {strides = array<i32>} : memref<1x10x100x100xf32, #tpu.memory_space<vmem>>, vector<1x10x100x100xf32>,
    return
  }
  func.func @transform_0(%arg0: i32) -> (i32, i32, i32, i32) {
    %c0_i32 = arith.constant 0 : i32
    %c0_i32_0 = arith.constant 0 : i32
    %c0_i32_1 = arith.constant 0 : i32
    %c0_i32_2 = arith.constant 0 : i32
    return %c0_i32, %arg0, %c0_i32_0, %c0_i32_1 : i32, i32, i32, i32
  }
  func.func @transform_1(%arg0: i32) -> (i32, i32, i32) {
    %c0_i32 = arith.constant 0 : i32
    %c0_i32_0 = arith.constant 0 : i32
    %c0_i32_1 = arith.constant 0 : i32
    return %arg0, %c0_i32, %c0_i32_0 : i32, i32, i32
  }
  func.func @transform_2(%arg0: i32) -> (i32, i32, i32) {
    %c0_i32 = arith.constant 0 : i32
    %c0_i32_0 = arith.constant 0 : i32
    %c0_i32_1 = arith.constant 0 : i32
    return %arg0, %c0_i32, %c0_i32_0 : i32, i32, i32
  }
  func.func @transform_3(%arg0: i32) -> (i32, i32) {
    %c0_i32 = arith.constant 0 : i32
    %c0_i32_0 = arith.constant 0 : i32
    %c0_i32_1 = arith.constant 0 : i32
    return %c0_i32, %c0_i32_0 : i32, i32
  }
  func.func @transform_4(%arg0: i32) -> (i32, i32) {
    %c0_i32 = arith.constant 0 : i32
    %c0_i32_0 = arith.constant 0 : i32
    %c0_i32_1 = arith.constant 0 : i32
    return %c0_i32, %c0_i32_0 : i32, i32
  }
  func.func @transform_5(%arg0: i32) -> (i32, i32, i32, i32) {
    %c0_i32 = arith.constant 0 : i32
    %c0_i32_0 = arith.constant 0 : i32
    %c0_i32_1 = arith.constant 0 : i32
    %c0_i32_2 = arith.constant 0 : i32
    return %arg0, %c0_i32, %c0_i32_0, %c0_i32_1 : i32, i32, i32, i32
  }
  func.func @transform_6(%arg0: i32) -> (i32, i32, i32) {
    %c0_i32 = arith.constant 0 : i32
    %c0_i32_0 = arith.constant 0 : i32
    %c0_i32_1 = arith.constant 0 : i32
    return %arg0, %c0_i32, %c0_i32_0 : i32, i32, i32
  }
  func.func @transform_7(%arg0: i32) -> (i32, i32, i32, i32) {
    %c0_i32 = arith.constant 0 : i32
    %c0_i32_0 = arith.constant 0 : i32
    %c0_i32_1 = arith.constant 0 : i32
    %c0_i32_2 = arith.constant 0 : i32
    return %arg0, %c0_i32, %c0_i32_0, %c0_i32_1 : i32, i32, i32, i32
  }
}

</mosaic_0001>

<sc_bundles>
// kernel: kernel.6.cloned.1.call-start
scs
__scs_entry_jumppad:
0x0: {  	(pc) =	sbr.rel $0x88, $3  }
0x1: {  	(tag) =	ssettag $0x0;
	lr =	simm.s32 $0x1  }
0x2: {  	[smem:$0x3F9B] =	sst lr;
	_ =	strace $0xD0000000  }
0x3: {  	_ = 	snop  }
0x4: {  	_ = 	snop  }
0x5: {  	_ = 	snop  }
0x6: {  	_ = 	snop  }
0x7: {  	_ = 	snop  }
__scs_overlays_trampoline_lowered:
0x8: {  	[smem:$0x3FAA] =	sst s0  }
0x9: {  	[smem:$0x3FAB] =	sst s1  }
0xa: {  	[smem:$0x3FAC] =	sst s2  }
0xb: {  	[smem:$0x3FAD] =	sst s3  }
0xc: {  	[smem:$0x3FAE] =	sst s4  }
0xd: {  	[smem:$0x3FAF] =	sst s5  }
0xe: {  	[smem:$0x3FB0] =	sst s6  }
0xf: {  	[smem:$0x3FB1] =	sst s7  }
0x10: {  	[smem:$0x3FB2] =	sst s8  }
0x11: {  	[smem:$0x3FB3] =	sst s9;
	s0 =	simm.s32 @!p0 $0x0  }
0x12: {  	s1 =	sld [smem:$0x3F99];
	s0 =	simm.s32 @p0 $0x1  }
0x13: {  	[smem:$0x3FB4] =	sst s0;
	s0 =	simm.s32 @!p1 $0x0  }
0x14: {  	s2 =	sld [smem:$0x3F98];
	s0 =	simm.s32 @p1 $0x1  }
0x15: {  	[smem:$0x3FB5] =	sst s0;
	s0 =	simm.s32 @!p2 $0x0  }
0x16: {  	s3 =	sld [smem:$0x3FDB];
	s0 =	simm.s32 @p2 $0x1  }
0x17: {  	s4 =	simm.s32 $0x1BF5;
	[smem:$0x3FB7] =	sst s0  }
0x18: {  	s0 =	sld [smem:$0x3F9A];
	_ =	swait.ge [sflag:s4], $0x0  }
0x19: {  	s7 =	sld [smem:$0x3F9B]  }
0x1a: {  	s8 =	sadd.s32 $0xFFFFE003, lr  }
0x1b: {  	s9 =	sadd.s32 $0xFFFFFEF7, lr;
	s5 =	simm.s32 $0xFFFFFFFF;
	p2 =	slt.u32 s8, $0xFFFFF086  }
0x1c: {  	p1 =	slt.u32 s9, $0xF7A;
	s5 =	simm.s32 @!p2 $0x0  }
0x1d: {  	s5 =	simm.s32 @p1 $0x1;
	p0 =	seq.s32 s7, s2  }
0x1e: {  	s7 =	smul.u32 @!p0 $0xF7A, s2;
	p2 =	seq.s32 @!p0 s5, $0x0  }
0x1f: {  	s9 =	smul.u32 $0xF7A, s1;
	s8 =	simm.s32 @!p0 $0x1BF5;
	p2 =	por !p2, p0  }
0x20: {  	[sflag:s8] =	ssyncset.s32 @!p0 $0xFFFFF086;
	s6 =	sadd.s32 @!p0 s3, s7;
	s7 =	simm.s32 @!p0 $0x108  }
0x21: {  	s3 =	sadd.s32 s3, s9;
	s6 =	sadd.s32 @!p0 $0x88, s6;
	s7 =	simm.s32 @p2 $0x1082  }
0x22: {  	[simem:s7], [sflag:s8] =	dma.local @!p0 [hbm:s6], $0xF7A  }
0x23: {  	s9 =	sor.u32 $0xD0000000, s2;
	s6 =	simm.s32 $0x108;
	_ =	swait.ge @!p0 [sflag:s8], $0x0  }
0x24: {  	s3 =	sadd.s32 $0x88, s3;
	s6 =	simm.s32 @!p1 $0x1082;
	[sflag:s4] =	ssyncset.s32 $0xFFFFF086  }
0x25: {  	[simem:s6], [sflag:s4] =	dma.local [hbm:s3], $0xF7A  }
0x26: {  	[smem:$0x3F9B] =	sst s1;
	(tag) =	ssettag s2;
	_ =	strace s9  }
0x27: {  	s1 =	sld [smem:$0x3FAB]  }
0x28: {  	s2 =	sld [smem:$0x3FAC]  }
0x29: {  	s4 =	sld [smem:$0x3FAE]  }
0x2a: {  	p0 =	seq.s32 s5, $0x0;
	s5 =	sld [smem:$0x3FAF]  }
0x2b: {  	s6 =	sld [smem:$0x3FB0]  }
0x2c: {  	s7 =	sld [smem:$0x3FB1]  }
0x2d: {  	s3 =	simm.s32 $0x108;
	s8 =	sld [smem:$0x3FB2]  }
0x2e: {  	s3 =	simm.s32 @!p0 $0x1082;
	s9 =	sld [smem:$0x3FB3]  }
0x2f: {  	lr =	sadd.s32 s0, s3;
	s0 =	sld [smem:$0x3FAA]  }
0x30: {  	s3 =	sld [smem:$0x3FAD]  }
0x31: {  	[smem:$0x3FB6] =	sst s10  }
0x32: {  	s10 =	sld [smem:$0x3FB4];
	_ =	sdelay $0x3  }
0x33: {  	p0 =	seq.s32 s10, $0x1;
	s10 =	sld [smem:$0x3FB6];
	_ =	sdelay $0x3  }
0x34: {  	[smem:$0x3FB6] =	sst s10  }
0x35: {  	s10 =	sld [smem:$0x3FB5];
	_ =	sdelay $0x3  }
0x36: {  	p1 =	seq.s32 s10, $0x1;
	s10 =	sld [smem:$0x3FB6];
	_ =	sdelay $0x3  }
0x37: {  	[smem:$0x3FB6] =	sst s10  }
0x38: {  	s10 =	sld [smem:$0x3FB7]  }
0x39: {  	_ = 	snop;
	(pc) =	sbr.ind lr, $3  }
0x3a: {  	_ = 	snop  }
0x3b: {  	_ = 	snop  }
0x3c: {  	p2 =	seq.s32 s10, $0x1;
	s10 =	sld [smem:$0x3FB6]  }
0x3d: {  	_ =	shalt  }
0x3e: {  	_ =	shalt  }
0x3f: {  	_ =	shalt  }
0x40: {  	_ =	shalt  }
0x41: {  	_ =	shalt  }
0x42: {  	_ =	shalt  }
0x43: {  	_ =	shalt  }
0x44: {  	_ =	shalt  }
0x45: {  	_ =	shalt  }
0x46: {  	_ =	shalt  }
0x47: {  	_ =	shalt  }
0x48: {  	_ =	shalt  }
0x49: {  	_ =	shalt  }
0x4a: {  	_ =	shalt  }
0x4b: {  	_ =	shalt  }
0x4c: {  	_ =	shalt  }
0x4d: {  	_ =	shalt  }
0x4e: {  	_ =	shalt  }
0x4f: {  	_ =	shalt  }
0x50: {  	_ =	shalt  }
0x51: {  	_ =	shalt  }
0x52: {  	_ =	shalt  }
0x53: {  	_ =	shalt  }
0x54: {  	_ =	shalt  }
0x55: {  	_ =	shalt  }
0x56: {  	_ =	shalt  }
0x57: {  	_ =	shalt  }
0x58: {  	_ =	shalt  }
0x59: {  	_ =	shalt  }
0x5a: {  	_ =	shalt  }
0x5b: {  	_ =	shalt  }
0x5c: {  	_ =	shalt  }
0x5d: {  	_ =	shalt  }
0x5e: {  	_ =	shalt  }
0x5f: {  	_ =	shalt  }
0x60: {  	_ =	shalt  }
0x61: {  	_ =	shalt  }
0x62: {  	_ =	shalt  }
0x63: {  	_ =	shalt  }
0x64: {  	_ =	shalt  }
0x65: {  	_ =	shalt  }
0x66: {  	_ =	shalt  }
0x67: {  	_ =	shalt  }
0x68: {  	_ =	shalt  }
0x69: {  	_ =	shalt  }
0x6a: {  	_ =	shalt  }
0x6b: {  	_ =	shalt  }
0x6c: {  	_ =	shalt  }
0x6d: {  	_ =	shalt  }
0x6e: {  	_ =	shalt  }
0x6f: {  	_ =	shalt  }
0x70: {  	_ =	shalt  }
0x71: {  	_ =	shalt  }
0x72: {  	_ =	shalt  }
0x73: {  	_ =	shalt  }
0x74: {  	_ =	shalt  }
0x75: {  	_ =	shalt  }
0x76: {  	_ =	shalt  }
0x77: {  	_ =	shalt  }
0x78: {  	_ =	shalt  }
0x79: {  	_ =	shalt  }
0x7a: {  	_ =	shalt  }
0x7b: {  	_ =	shalt  }
0x7c: {  	_ =	shalt  }
0x7d: {  	_ =	shalt  }
0x7e: {  	_ =	shalt  }
0x7f: {  	_ =	shalt  }
0x80: {  	_ =	shalt  }
0x81: {  	_ =	shalt  }
0x82: {  	_ =	shalt  }
0x83: {  	_ =	shalt  }
0x84: {  	_ =	shalt  }
0x85: {  	_ =	shalt  }
0x86: {  	_ =	shalt  }
0x87: {  	_ =	shalt  }
.Lfunc_end0:
.L_simem_size_0:
called_computation_lowered:
.L_overlay_start_0:
0x88: {  	s2 =	sld [smem:$0x3FD9]  }
0x89: {  	s3 =	sld [smem:$0x3FFE];
	_ =	sdelay $0x1  }
0x8a: {  	s1 =	srdreg.scid  }
0x8b: {  	s0 =	sand.u32 $0x1, s1  }
0x8c: {  	s17 =	sshll.u32 s0, $0xA;
	s2 =	sadd.s32 s3, s2  }
0x8d: {  	s2 =	sadd.s32 s2, s17  }
0x8e: {  	[smem:$0x3FC2] =	sst s2  }
0x8f: {  	_ = 	snop  }
0x90: {  	s2 =	sld [smem:$0x3FD0];
	(tm) =	ssettm $0x1  }
0x91: {  	s18 =	sld [smem:$0x3FFB];
	_ =	sdelay $0x3  }
0x92: {  	_ =	strace s18  }
0x93: {  	s3 =	sld [smem:$0x3FFC];
	_ =	sdelay $0x3  }
0x94: {  	_ =	strace s3  }
0x95: {  	s3 =	sld [smem:$0x3FFD];
	_ =	sdelay $0x3  }
0x96: {  	_ =	strace s3  }
0x97: {  	_ =	strace $0x8FFFFFFF  }
0x98: {  	s19 =	sld [smem:$0x3FDB];
	_ =	sdelay $0x1  }
0x99: {  	s4 =	simm.s32 $_scs_section_size  }
0x9a: {  	s5 =	simm.s32 $_size__tile_overlayer_lowered;
	s6 =	simm.s32 $_tile_overlayer_lowered  }
0x9b: {  	s22 =	simm.s32 $0x1BFF;
	s21 =	sshll.u32 s6, $0x1;
	s3 =	sadd.s32 s4, s19  }
0x9c: {  	s7 =	simm.s32 $0x0;
	s20 =	sshll.u32 s5, $0x1;
	s5 =	sadd.s32 s21, s3  }
0x9d: {  	[timem:s7], [sflag:s22] =	dma.local [hbm:s5], s20  }
0x9e: {  	_ =	swait.ge [sflag:s22], s20  }
0x9f: {  	s4 =	ssub.s32 $0x0, s20;
	[sflag:s22] =	ssyncset.done $0x0  }
0xa0: {  	[sflag:s22] =	ssyncadd.s32 s4;
	_ =	sdelay $0x1  }
0xa1: {  	s23 =	simm.s32 $0x1B8B  }
0xa2: {  	_ =	swait.ge [sflag:s23], $0x1  }
0xa3: {  	[sflag:s23] =	ssyncset.done $0x0  }
0xa4: {  	s25 =	simm.s32 $0x1B8E;
	s24 =	sld [smem:$0x3FFE];
	[sflag:s23] =	ssyncadd.s32 $0xFFFFFFFF  }
0xa5: {  	s26 =	simm.s32 $execute0_lowered;
	[smem:$0x3FD2] =	sst s25  }
0xa6: {  	s5 =	sshll.u32 s26, $0x1;
	_ =	strace $0x80000046;
	[dreg:$0x1] =	wrdreg $0xFFFFFFFF  }
0xa7: {  	s28 =	simm.s32 $_size_execute0_lowered;
	s3 =	sadd.s32 s3, s5;
	[dreg:$0x0] =	wrdreg $0x0  }
0xa8: {  	s5 =	sshll.u32 s28, $0x1;
	[dreg:$0x2] =	wrdreg s3  }
0xa9: {  	[dreg:$0x3] =	wrdreg s5  }
0xaa: {  	[dreg:$0x4] =	wrdreg $0xC0  }
0xab: {  	_ =	task [dreg:s7], $0x5FFFF  }
0xac: {  	[dreg:$0x1] =	wrdreg $0xFFFFFFFF  }
0xad: {  	[dreg:$0x0] =	wrdreg $0x60  }
0xae: {  	[dreg:$0x2] =	wrdreg s2  }
0xaf: {  	[dreg:$0x3] =	wrdreg s24  }
0xb0: {  	[dreg:$0x4] =	wrdreg $0x71000  }
0xb1: {  	[dreg:$0x5] =	wrdreg $0x9  }
0xb2: {  	_ =	task.clear_ibuf [dreg:s7], $0x6FFFF;
	_ =	strace $0x90000046  }
0xb3: {  	s29 =	simm.s32 $0x9;
	_ =	strace $0x80000048  }
0xb4: {  	_ =	swait.ge [sflag:s29], $0x1  }
0xb5: {  	[sflag:s29] =	ssyncadd.s32 $0xFFFFFFFF  }
0xb6: {  	_ =	strace $0x90000048  }
0xb7: {  	_ =	sfence  }
0xb8: {  	s30 =	sld [smem:$0x0];
	_ =	sdelay $0x2  }
0xb9: {  	s31 =	sshll.u32 s1, $0xD;
	s1 =	sshrl.u32 s1, $0x2  }
0xba: {  	s3 =	sand.u32 $0x4000, s31;
	s1 =	sadd.s32 s1, s30  }
0xbb: {  	s0 =	sor.u32 s3, s0;
	s1 =	sshll.u32 s1, $0x11  }
0xbc: {  	s0 =	sor.u32 s1, s0  }
0xbd: {  	s0 =	sadd.s32 $0x8F2B, s0  }
0xbe: {  	[sflag:s0] =	ssyncadd.remote.s32 $0x1  }
0xbf: {  	_ =	sfence.sel $0xFFFF  }
0xc0: {  	[dreg:$0x0] =	wrdreg $0xFFFFFFFF;
	(pc) =	sbr.abs _section_cstart, $3  }
0xc1: {  	[dreg:$0x1] =	wrdreg $0xFFFFFFFF  }
0xc2: {  	_ =	task.clear_ibuf [dreg:s7], $0x2FFFF;
	_ =	strace $0x9FFFFFFF  }
0xc3: {  	(tm) =	ssettm $0x7FFFFFFF  }
tec
execute0_lowered:
.L_overlay_start_1:
0x0: {  	(tag) =	ssettag $0x1  }
0x1: {  	s7 =	rddreg [dreg:$0x0]  }
0x2: {  	s1 =	srdreg.scid;
	s4 =	rddreg [dreg:$0x1]  }
0x3: {  	s0 =	stileid.u32;
	s2 =	rddreg [dreg:$0x2]  }
0x4: {  	s3 =	simm.s32 $0x0;
	s11 =	simm.s32 $0x2;
	s12 =	simm.s32 $0x80  }
0x5: {  	s13 =	simm.s32 $0x6400;
	s5 =	sand.u32 $0x1, s1;
	s1 =	rddreg [dreg:$0x3]  }
0x6: {  	s14 =	simm.s32 $0x1;
	s6 =	smul.u32 $0xC40, s0;
	[smem:$0x7FF] =	sst s3  }
0x7: {  	s8 =	smul.u32 $0xC400, s5;
	s9 =	sshll.u32 s5, $0x4;
	s5 =	ssub.s32 $0x2, s5  }
0x8: {  	_ =	strace $0x80000047;
	s15 =	sor.u32 s0, s9;
	s31 =	sshrl.u32 s5, $0x1  }
0x9: {  	s8 =	sadd.s32 s6, s8;
	s9 =	smul.u32 $0xC80, s15;
	s10 =	ssub.s32 s5, s31  }
0xa: {  	p0 =	seq.s32 s15, $0x1F;
	p1 =	sne.s32 s15, $0x1F;
	s8 =	sshrl.u32 s8, $0x3  }
0xb: {  	s15 =	simm.s32 $0x0;
	s8 =	sadd.s32 s8, s4;
	s4 =	sadd.s32 s6, s2  }
0xc: {  	s5 =	sadd.s32 s7, s9;
	s6 =	sadd.s32 $0x18380, s7;
	s7 =	sadd.s32 $0x18680, s7  }
0xd: {  	v0 =	vimm.f32 $0.0e+00;
	v1 =	vimm.f32 $1.000000000e+00;
	s9 =	smax.u32 s10, $0x1;
	s10 =	simm.s32 $0x6480;
	s8 =	sadd.s32 $0x19A00, s8  }
.LBB2_1:
0xe: {  	s16 =	simm.s32 $0x40;
	s17 =	simm.s32 $0x0  }
.LBB2_2:
0xf: {  	p2 =	sne.s32 s16, $0x30C0;
	[tilespmem:s17+$0x6480] =	vst v0;
	s17 =	smov.u32 s16;
	s16 =	sadd.s32 $0x40, s16  }
.Ltmp0:
0x10: {  	(pc) =	sbr.rel @p2 .LBB2_2-.Ltmp0, $2  }
0x11: {  	_ =	sdelay $0x2  }
0x12: {  	s17 =	sshra.s32 s17, $0x2  }
0x13: {  	[tilespmem:s17+$0x6480] =	vst v0  }
0x14: {  	[tilespmem:$0x6400] =	vst v1  }
0x15: {  	[tilespmem:$0x6410] =	vst v1  }
0x16: {  	[tilespmem:$0x6420] =	vst v1  }
0x17: {  	[tilespmem:$0x6430] =	vst v1  }
0x18: {  	[tilespmem:$0x6440] =	vst v1  }
0x19: {  	[tilespmem:$0x6450] =	vst v1  }
0x1a: {  	[tilespmem:$0x6460] =	vst v1  }
0x1b: {  	[tilespmem:$0x6470] =	vst v1  }
0x1c: {  	[spmem:s4] =	stream.linear.scatter [tilespmem:s10], [sflag:$0x2], $0xC40, $0x38;
	[tilespmem:$0x7D40] =	vst v63  }
0x1d: {  	_ =	swait.ge [sflag:s11], $0xC40  }
0x1e: {  	[sflag:s11] =	ssyncset.done $0x0  }
0x1f: {  	s16 =	simm.s32 @p0 $0x0;
	s17 =	simm.s32 @p0 $0x2;
	[sflag:s11] =	ssyncadd.s32 $0xFFFFF3C0  }
0x20: {  	[tilespmem:s16], [sflag:$0x2] =	stream.linear.gather @p0 [hbm4b:s6+s16], $0x1800, $0x38;
	[tilespmem:$0x7D40] =	vst v63  }
0x21: {  	_ =	swait.ge @p0 [sflag:s17], $0x1800  }
0x22: {  	[sflag:s17] =	ssyncset.done @p0 $0x0  }
0x23: {  	s18 =	simm.s32 @p0 $0x1800;
	[sflag:s17] =	ssyncadd.s32 @p0 $0xFFFFE800  }
0x24: {  	[tilespmem:s18], [sflag:$0x2] =	stream.linear.gather @p0 [hbm4b:s7+s16], $0x100, $0x38;
	[tilespmem:$0x7D40] =	vst v63  }
0x25: {  	_ =	swait.ge @p0 [sflag:s17], $0x100  }
0x26: {  	[sflag:s17] =	ssyncset.done @p0 $0x0  }
0x27: {  	s16 =	simm.s32 @!p0 $0x0;
	[sflag:s17] =	ssyncadd.s32 @p0 $0xFFFFFF00  }
0x28: {  	[tilespmem:s16], [sflag:$0x2] =	stream.linear.gather @!p0 [hbm4b:s5+s16], $0x6400, $0x38;
	[tilespmem:$0x7D40] =	vst v63  }
0x29: {  	s16 =	simm.s32 @!p0 $0x2  }
0x2a: {  	s17 =	simm.s32 @!p0 $0x19;
	_ =	swait.ge @!p0 [sflag:s16], $0x6400  }
0x2b: {  	s17 =	simm.s32 @p0 $0x6;
	[sflag:s16] =	ssyncset.done @!p0 $0x0  }
0x2c: {  	[sflag:s16] =	ssyncadd.s32 @!p0 $0xFFFF9C00;
	s16 =	sshll.u32 s17, $0xC  }
0x2d: {  	p3 =	sne.s32 s16, $0x1000  }
.Ltmp1:
0x2e: {  	_ = 	snop;
	(pc) =	sbr.rel @!p3 .LBB2_8-.Ltmp1, $3  }
0x2f: {  	_ =	sdelay $0x1  }
0x30: {  	[bflag:$0x0] =	sbarrier.arrive $0xFFFF  }
0x31: {  	p2 =	por $0x0, $0x0;
	s18 =	simm.s32 $0x0;
	s17 =	simm.s32 $0x1000  }
0x32: {  	s18 =	simm.s32 $0x0  }
0x33: {  	[spmem:s2] =	stream.indirect.scatter.add.f32 [tilespmem:s13], [sflag:$0x1], $0x1, s18, s12, $0xb8;
	[tilespmem:$0x7D40] =	vst v63  }
0x34: {  	s24 =	simm.s32 $0x80  }
0x35: {  	[spmem:s2] =	stream.indirect.scatter.add.f32 [tilespmem:s13], [sflag:$0x1], $0x1, s24, s12, $0xb8;
	[tilespmem:$0x7D40] =	vst v63  }
0x36: {  	s25 =	simm.s32 $0x100  }
0x37: {  	[spmem:s2] =	stream.indirect.scatter.add.f32 [tilespmem:s13], [sflag:$0x1], $0x1, s25, s12, $0xb8;
	[tilespmem:$0x7D40] =	vst v63  }
0x38: {  	s26 =	simm.s32 $0x180  }
0x39: {  	[spmem:s2] =	stream.indirect.scatter.add.f32 [tilespmem:s13], [sflag:$0x1], $0x1, s26, s12, $0xb8;
	[tilespmem:$0x7D40] =	vst v63  }
0x3a: {  	s28 =	simm.s32 $0x200  }
0x3b: {  	[spmem:s2] =	stream.indirect.scatter.add.f32 [tilespmem:s13], [sflag:$0x1], $0x1, s28, s12, $0xb8;
	[tilespmem:$0x7D40] =	vst v63  }
0x3c: {  	s29 =	simm.s32 $0x280  }
0x3d: {  	[spmem:s2] =	stream.indirect.scatter.add.f32 [tilespmem:s13], [sflag:$0x1], $0x1, s29, s12, $0xb8;
	[tilespmem:$0x7D40] =	vst v63  }
0x3e: {  	s30 =	simm.s32 $0x300  }
0x3f: {  	[spmem:s2] =	stream.indirect.scatter.add.f32 [tilespmem:s13], [sflag:$0x1], $0x1, s30, s12, $0xb8;
	[tilespmem:$0x7D40] =	vst v63  }
0x40: {  	s31 =	simm.s32 $0x380  }
0x41: {  	[spmem:s2] =	stream.indirect.scatter.add.f32 [tilespmem:s13], [sflag:$0x1], $0x1, s31, s12, $0xb8;
	[tilespmem:$0x7D40] =	vst v63  }
0x42: {  	_ =	swait.ge [sflag:s14], $0x80  }
0x43: {  	[sflag:s14] =	ssyncset.done $0x0  }
0x44: {  	[sflag:s14] =	ssyncadd.s32 $0xFFFFFF80  }
0x45: {  	_ =	swait.ge [sflag:s14], $0x80  }
0x46: {  	[sflag:s14] =	ssyncset.done $0x0  }
0x47: {  	[sflag:s14] =	ssyncadd.s32 $0xFFFFFF80  }
0x48: {  	_ =	swait.ge [sflag:s14], $0x80  }
0x49: {  	[sflag:s14] =	ssyncset.done $0x0  }
0x4a: {  	[sflag:s14] =	ssyncadd.s32 $0xFFFFFF80  }
0x4b: {  	_ =	swait.ge [sflag:s14], $0x80  }
0x4c: {  	[sflag:s14] =	ssyncset.done $0x0  }
0x4d: {  	[sflag:s14] =	ssyncadd.s32 $0xFFFFFF80  }
0x4e: {  	_ =	swait.ge [sflag:s14], $0x80  }
0x4f: {  	[sflag:s14] =	ssyncset.done $0x0  }
0x50: {  	[sflag:s14] =	ssyncadd.s32 $0xFFFFFF80  }
0x51: {  	_ =	swait.ge [sflag:s14], $0x80  }
0x52: {  	[sflag:s14] =	ssyncset.done $0x0  }
0x53: {  	p3 =	sne.s32 s16, $0x2000;
	[sflag:s14] =	ssyncadd.s32 $0xFFFFFF80  }
.Ltmp2:
0x54: {  	_ =	swait.ge [sflag:s14], $0x80;
	(pc) =	sbr.rel @!p3 .LBB2_5-.Ltmp2, $4  }
0x55: {  	[sflag:s14] =	ssyncset.done $0x0  }
0x56: {  	[sflag:s14] =	ssyncadd.s32 $0xFFFFFF80  }
0x57: {  	_ =	swait.ge [sflag:s14], $0x80  }
0x58: {  	p2 =	por $0x1, $0x1;
	s18 =	simm.s32 $0x2000;
	[sflag:s14] =	ssyncset.done $0x0  }
.LBB2_6:
0x59: {  	s19 =	sshra.s32 s17, $0x2  }
0x5a: {  	[sflag:s14] =	ssyncadd.s32 $0xFFFFFF80;
	s17 =	smov.u32 s18;
	s18 =	sadd.s32 $0x1000, s18  }
0x5b: {  	[spmem:s2] =	stream.indirect.scatter.add.f32 [tilespmem:s13], [sflag:$0x1], $0x1, s19, s12, $0xb8;
	[tilespmem:$0x7D40] =	vst v63  }
0x5c: {  	p3 =	sne.s32 s16, s18;
	s20 =	sadd.s32 $0x80, s19  }
0x5d: {  	[spmem:s2] =	stream.indirect.scatter.add.f32 [tilespmem:s13], [sflag:$0x1], $0x1, s20, s12, $0xb8;
	[tilespmem:$0x7D40] =	vst v63  }
0x5e: {  	s20 =	sadd.s32 $0x100, s19  }
0x5f: {  	[spmem:s2] =	stream.indirect.scatter.add.f32 [tilespmem:s13], [sflag:$0x1], $0x1, s20, s12, $0xb8;
	[tilespmem:$0x7D40] =	vst v63  }
0x60: {  	s20 =	sadd.s32 $0x180, s19  }
0x61: {  	[spmem:s2] =	stream.indirect.scatter.add.f32 [tilespmem:s13], [sflag:$0x1], $0x1, s20, s12, $0xb8;
	[tilespmem:$0x7D40] =	vst v63  }
0x62: {  	s20 =	sadd.s32 $0x200, s19  }
0x63: {  	[spmem:s2] =	stream.indirect.scatter.add.f32 [tilespmem:s13], [sflag:$0x1], $0x1, s20, s12, $0xb8;
	[tilespmem:$0x7D40] =	vst v63  }
0x64: {  	s20 =	sadd.s32 $0x280, s19  }
0x65: {  	[spmem:s2] =	stream.indirect.scatter.add.f32 [tilespmem:s13], [sflag:$0x1], $0x1, s20, s12, $0xb8;
	[tilespmem:$0x7D40] =	vst v63  }
0x66: {  	s20 =	sadd.s32 $0x300, s19  }
0x67: {  	[spmem:s2] =	stream.indirect.scatter.add.f32 [tilespmem:s13], [sflag:$0x1], $0x1, s20, s12, $0xb8;
	[tilespmem:$0x7D40] =	vst v63  }
0x68: {  	s19 =	sadd.s32 $0x380, s19  }
0x69: {  	[spmem:s2] =	stream.indirect.scatter.add.f32 [tilespmem:s13], [sflag:$0x1], $0x1, s19, s12, $0xb8;
	[tilespmem:$0x7D40] =	vst v63  }
0x6a: {  	_ =	swait.ge [sflag:s14], $0x80  }
0x6b: {  	[sflag:s14] =	ssyncset.done $0x0  }
0x6c: {  	[sflag:s14] =	ssyncadd.s32 $0xFFFFFF80  }
0x6d: {  	_ =	swait.ge [sflag:s14], $0x80  }
0x6e: {  	[sflag:s14] =	ssyncset.done $0x0  }
0x6f: {  	[sflag:s14] =	ssyncadd.s32 $0xFFFFFF80  }
0x70: {  	_ =	swait.ge [sflag:s14], $0x80  }
0x71: {  	[sflag:s14] =	ssyncset.done $0x0  }
0x72: {  	[sflag:s14] =	ssyncadd.s32 $0xFFFFFF80  }
0x73: {  	_ =	swait.ge [sflag:s14], $0x80  }
0x74: {  	[sflag:s14] =	ssyncset.done $0x0  }
0x75: {  	[sflag:s14] =	ssyncadd.s32 $0xFFFFFF80  }
0x76: {  	_ =	swait.ge [sflag:s14], $0x80  }
0x77: {  	[sflag:s14] =	ssyncset.done $0x0  }
0x78: {  	[sflag:s14] =	ssyncadd.s32 $0xFFFFFF80  }
0x79: {  	_ =	swait.ge [sflag:s14], $0x80  }
0x7a: {  	[sflag:s14] =	ssyncset.done $0x0  }
0x7b: {  	[sflag:s14] =	ssyncadd.s32 $0xFFFFFF80  }
.Ltmp3:
0x7c: {  	_ =	swait.ge [sflag:s14], $0x80;
	(pc) =	sbr.rel @p3 .LBB2_6-.Ltmp3, $4  }
0x7d: {  	[sflag:s14] =	ssyncset.done $0x0  }
0x7e: {  	[sflag:s14] =	ssyncadd.s32 $0xFFFFFF80  }
0x7f: {  	_ =	swait.ge [sflag:s14], $0x80  }
0x80: {  	[sflag:s14] =	ssyncset.done $0x0  }
0x81: {  	s18 =	smov.u32 s17  }
.LBB2_8:
0x82: {  	s16 =	sshra.s32 s18, $0x2;
	[sflag:s14] =	ssyncadd.s32 @p2 $0xFFFFFF80  }
0x83: {  	[spmem:s2] =	stream.indirect.scatter.add.f32 [tilespmem:s13], [sflag:$0x1], $0x1, s16, s12, $0xb8;
	[tilespmem:$0x7D40] =	vst v63  }
0x84: {  	s17 =	sadd.s32 $0x80, s16  }
0x85: {  	[spmem:s2] =	stream.indirect.scatter.add.f32 [tilespmem:s13], [sflag:$0x1], $0x1, s17, s12, $0xb8;
	[tilespmem:$0x7D40] =	vst v63  }
0x86: {  	s26 =	sadd.s32 $0x100, s16  }
0x87: {  	[spmem:s2] =	stream.indirect.scatter.add.f32 [tilespmem:s13], [sflag:$0x1], $0x1, s26, s12, $0xb8;
	[tilespmem:$0x7D40] =	vst v63  }
0x88: {  	s28 =	sadd.s32 $0x180, s16  }
0x89: {  	[spmem:s2] =	stream.indirect.scatter.add.f32 [tilespmem:s13], [sflag:$0x1], $0x1, s28, s12, $0xb8;
	[tilespmem:$0x7D40] =	vst v63  }
0x8a: {  	s29 =	sadd.s32 $0x200, s16  }
0x8b: {  	[spmem:s2] =	stream.indirect.scatter.add.f32 [tilespmem:s13], [sflag:$0x1], $0x1, s29, s12, $0xb8;
	[tilespmem:$0x7D40] =	vst v63  }
0x8c: {  	s30 =	sadd.s32 $0x280, s16  }
0x8d: {  	[spmem:s2] =	stream.indirect.scatter.add.f32 [tilespmem:s13], [sflag:$0x1], $0x1, s30, s12, $0xb8;
	[tilespmem:$0x7D40] =	vst v63  }
0x8e: {  	s31 =	sadd.s32 $0x300, s16  }
0x8f: {  	[spmem:s2] =	stream.indirect.scatter.add.f32 [tilespmem:s13], [sflag:$0x1], $0x1, s31, s12, $0xb8;
	[tilespmem:$0x7D40] =	vst v63  }
0x90: {  	s16 =	sadd.s32 $0x380, s16  }
0x91: {  	[spmem:s2] =	stream.indirect.scatter.add.f32 [tilespmem:s13], [sflag:$0x1], $0x1, s16, s12, $0xb8;
	[tilespmem:$0x7D40] =	vst v63  }
0x92: {  	_ =	swait.ge [sflag:s14], $0x80  }
0x93: {  	[sflag:s14] =	ssyncset.done $0x0  }
0x94: {  	[sflag:s14] =	ssyncadd.s32 $0xFFFFFF80  }
0x95: {  	_ =	swait.ge [sflag:s14], $0x80  }
0x96: {  	[sflag:s14] =	ssyncset.done $0x0  }
0x97: {  	[sflag:s14] =	ssyncadd.s32 $0xFFFFFF80  }
0x98: {  	_ =	swait.ge [sflag:s14], $0x80  }
0x99: {  	[sflag:s14] =	ssyncset.done $0x0  }
0x9a: {  	[sflag:s14] =	ssyncadd.s32 $0xFFFFFF80  }
0x9b: {  	_ =	swait.ge [sflag:s14], $0x80  }
0x9c: {  	[sflag:s14] =	ssyncset.done $0x0  }
0x9d: {  	[sflag:s14] =	ssyncadd.s32 $0xFFFFFF80  }
0x9e: {  	_ =	swait.ge [sflag:s14], $0x80  }
0x9f: {  	[sflag:s14] =	ssyncset.done $0x0  }
0xa0: {  	[sflag:s14] =	ssyncadd.s32 $0xFFFFFF80  }
0xa1: {  	_ =	swait.ge [sflag:s14], $0x80  }
0xa2: {  	[sflag:s14] =	ssyncset.done $0x0  }
0xa3: {  	[sflag:s14] =	ssyncadd.s32 $0xFFFFFF80  }
0xa4: {  	_ =	swait.ge [sflag:s14], $0x80  }
0xa5: {  	[sflag:s14] =	ssyncset.done $0x0  }
0xa6: {  	[sflag:s14] =	ssyncadd.s32 $0xFFFFFF80  }
0xa7: {  	_ =	swait.ge [sflag:s14], $0x80  }
0xa8: {  	s18 =	simm.s32 @!p1 $0x6400;
	[sflag:s14] =	ssyncset.done $0x0  }
0xa9: {  	s17 =	simm.s32 @!p1 $0x1800;
	s16 =	simm.s32 @!p1 $0x80;
	[sflag:s14] =	ssyncadd.s32 $0xFFFFFF80  }
0xaa: {  	[spmem:s2] =	stream.indirect.scatter.add.f32 @!p1 [tilespmem:s18], [sflag:$0x1], $0x1, s17, s16, $0xb8;
	[tilespmem:$0x7D40] =	vst v63  }
0xab: {  	s17 =	simm.s32 @!p1 $0x1880  }
0xac: {  	[spmem:s2] =	stream.indirect.scatter.add.f32 @!p1 [tilespmem:s18], [sflag:$0x1], $0x1, s17, s16, $0xb8;
	[tilespmem:$0x7D40] =	vst v63  }
0xad: {  	s16 =	simm.s32 @!p1 $0x1  }
0xae: {  	_ =	swait.ge @!p1 [sflag:s16], $0x80  }
0xaf: {  	[sflag:s16] =	ssyncset.done @!p1 $0x0  }
0xb0: {  	[sflag:s16] =	ssyncadd.s32 @!p1 $0xFFFFFF80  }
0xb1: {  	_ =	swait.ge @!p1 [sflag:s16], $0x80  }
0xb2: {  	[sflag:s16] =	ssyncset.done @!p1 $0x0  }
0xb3: {  	[sflag:s16] =	ssyncadd.s32 @!p1 $0xFFFFFF80  }
0xb4: {  	[bflag:$0x0] =	sbarrier.arrive $0xFFFF  }
0xb5: {  	[tilespmem:s10], [sflag:$0x2] =	stream.linear.gather [spmem:s4], $0xC40, $0x38;
	[tilespmem:$0x7D40] =	vst v63  }
0xb6: {  	_ =	swait.ge [sflag:s11], $0xC40  }
0xb7: {  	s15 =	sadd.s32 $0x1, s15;
	[sflag:s11] =	ssyncset.done $0x0  }
0xb8: {  	p2 =	sne.s32 s15, s9;
	[sflag:s11] =	ssyncadd.s32 $0xFFFFF3C0  }
0xb9: {  	[hbm4b:s8+s3] =	stream.linear.scatter [tilespmem:s10], [sflag:$0x2], $0xC40, $0x38;
	[tilespmem:$0x7D40] =	vst v63  }
.Ltmp4:
0xba: {  	_ = 	snop;
	(pc) =	sbr.rel @p2 .LBB2_1-.Ltmp4, $4  }
.Ltmp5:
0xbb: {  	_ = 	snop;
	(pc) =	sbr.rel @!p2 .LBB2_9-.Ltmp5, $4  }
0xbc: {  	_ =	swait.ge [sflag:s11], $0xC40  }
0xbd: {  	[sflag:s11] =	ssyncset.done $0x0  }
0xbe: {  	[sflag:s11] =	ssyncadd.s32 $0xFFFFF3C0  }
0xbf: {  	_ = 	snop  }
.LBB2_5:
.Ltmp6:
0xc0: {  	(pc) =	sbr.rel .LBB2_8-.Ltmp6, $2  }
0xc1: {  	_ =	sdelay $0x2  }
0xc2: {  	s18 =	simm.s32 $0x1000  }
.LBB2_9:
0xc3: {  	_ =	sfence.sel $0x180000  }
0xc4: {  	[bflag:$0x0] =	sbarrier.arrive $0xFFFF  }
0xc5: {  	p0 =	sne.s32 s0, $0x0;
	_ =	strace $0x90000047  }
0xc6: {  	s0 =	sadd.s32 @!p0 $0x100000, s1;
	[bflag:$0x2] =	sbarrier.arrive $0xFFFF  }
0xc7: {  	[sflag:s0] =	ssyncadd.tile.s32 @!p0 $0x1;
	_ =	shalt  }
.Lfunc_end2:
_tile_overlayer_lowered:
.L_overlay_start_2:
0xc8: {  	(tag) =	ssettag $0x2  }
0xc9: {  	s0 =	rddreg [dreg:$0x0];
	s2 =	stileid.u32  }
0xca: {  	s1 =	rddreg [dreg:$0x1];
	p0 =	sne.s32 s2, $0x0  }
0xcb: {  	s3 =	rddreg [dreg:$0x2];
	[bflag:$0x3] =	sbarrier.arrive $0xFFFF;
	s2 =	simm.s32 @!p0 $0x1C02  }
0xcc: {  	[timem:s3], [sflag:s2] =	dma.local @!p0 [hbm:s0], s1  }
0xcd: {  	s0 =	simm.s32 @!p0 $0x2  }
0xce: {  	_ =	swait.ge @!p0 [sflag:s0], s1  }
0xcf: {  	s1 =	ssub.s32 @!p0 $0x0, s1;
	[sflag:s0] =	ssyncset.done @!p0 $0x0  }
0xd0: {  	[sflag:s0] =	ssyncadd.s32 @!p0 s1  }
0xd1: {  	[bflag:$0x3] =	sbarrier.arrive $0xFFFF  }
0xd2: {  	_ =	shalt  }

// kernel: kernel.9.cloned.1.call-start
scs
__scs_entry_jumppad:
0x0: {  	(pc) =	sbr.rel $0x88, $3  }
0x1: {  	(tag) =	ssettag $0x0;
	lr =	simm.s32 $0x1  }
0x2: {  	[smem:$0x3F9B] =	sst lr;
	_ =	strace $0xD0000000  }
0x3: {  	_ = 	snop  }
0x4: {  	_ = 	snop  }
0x5: {  	_ = 	snop  }
0x6: {  	_ = 	snop  }
0x7: {  	_ = 	snop  }
__scs_overlays_trampoline_lowered:
0x8: {  	[smem:$0x3FAA] =	sst s0  }
0x9: {  	[smem:$0x3FAB] =	sst s1  }
0xa: {  	[smem:$0x3FAC] =	sst s2  }
0xb: {  	[smem:$0x3FAD] =	sst s3  }
0xc: {  	[smem:$0x3FAE] =	sst s4  }
0xd: {  	[smem:$0x3FAF] =	sst s5  }
0xe: {  	[smem:$0x3FB0] =	sst s6  }
0xf: {  	[smem:$0x3FB1] =	sst s7  }
0x10: {  	[smem:$0x3FB2] =	sst s8  }
0x11: {  	[smem:$0x3FB3] =	sst s9;
	s0 =	simm.s32 @!p0 $0x0  }
0x12: {  	s1 =	sld [smem:$0x3F99];
	s0 =	simm.s32 @p0 $0x1  }
0x13: {  	[smem:$0x3FB4] =	sst s0;
	s0 =	simm.s32 @!p1 $0x0  }
0x14: {  	s2 =	sld [smem:$0x3F98];
	s0 =	simm.s32 @p1 $0x1  }
0x15: {  	[smem:$0x3FB5] =	sst s0;
	s0 =	simm.s32 @!p2 $0x0  }
0x16: {  	s3 =	sld [smem:$0x3FDB];
	s0 =	simm.s32 @p2 $0x1  }
0x17: {  	s4 =	simm.s32 $0x1BF5;
	[smem:$0x3FB7] =	sst s0  }
0x18: {  	s0 =	sld [smem:$0x3F9A];
	_ =	swait.ge [sflag:s4], $0x0  }
0x19: {  	s7 =	sld [smem:$0x3F9B]  }
0x1a: {  	s8 =	sadd.s32 $0xFFFFE003, lr  }
0x1b: {  	s9 =	sadd.s32 $0xFFFFFEF7, lr;
	s5 =	simm.s32 $0xFFFFFFFF;
	p2 =	slt.u32 s8, $0xFFFFF086  }
0x1c: {  	p1 =	slt.u32 s9, $0xF7A;
	s5 =	simm.s32 @!p2 $0x0  }
0x1d: {  	s5 =	simm.s32 @p1 $0x1;
	p0 =	seq.s32 s7, s2  }
0x1e: {  	s7 =	smul.u32 @!p0 $0xF7A, s2;
	p2 =	seq.s32 @!p0 s5, $0x0  }
0x1f: {  	s9 =	smul.u32 $0xF7A, s1;
	s8 =	simm.s32 @!p0 $0x1BF5;
	p2 =	por !p2, p0  }
0x20: {  	[sflag:s8] =	ssyncset.s32 @!p0 $0xFFFFF086;
	s6 =	sadd.s32 @!p0 s3, s7;
	s7 =	simm.s32 @!p0 $0x108  }
0x21: {  	s3 =	sadd.s32 s3, s9;
	s6 =	sadd.s32 @!p0 $0x88, s6;
	s7 =	simm.s32 @p2 $0x1082  }
0x22: {  	[simem:s7], [sflag:s8] =	dma.local @!p0 [hbm:s6], $0xF7A  }
0x23: {  	s9 =	sor.u32 $0xD0000000, s2;
	s6 =	simm.s32 $0x108;
	_ =	swait.ge @!p0 [sflag:s8], $0x0  }
0x24: {  	s3 =	sadd.s32 $0x88, s3;
	s6 =	simm.s32 @!p1 $0x1082;
	[sflag:s4] =	ssyncset.s32 $0xFFFFF086  }
0x25: {  	[simem:s6], [sflag:s4] =	dma.local [hbm:s3], $0xF7A  }
0x26: {  	[smem:$0x3F9B] =	sst s1;
	(tag) =	ssettag s2;
	_ =	strace s9  }
0x27: {  	s1 =	sld [smem:$0x3FAB]  }
0x28: {  	s2 =	sld [smem:$0x3FAC]  }
0x29: {  	s4 =	sld [smem:$0x3FAE]  }
0x2a: {  	p0 =	seq.s32 s5, $0x0;
	s5 =	sld [smem:$0x3FAF]  }
0x2b: {  	s6 =	sld [smem:$0x3FB0]  }
0x2c: {  	s7 =	sld [smem:$0x3FB1]  }
0x2d: {  	s3 =	simm.s32 $0x108;
	s8 =	sld [smem:$0x3FB2]  }
0x2e: {  	s3 =	simm.s32 @!p0 $0x1082;
	s9 =	sld [smem:$0x3FB3]  }
0x2f: {  	lr =	sadd.s32 s0, s3;
	s0 =	sld [smem:$0x3FAA]  }
0x30: {  	s3 =	sld [smem:$0x3FAD]  }
0x31: {  	[smem:$0x3FB6] =	sst s10  }
0x32: {  	s10 =	sld [smem:$0x3FB4];
	_ =	sdelay $0x3  }
0x33: {  	p0 =	seq.s32 s10, $0x1;
	s10 =	sld [smem:$0x3FB6];
	_ =	sdelay $0x3  }
0x34: {  	[smem:$0x3FB6] =	sst s10  }
0x35: {  	s10 =	sld [smem:$0x3FB5];
	_ =	sdelay $0x3  }
0x36: {  	p1 =	seq.s32 s10, $0x1;
	s10 =	sld [smem:$0x3FB6];
	_ =	sdelay $0x3  }
0x37: {  	[smem:$0x3FB6] =	sst s10  }
0x38: {  	s10 =	sld [smem:$0x3FB7]  }
0x39: {  	_ = 	snop;
	(pc) =	sbr.ind lr, $3  }
0x3a: {  	_ = 	snop  }
0x3b: {  	_ = 	snop  }
0x3c: {  	p2 =	seq.s32 s10, $0x1;
	s10 =	sld [smem:$0x3FB6]  }
0x3d: {  	_ =	shalt  }
0x3e: {  	_ =	shalt  }
0x3f: {  	_ =	shalt  }
0x40: {  	_ =	shalt  }
0x41: {  	_ =	shalt  }
0x42: {  	_ =	shalt  }
0x43: {  	_ =	shalt  }
0x44: {  	_ =	shalt  }
0x45: {  	_ =	shalt  }
0x46: {  	_ =	shalt  }
0x47: {  	_ =	shalt  }
0x48: {  	_ =	shalt  }
0x49: {  	_ =	shalt  }
0x4a: {  	_ =	shalt  }
0x4b: {  	_ =	shalt  }
0x4c: {  	_ =	shalt  }
0x4d: {  	_ =	shalt  }
0x4e: {  	_ =	shalt  }
0x4f: {  	_ =	shalt  }
0x50: {  	_ =	shalt  }
0x51: {  	_ =	shalt  }
0x52: {  	_ =	shalt  }
0x53: {  	_ =	shalt  }
0x54: {  	_ =	shalt  }
0x55: {  	_ =	shalt  }
0x56: {  	_ =	shalt  }
0x57: {  	_ =	shalt  }
0x58: {  	_ =	shalt  }
0x59: {  	_ =	shalt  }
0x5a: {  	_ =	shalt  }
0x5b: {  	_ =	shalt  }
0x5c: {  	_ =	shalt  }
0x5d: {  	_ =	shalt  }
0x5e: {  	_ =	shalt  }
0x5f: {  	_ =	shalt  }
0x60: {  	_ =	shalt  }
0x61: {  	_ =	shalt  }
0x62: {  	_ =	shalt  }
0x63: {  	_ =	shalt  }
0x64: {  	_ =	shalt  }
0x65: {  	_ =	shalt  }
0x66: {  	_ =	shalt  }
0x67: {  	_ =	shalt  }
0x68: {  	_ =	shalt  }
0x69: {  	_ =	shalt  }
0x6a: {  	_ =	shalt  }
0x6b: {  	_ =	shalt  }
0x6c: {  	_ =	shalt  }
0x6d: {  	_ =	shalt  }
0x6e: {  	_ =	shalt  }
0x6f: {  	_ =	shalt  }
0x70: {  	_ =	shalt  }
0x71: {  	_ =	shalt  }
0x72: {  	_ =	shalt  }
0x73: {  	_ =	shalt  }
0x74: {  	_ =	shalt  }
0x75: {  	_ =	shalt  }
0x76: {  	_ =	shalt  }
0x77: {  	_ =	shalt  }
0x78: {  	_ =	shalt  }
0x79: {  	_ =	shalt  }
0x7a: {  	_ =	shalt  }
0x7b: {  	_ =	shalt  }
0x7c: {  	_ =	shalt  }
0x7d: {  	_ =	shalt  }
0x7e: {  	_ =	shalt  }
0x7f: {  	_ =	shalt  }
0x80: {  	_ =	shalt  }
0x81: {  	_ =	shalt  }
0x82: {  	_ =	shalt  }
0x83: {  	_ =	shalt  }
0x84: {  	_ =	shalt  }
0x85: {  	_ =	shalt  }
0x86: {  	_ =	shalt  }
0x87: {  	_ =	shalt  }
.Lfunc_end0:
.L_simem_size_0:
called_computation.1_lowered:
.L_overlay_start_0:
0x88: {  	s2 =	sld [smem:$0x3FD9]  }
0x89: {  	s3 =	sld [smem:$0x3FFE];
	_ =	sdelay $0x1  }
0x8a: {  	s1 =	srdreg.scid  }
0x8b: {  	s0 =	sand.u32 $0x1, s1  }
0x8c: {  	s17 =	sshll.u32 s0, $0xA;
	s2 =	sadd.s32 s3, s2  }
0x8d: {  	s2 =	sadd.s32 s2, s17  }
0x8e: {  	[smem:$0x3FC2] =	sst s2  }
0x8f: {  	_ = 	snop  }
0x90: {  	s2 =	sld [smem:$0x3FD0];
	(tm) =	ssettm $0x1  }
0x91: {  	s18 =	sld [smem:$0x3FFB];
	_ =	sdelay $0x3  }
0x92: {  	_ =	strace s18  }
0x93: {  	s3 =	sld [smem:$0x3FFC];
	_ =	sdelay $0x3  }
0x94: {  	_ =	strace s3  }
0x95: {  	s3 =	sld [smem:$0x3FFD];
	_ =	sdelay $0x3  }
0x96: {  	_ =	strace s3  }
0x97: {  	_ =	strace $0x8FFFFFFF  }
0x98: {  	s19 =	sld [smem:$0x3FDB];
	_ =	sdelay $0x1  }
0x99: {  	s4 =	simm.s32 $_scs_section_size  }
0x9a: {  	s5 =	simm.s32 $_size__tile_overlayer_lowered;
	s6 =	simm.s32 $_tile_overlayer_lowered  }
0x9b: {  	s22 =	simm.s32 $0x1BFF;
	s21 =	sshll.u32 s6, $0x1;
	s3 =	sadd.s32 s4, s19  }
0x9c: {  	s7 =	simm.s32 $0x0;
	s20 =	sshll.u32 s5, $0x1;
	s5 =	sadd.s32 s21, s3  }
0x9d: {  	[timem:s7], [sflag:s22] =	dma.local [hbm:s5], s20  }
0x9e: {  	_ =	swait.ge [sflag:s22], s20  }
0x9f: {  	s4 =	ssub.s32 $0x0, s20;
	[sflag:s22] =	ssyncset.done $0x0  }
0xa0: {  	[sflag:s22] =	ssyncadd.s32 s4;
	_ =	sdelay $0x1  }
0xa1: {  	s23 =	simm.s32 $0x1B8B  }
0xa2: {  	_ =	swait.ge [sflag:s23], $0x1  }
0xa3: {  	[sflag:s23] =	ssyncset.done $0x0  }
0xa4: {  	s25 =	simm.s32 $0x1B8E;
	s24 =	sld [smem:$0x3FFE];
	[sflag:s23] =	ssyncadd.s32 $0xFFFFFFFF  }
0xa5: {  	s26 =	simm.s32 $execute0_lowered;
	[smem:$0x3FD2] =	sst s25  }
0xa6: {  	s5 =	sshll.u32 s26, $0x1;
	_ =	strace $0x80000049;
	[dreg:$0x1] =	wrdreg $0xFFFFFFFF  }
0xa7: {  	s28 =	simm.s32 $_size_execute0_lowered;
	s3 =	sadd.s32 s3, s5;
	[dreg:$0x0] =	wrdreg $0x0  }
0xa8: {  	s5 =	sshll.u32 s28, $0x1;
	[dreg:$0x2] =	wrdreg s3  }
0xa9: {  	[dreg:$0x3] =	wrdreg s5  }
0xaa: {  	[dreg:$0x4] =	wrdreg $0xC0  }
0xab: {  	_ =	task [dreg:s7], $0x5FFFF  }
0xac: {  	[dreg:$0x1] =	wrdreg $0xFFFFFFFF  }
0xad: {  	[dreg:$0x0] =	wrdreg $0x60  }
0xae: {  	[dreg:$0x2] =	wrdreg s24  }
0xaf: {  	[dreg:$0x3] =	wrdreg s2  }
0xb0: {  	[dreg:$0x4] =	wrdreg $0xE4C00  }
0xb1: {  	[dreg:$0x5] =	wrdreg $0xD8800  }
0xb2: {  	[dreg:$0x6] =	wrdreg $0x9  }
0xb3: {  	_ =	task.clear_ibuf [dreg:s7], $0x7FFFF;
	_ =	strace $0x90000049  }
0xb4: {  	s29 =	simm.s32 $0x9;
	_ =	strace $0x8000004B  }
0xb5: {  	_ =	swait.ge [sflag:s29], $0x1  }
0xb6: {  	[sflag:s29] =	ssyncadd.s32 $0xFFFFFFFF  }
0xb7: {  	_ =	strace $0x9000004B  }
0xb8: {  	_ =	sfence  }
0xb9: {  	s30 =	sld [smem:$0x0];
	_ =	sdelay $0x2  }
0xba: {  	s31 =	sshll.u32 s1, $0xD;
	s1 =	sshrl.u32 s1, $0x2  }
0xbb: {  	s3 =	sand.u32 $0x4000, s31;
	s1 =	sadd.s32 s1, s30  }
0xbc: {  	s0 =	sor.u32 s3, s0;
	s1 =	sshll.u32 s1, $0x11  }
0xbd: {  	s0 =	sor.u32 s1, s0  }
0xbe: {  	s0 =	sadd.s32 $0x8F2B, s0  }
0xbf: {  	[sflag:s0] =	ssyncadd.remote.s32 $0x1  }
0xc0: {  	_ =	sfence.sel $0xFFFF  }
0xc1: {  	[dreg:$0x0] =	wrdreg $0xFFFFFFFF;
	(pc) =	sbr.abs _section_cstart, $3  }
0xc2: {  	[dreg:$0x1] =	wrdreg $0xFFFFFFFF  }
0xc3: {  	_ =	task.clear_ibuf [dreg:s7], $0x2FFFF;
	_ =	strace $0x9FFFFFFF  }
0xc4: {  	(tm) =	ssettm $0x7FFFFFFF  }
0xc5: {  	_ =	shalt  }
tec
execute0_lowered:
.L_overlay_start_1:
0x0: {  	(tag) =	ssettag $0x1  }
0x1: {  	s0 =	srdreg.scid;
	s1 =	rddreg [dreg:$0x0]  }
0x2: {  	s4 =	rddreg [dreg:$0x1];
	s5 =	stileid.u32  }
0x3: {  	s2 =	rddreg [dreg:$0x2];
	s31 =	simm.s32 $0x0;
	s16 =	simm.s32 $0xCC00  }
0x4: {  	s17 =	simm.s32 $0x3;
	s18 =	simm.s32 $0x80;
	s19 =	simm.s32 $0xC800  }
0x5: {  	s20 =	simm.s32 $0xC880;
	s21 =	simm.s32 $0xC900;
	s22 =	simm.s32 $0xC980  }
0x6: {  	s23 =	simm.s32 $0xCA00;
	s24 =	simm.s32 $0xCA80;
	s28 =	simm.s32 $0x1  }
0x7: {  	s29 =	simm.s32 $0x2;
	s30 =	simm.s32 $0x0;
	s0 =	sand.u32 $0x1, s0  }
0x8: {  	s7 =	smul.u32 $0xC40, s5;
	[smem:$0x7FF] =	sst s31;
	s11 =	sadd.s32 $0x19880, s1  }
0x9: {  	s12 =	sadd.s32 $0x18380, s4;
	s13 =	sadd.s32 $0x18680, s4;
	s3 =	sshll.u32 s0, $0x4  }
0xa: {  	s26 =	smul.u32 $0xC400, s0;
	s0 =	ssub.s32 $0x2, s0;
	s25 =	sor.u32 s5, s3  }
0xb: {  	s3 =	rddreg [dreg:$0x3];
	_ =	strace $0x8000004A;
	s6 =	sshrl.u32 s7, $0x3  }
0xc: {  	s10 =	sshrl.u32 s0, $0x1;
	s9 =	smul.u32 $0xC80, s25;
	s5 =	sadd.s32 s7, s26  }
0xd: {  	s6 =	sadd.s32 s6, s1;
	s0 =	ssub.s32 s0, s10;
	s10 =	sadd.s32 $0x19580, s1  }
0xe: {  	p0 =	seq.s32 s25, $0x1F;
	p1 =	sne.s32 s25, $0x1F;
	s25 =	simm.s32 $0xCB00  }
0xf: {  	s26 =	simm.s32 $0xCB80;
	s5 =	sshrl.u32 s5, $0x3;
	s6 =	sadd.s32 $0x19A00, s6  }
0x10: {  	s15 =	smax.u32 s0, $0x1;
	s8 =	sadd.s32 s9, s1;
	s14 =	sadd.s32 s5, s1  }
0x11: {  	s5 =	sadd.s32 s7, s2;
	[dreg:$0x5] =	wrdreg s6;
	s7 =	sadd.s32 s7, s3  }
0x12: {  	v0 =	vimm.f32 $0.0e+00;
	s9 =	sadd.s32 s4, s9;
	s8 =	sadd.s32 $0x1200, s8;
	s14 =	sadd.s32 $0x1B400, s14  }
.LBB2_1:
0x13: {  	s0 =	simm.s32 $0x40;
	s1 =	simm.s32 $0x0  }
.LBB2_2:
0x14: {  	p2 =	sne.s32 s0, $0x30C0;
	[tilespmem:s1+$0xCC00] =	vst v0;
	s1 =	smov.u32 s0;
	s0 =	sadd.s32 $0x40, s0  }
.Ltmp0:
0x15: {  	(pc) =	sbr.rel @p2 .LBB2_2-.Ltmp0, $2  }
0x16: {  	_ =	sdelay $0x2  }
0x17: {  	s1 =	sshra.s32 s1, $0x2  }
0x18: {  	[tilespmem:s1+$0xCC00] =	vst v0  }
0x19: {  	[spmem:s5] =	stream.linear.scatter [tilespmem:s16], [sflag:$0x3], $0xC40, $0x38;
	[tilespmem:$0xF100] =	vst v63  }
0x1a: {  	_ =	swait.ge [sflag:s17], $0xC40  }
0x1b: {  	[sflag:s17] =	ssyncset.done $0x0  }
0x1c: {  	s0 =	rddreg [dreg:$0x5];
	[sflag:s17] =	ssyncadd.s32 $0xFFFFF3C0  }
0x1d: {  	[tilespmem:s16], [sflag:$0x3] =	stream.linear.gather [hbm4b:s0+s31], $0xC40, $0x38;
	[tilespmem:$0xF100] =	vst v63  }
0x1e: {  	_ =	swait.ge [sflag:s17], $0xC40  }
0x1f: {  	[sflag:s17] =	ssyncset.done $0x0  }
0x20: {  	[sflag:s17] =	ssyncadd.s32 $0xFFFFF3C0  }
0x21: {  	[spmem:s7] =	stream.linear.scatter [tilespmem:s16], [sflag:$0x3], $0xC40, $0x38;
	[tilespmem:$0xF100] =	vst v63  }
0x22: {  	_ =	swait.ge [sflag:s17], $0xC40  }
0x23: {  	[sflag:s17] =	ssyncset.done $0x0  }
0x24: {  	s1 =	simm.s32 @p0 $0x3;
	s0 =	simm.s32 @p0 $0x0;
	[sflag:s17] =	ssyncadd.s32 $0xFFFFF3C0  }
0x25: {  	[tilespmem:s0], [sflag:$0x3] =	stream.linear.gather @p0 [hbm4b:s10+s0], $0x1800, $0x38;
	[tilespmem:$0xF100] =	vst v63  }
0x26: {  	_ =	swait.ge @p0 [sflag:s1], $0x1800  }
0x27: {  	[sflag:s1] =	ssyncset.done @p0 $0x0  }
0x28: {  	s4 =	simm.s32 @p0 $0x1800;
	[sflag:s1] =	ssyncadd.s32 @p0 $0xFFFFE800  }
0x29: {  	[tilespmem:s4], [sflag:$0x3] =	stream.linear.gather @p0 [hbm4b:s11+s0], $0x100, $0x38;
	[tilespmem:$0xF100] =	vst v63  }
0x2a: {  	_ =	swait.ge @p0 [sflag:s1], $0x100  }
0x2b: {  	[sflag:s1] =	ssyncset.done @p0 $0x0  }
0x2c: {  	s4 =	simm.s32 @p0 $0x6400;
	[sflag:s1] =	ssyncadd.s32 @p0 $0xFFFFFF00  }
0x2d: {  	[tilespmem:s4], [sflag:$0x3] =	stream.linear.gather @p0 [hbm4b:s12+s0], $0x1800, $0x38;
	[tilespmem:$0xF100] =	vst v63  }
0x2e: {  	_ =	swait.ge @p0 [sflag:s1], $0x1800  }
0x2f: {  	[sflag:s1] =	ssyncset.done @p0 $0x0  }
0x30: {  	s4 =	simm.s32 @p0 $0x7C00;
	[sflag:s1] =	ssyncadd.s32 @p0 $0xFFFFE800  }
0x31: {  	[tilespmem:s4], [sflag:$0x3] =	stream.linear.gather @p0 [hbm4b:s13+s0], $0x100, $0x38;
	[tilespmem:$0xF100] =	vst v63  }
0x32: {  	_ =	swait.ge @p0 [sflag:s1], $0x100  }
0x33: {  	[sflag:s1] =	ssyncset.done @p0 $0x0  }
0x34: {  	s0 =	simm.s32 @!p0 $0x0;
	[sflag:s1] =	ssyncadd.s32 @p0 $0xFFFFFF00;
	s1 =	simm.s32 @!p0 $0x3  }
0x35: {  	[tilespmem:s0], [sflag:$0x3] =	stream.linear.gather @!p0 [hbm4b:s8+s0], $0x6400, $0x38;
	[tilespmem:$0xF100] =	vst v63  }
0x36: {  	_ =	swait.ge @!p0 [sflag:s1], $0x6400  }
0x37: {  	[sflag:s1] =	ssyncset.done @!p0 $0x0  }
0x38: {  	s4 =	simm.s32 @!p0 $0x6400;
	[sflag:s1] =	ssyncadd.s32 @!p0 $0xFFFF9C00  }
0x39: {  	[tilespmem:s4], [sflag:$0x3] =	stream.linear.gather @!p0 [hbm4b:s9+s0], $0x6400, $0x38;
	[tilespmem:$0xF100] =	vst v63  }
0x3a: {  	s0 =	simm.s32 @!p0 $0x19  }
0x3b: {  	s0 =	simm.s32 @p0 $0x6  }
0x3c: {  	s31 =	sshll.u32 s0, $0xC  }
0x3d: {  	p3 =	sne.s32 s31, $0x1000  }
.Ltmp1:
0x3e: {  	_ =	swait.ge @!p0 [sflag:s1], $0x6400;
	(pc) =	sbr.rel @!p3 .LBB2_8-.Ltmp1, $4  }
0x3f: {  	[sflag:s1] =	ssyncset.done @!p0 $0x0  }
0x40: {  	[sflag:s1] =	ssyncadd.s32 @!p0 $0xFFFF9C00  }
0x41: {  	[bflag:$0x0] =	sbarrier.arrive $0xFFFF  }
0x42: {  	p2 =	por $0x0, $0x0;
	s0 =	simm.s32 $0x0;
	s1 =	simm.s32 $0x1000  }
0x43: {  	s0 =	simm.s32 $0x0  }
0x44: {  	[tilespmem:s19], [sflag:$0x1] =	stream.indirect.gather [spmem:s3], $0x1, s0, s18, $0xb8;
	[tilespmem:$0xF100] =	vst v63  }
0x45: {  	s6 =	simm.s32 $0x80  }
0x46: {  	[tilespmem:s20], [sflag:$0x1] =	stream.indirect.gather [spmem:s3], $0x1, s6, s18, $0xb8;
	[tilespmem:$0xF100] =	vst v63  }
0x47: {  	s4 =	simm.s32 $0x100  }
0x48: {  	[tilespmem:s21], [sflag:$0x1] =	stream.indirect.gather [spmem:s3], $0x1, s4, s18, $0xb8;
	[tilespmem:$0xF100] =	vst v63  }
0x49: {  	s6 =	simm.s32 $0x180  }
0x4a: {  	[tilespmem:s22], [sflag:$0x1] =	stream.indirect.gather [spmem:s3], $0x1, s6, s18, $0xb8;
	[tilespmem:$0xF100] =	vst v63  }
0x4b: {  	s4 =	simm.s32 $0x200  }
0x4c: {  	[tilespmem:s23], [sflag:$0x1] =	stream.indirect.gather [spmem:s3], $0x1, s4, s18, $0xb8;
	[tilespmem:$0xF100] =	vst v63  }
0x4d: {  	s6 =	simm.s32 $0x280  }
0x4e: {  	[tilespmem:s24], [sflag:$0x1] =	stream.indirect.gather [spmem:s3], $0x1, s6, s18, $0xb8;
	[tilespmem:$0xF100] =	vst v63  }
0x4f: {  	s4 =	simm.s32 $0x300  }
0x50: {  	[tilespmem:s25], [sflag:$0x1] =	stream.indirect.gather [spmem:s3], $0x1, s4, s18, $0xb8;
	[tilespmem:$0xF100] =	vst v63  }
0x51: {  	s6 =	simm.s32 $0x380  }
0x52: {  	[tilespmem:s26], [sflag:$0x1] =	stream.indirect.gather [spmem:s3], $0x1, s6, s18, $0xb8;
	[tilespmem:$0xF100] =	vst v63  }
0x53: {  	_ =	swait.ge [sflag:s28], $0x80  }
0x54: {  	[sflag:s28] =	ssyncset.done $0x0  }
0x55: {  	[sflag:s28] =	ssyncadd.s32 $0xFFFFFF80  }
0x56: {  	_ =	swait.ge [sflag:s28], $0x80  }
0x57: {  	[sflag:s28] =	ssyncset.done $0x0  }
0x58: {  	[sflag:s28] =	ssyncadd.s32 $0xFFFFFF80  }
0x59: {  	_ =	swait.ge [sflag:s28], $0x80  }
0x5a: {  	[sflag:s28] =	ssyncset.done $0x0  }
0x5b: {  	[sflag:s28] =	ssyncadd.s32 $0xFFFFFF80  }
0x5c: {  	_ =	swait.ge [sflag:s28], $0x80  }
0x5d: {  	[sflag:s28] =	ssyncset.done $0x0  }
0x5e: {  	[sflag:s28] =	ssyncadd.s32 $0xFFFFFF80  }
0x5f: {  	_ =	swait.ge [sflag:s28], $0x80  }
0x60: {  	[sflag:s28] =	ssyncset.done $0x0  }
0x61: {  	[sflag:s28] =	ssyncadd.s32 $0xFFFFFF80  }
0x62: {  	_ =	swait.ge [sflag:s28], $0x80  }
0x63: {  	[sflag:s28] =	ssyncset.done $0x0  }
0x64: {  	[sflag:s28] =	ssyncadd.s32 $0xFFFFFF80  }
0x65: {  	_ =	swait.ge [sflag:s28], $0x80  }
0x66: {  	[sflag:s28] =	ssyncset.done $0x0  }
0x67: {  	[sflag:s28] =	ssyncadd.s32 $0xFFFFFF80  }
0x68: {  	_ =	swait.ge [sflag:s28], $0x80  }
0x69: {  	[sflag:s28] =	ssyncset.done $0x0  }
0x6a: {  	s4 =	simm.s32 $0x6400;
	[sflag:s28] =	ssyncadd.s32 $0xFFFFFF80  }
0x6b: {  	[spmem:s2] =	stream.indirect.scatter.add.f32 [tilespmem:s19], [sflag:$0x2], $0x1, s4, s18, $0xb8;
	[tilespmem:$0xF100] =	vst v63  }
0x6c: {  	s6 =	simm.s32 $0x6480  }
0x6d: {  	[spmem:s2] =	stream.indirect.scatter.add.f32 [tilespmem:s20], [sflag:$0x2], $0x1, s6, s18, $0xb8;
	[tilespmem:$0xF100] =	vst v63  }
0x6e: {  	s4 =	simm.s32 $0x6500  }
0x6f: {  	[spmem:s2] =	stream.indirect.scatter.add.f32 [tilespmem:s21], [sflag:$0x2], $0x1, s4, s18, $0xb8;
	[tilespmem:$0xF100] =	vst v63  }
0x70: {  	s6 =	simm.s32 $0x6580  }
0x71: {  	[spmem:s2] =	stream.indirect.scatter.add.f32 [tilespmem:s22], [sflag:$0x2], $0x1, s6, s18, $0xb8;
	[tilespmem:$0xF100] =	vst v63  }
0x72: {  	s4 =	simm.s32 $0x6600  }
0x73: {  	[spmem:s2] =	stream.indirect.scatter.add.f32 [tilespmem:s23], [sflag:$0x2], $0x1, s4, s18, $0xb8;
	[tilespmem:$0xF100] =	vst v63  }
0x74: {  	s6 =	simm.s32 $0x6680  }
0x75: {  	[spmem:s2] =	stream.indirect.scatter.add.f32 [tilespmem:s24], [sflag:$0x2], $0x1, s6, s18, $0xb8;
	[tilespmem:$0xF100] =	vst v63  }
0x76: {  	s4 =	simm.s32 $0x6700  }
0x77: {  	[spmem:s2] =	stream.indirect.scatter.add.f32 [tilespmem:s25], [sflag:$0x2], $0x1, s4, s18, $0xb8;
	[tilespmem:$0xF100] =	vst v63  }
0x78: {  	s6 =	simm.s32 $0x6780  }
0x79: {  	[spmem:s2] =	stream.indirect.scatter.add.f32 [tilespmem:s26], [sflag:$0x2], $0x1, s6, s18, $0xb8;
	[tilespmem:$0xF100] =	vst v63  }
0x7a: {  	_ =	swait.ge [sflag:s29], $0x80  }
0x7b: {  	[sflag:s29] =	ssyncset.done $0x0  }
0x7c: {  	[sflag:s29] =	ssyncadd.s32 $0xFFFFFF80  }
0x7d: {  	_ =	swait.ge [sflag:s29], $0x80  }
0x7e: {  	[sflag:s29] =	ssyncset.done $0x0  }
0x7f: {  	[sflag:s29] =	ssyncadd.s32 $0xFFFFFF80  }
0x80: {  	_ =	swait.ge [sflag:s29], $0x80  }
0x81: {  	[sflag:s29] =	ssyncset.done $0x0  }
0x82: {  	[sflag:s29] =	ssyncadd.s32 $0xFFFFFF80  }
0x83: {  	_ =	swait.ge [sflag:s29], $0x80  }
0x84: {  	[sflag:s29] =	ssyncset.done $0x0  }
0x85: {  	[sflag:s29] =	ssyncadd.s32 $0xFFFFFF80  }
0x86: {  	_ =	swait.ge [sflag:s29], $0x80  }
0x87: {  	[sflag:s29] =	ssyncset.done $0x0  }
0x88: {  	[sflag:s29] =	ssyncadd.s32 $0xFFFFFF80  }
0x89: {  	_ =	swait.ge [sflag:s29], $0x80  }
0x8a: {  	[sflag:s29] =	ssyncset.done $0x0  }
0x8b: {  	p3 =	sne.s32 s31, $0x2000;
	[sflag:s29] =	ssyncadd.s32 $0xFFFFFF80  }
.Ltmp2:
0x8c: {  	_ =	swait.ge [sflag:s29], $0x80;
	(pc) =	sbr.rel @!p3 .LBB2_5-.Ltmp2, $4  }
0x8d: {  	[sflag:s29] =	ssyncset.done $0x0  }
0x8e: {  	[sflag:s29] =	ssyncadd.s32 $0xFFFFFF80  }
0x8f: {  	_ =	swait.ge [sflag:s29], $0x80  }
0x90: {  	p2 =	por $0x1, $0x1;
	s0 =	simm.s32 $0x2000;
	[sflag:s29] =	ssyncset.done $0x0  }
.LBB2_6:
0x91: {  	s4 =	sshra.s32 s1, $0x2  }
0x92: {  	[sflag:s29] =	ssyncadd.s32 $0xFFFFFF80;
	s1 =	smov.u32 s0;
	s0 =	sadd.s32 $0x1000, s0  }
0x93: {  	[tilespmem:s19], [sflag:$0x1] =	stream.indirect.gather [spmem:s3], $0x1, s4, s18, $0xb8;
	[tilespmem:$0xF100] =	vst v63  }
0x94: {  	p3 =	sne.s32 s31, s0;
	s6 =	sadd.s32 $0x80, s4  }
0x95: {  	[tilespmem:s20], [sflag:$0x1] =	stream.indirect.gather [spmem:s3], $0x1, s6, s18, $0xb8;
	[tilespmem:$0xF100] =	vst v63  }
0x96: {  	s6 =	sadd.s32 $0x100, s4  }
0x97: {  	[tilespmem:s21], [sflag:$0x1] =	stream.indirect.gather [spmem:s3], $0x1, s6, s18, $0xb8;
	[tilespmem:$0xF100] =	vst v63  }
0x98: {  	s6 =	sadd.s32 $0x180, s4  }
0x99: {  	[tilespmem:s22], [sflag:$0x1] =	stream.indirect.gather [spmem:s3], $0x1, s6, s18, $0xb8;
	[tilespmem:$0xF100] =	vst v63  }
0x9a: {  	s6 =	sadd.s32 $0x200, s4  }
0x9b: {  	[tilespmem:s23], [sflag:$0x1] =	stream.indirect.gather [spmem:s3], $0x1, s6, s18, $0xb8;
	[tilespmem:$0xF100] =	vst v63  }
0x9c: {  	s6 =	sadd.s32 $0x280, s4  }
0x9d: {  	[tilespmem:s24], [sflag:$0x1] =	stream.indirect.gather [spmem:s3], $0x1, s6, s18, $0xb8;
	[tilespmem:$0xF100] =	vst v63  }
0x9e: {  	s6 =	sadd.s32 $0x300, s4  }
0x9f: {  	[tilespmem:s25], [sflag:$0x1] =	stream.indirect.gather [spmem:s3], $0x1, s6, s18, $0xb8;
	[tilespmem:$0xF100] =	vst v63  }
0xa0: {  	s6 =	sadd.s32 $0x380, s4  }
0xa1: {  	[tilespmem:s26], [sflag:$0x1] =	stream.indirect.gather [spmem:s3], $0x1, s6, s18, $0xb8;
	[tilespmem:$0xF100] =	vst v63  }
0xa2: {  	_ =	swait.ge [sflag:s28], $0x80  }
0xa3: {  	[sflag:s28] =	ssyncset.done $0x0  }
0xa4: {  	[sflag:s28] =	ssyncadd.s32 $0xFFFFFF80  }
0xa5: {  	_ =	swait.ge [sflag:s28], $0x80  }
0xa6: {  	[sflag:s28] =	ssyncset.done $0x0  }
0xa7: {  	[sflag:s28] =	ssyncadd.s32 $0xFFFFFF80  }
0xa8: {  	_ =	swait.ge [sflag:s28], $0x80  }
0xa9: {  	[sflag:s28] =	ssyncset.done $0x0  }
0xaa: {  	[sflag:s28] =	ssyncadd.s32 $0xFFFFFF80  }
0xab: {  	_ =	swait.ge [sflag:s28], $0x80  }
0xac: {  	[sflag:s28] =	ssyncset.done $0x0  }
0xad: {  	[sflag:s28] =	ssyncadd.s32 $0xFFFFFF80  }
0xae: {  	_ =	swait.ge [sflag:s28], $0x80  }
0xaf: {  	[sflag:s28] =	ssyncset.done $0x0  }
0xb0: {  	[sflag:s28] =	ssyncadd.s32 $0xFFFFFF80  }
0xb1: {  	_ =	swait.ge [sflag:s28], $0x80  }
0xb2: {  	[sflag:s28] =	ssyncset.done $0x0  }
0xb3: {  	[sflag:s28] =	ssyncadd.s32 $0xFFFFFF80  }
0xb4: {  	_ =	swait.ge [sflag:s28], $0x80  }
0xb5: {  	[sflag:s28] =	ssyncset.done $0x0  }
0xb6: {  	[sflag:s28] =	ssyncadd.s32 $0xFFFFFF80  }
0xb7: {  	_ =	swait.ge [sflag:s28], $0x80  }
0xb8: {  	[sflag:s28] =	ssyncset.done $0x0  }
0xb9: {  	s6 =	sadd.s32 $0x6400, s4;
	[sflag:s28] =	ssyncadd.s32 $0xFFFFFF80  }
0xba: {  	[spmem:s2] =	stream.indirect.scatter.add.f32 [tilespmem:s19], [sflag:$0x2], $0x1, s6, s18, $0xb8;
	[tilespmem:$0xF100] =	vst v63  }
0xbb: {  	s6 =	sadd.s32 $0x6480, s4  }
0xbc: {  	[spmem:s2] =	stream.indirect.scatter.add.f32 [tilespmem:s20], [sflag:$0x2], $0x1, s6, s18, $0xb8;
	[tilespmem:$0xF100] =	vst v63  }
0xbd: {  	s6 =	sadd.s32 $0x6500, s4  }
0xbe: {  	[spmem:s2] =	stream.indirect.scatter.add.f32 [tilespmem:s21], [sflag:$0x2], $0x1, s6, s18, $0xb8;
	[tilespmem:$0xF100] =	vst v63  }
0xbf: {  	s6 =	sadd.s32 $0x6580, s4  }
0xc0: {  	[spmem:s2] =	stream.indirect.scatter.add.f32 [tilespmem:s22], [sflag:$0x2], $0x1, s6, s18, $0xb8;
	[tilespmem:$0xF100] =	vst v63  }
0xc1: {  	s6 =	sadd.s32 $0x6600, s4  }
0xc2: {  	[spmem:s2] =	stream.indirect.scatter.add.f32 [tilespmem:s23], [sflag:$0x2], $0x1, s6, s18, $0xb8;
	[tilespmem:$0xF100] =	vst v63  }
0xc3: {  	s6 =	sadd.s32 $0x6680, s4  }
0xc4: {  	[spmem:s2] =	stream.indirect.scatter.add.f32 [tilespmem:s24], [sflag:$0x2], $0x1, s6, s18, $0xb8;
	[tilespmem:$0xF100] =	vst v63  }
0xc5: {  	s6 =	sadd.s32 $0x6700, s4  }
0xc6: {  	[spmem:s2] =	stream.indirect.scatter.add.f32 [tilespmem:s25], [sflag:$0x2], $0x1, s6, s18, $0xb8;
	[tilespmem:$0xF100] =	vst v63  }
0xc7: {  	s4 =	sadd.s32 $0x6780, s4  }
0xc8: {  	[spmem:s2] =	stream.indirect.scatter.add.f32 [tilespmem:s26], [sflag:$0x2], $0x1, s4, s18, $0xb8;
	[tilespmem:$0xF100] =	vst v63  }
0xc9: {  	_ =	swait.ge [sflag:s29], $0x80  }
0xca: {  	[sflag:s29] =	ssyncset.done $0x0  }
0xcb: {  	[sflag:s29] =	ssyncadd.s32 $0xFFFFFF80  }
0xcc: {  	_ =	swait.ge [sflag:s29], $0x80  }
0xcd: {  	[sflag:s29] =	ssyncset.done $0x0  }
0xce: {  	[sflag:s29] =	ssyncadd.s32 $0xFFFFFF80  }
0xcf: {  	_ =	swait.ge [sflag:s29], $0x80  }
0xd0: {  	[sflag:s29] =	ssyncset.done $0x0  }
0xd1: {  	[sflag:s29] =	ssyncadd.s32 $0xFFFFFF80  }
0xd2: {  	_ =	swait.ge [sflag:s29], $0x80  }
0xd3: {  	[sflag:s29] =	ssyncset.done $0x0  }
0xd4: {  	[sflag:s29] =	ssyncadd.s32 $0xFFFFFF80  }
0xd5: {  	_ =	swait.ge [sflag:s29], $0x80  }
0xd6: {  	[sflag:s29] =	ssyncset.done $0x0  }
0xd7: {  	[sflag:s29] =	ssyncadd.s32 $0xFFFFFF80  }
0xd8: {  	_ =	swait.ge [sflag:s29], $0x80  }
0xd9: {  	[sflag:s29] =	ssyncset.done $0x0  }
0xda: {  	[sflag:s29] =	ssyncadd.s32 $0xFFFFFF80  }
.Ltmp3:
0xdb: {  	_ =	swait.ge [sflag:s29], $0x80;
	(pc) =	sbr.rel @p3 .LBB2_6-.Ltmp3, $4  }
0xdc: {  	[sflag:s29] =	ssyncset.done $0x0  }
0xdd: {  	[sflag:s29] =	ssyncadd.s32 $0xFFFFFF80  }
0xde: {  	_ =	swait.ge [sflag:s29], $0x80  }
0xdf: {  	[sflag:s29] =	ssyncset.done $0x0  }
0xe0: {  	s0 =	smov.u32 s1  }
.LBB2_8:
0xe1: {  	s0 =	sshra.s32 s0, $0x2;
	[sflag:s29] =	ssyncadd.s32 @p2 $0xFFFFFF80  }
0xe2: {  	[tilespmem:s19], [sflag:$0x1] =	stream.indirect.gather [spmem:s3], $0x1, s0, s18, $0xb8;
	[tilespmem:$0xF100] =	vst v63  }
0xe3: {  	s1 =	sadd.s32 $0x80, s0  }
0xe4: {  	[tilespmem:s20], [sflag:$0x1] =	stream.indirect.gather [spmem:s3], $0x1, s1, s18, $0xb8;
	[tilespmem:$0xF100] =	vst v63  }
0xe5: {  	s6 =	sadd.s32 $0x100, s0  }
0xe6: {  	[tilespmem:s21], [sflag:$0x1] =	stream.indirect.gather [spmem:s3], $0x1, s6, s18, $0xb8;
	[tilespmem:$0xF100] =	vst v63  }
0xe7: {  	s4 =	sadd.s32 $0x180, s0  }
0xe8: {  	[tilespmem:s22], [sflag:$0x1] =	stream.indirect.gather [spmem:s3], $0x1, s4, s18, $0xb8;
	[tilespmem:$0xF100] =	vst v63  }
0xe9: {  	s6 =	sadd.s32 $0x200, s0  }
0xea: {  	[tilespmem:s23], [sflag:$0x1] =	stream.indirect.gather [spmem:s3], $0x1, s6, s18, $0xb8;
	[tilespmem:$0xF100] =	vst v63  }
0xeb: {  	s4 =	sadd.s32 $0x280, s0  }
0xec: {  	[tilespmem:s24], [sflag:$0x1] =	stream.indirect.gather [spmem:s3], $0x1, s4, s18, $0xb8;
	[tilespmem:$0xF100] =	vst v63  }
0xed: {  	s6 =	sadd.s32 $0x300, s0  }
0xee: {  	[tilespmem:s25], [sflag:$0x1] =	stream.indirect.gather [spmem:s3], $0x1, s6, s18, $0xb8;
	[tilespmem:$0xF100] =	vst v63  }
0xef: {  	s4 =	sadd.s32 $0x380, s0  }
0xf0: {  	[tilespmem:s26], [sflag:$0x1] =	stream.indirect.gather [spmem:s3], $0x1, s4, s18, $0xb8;
	[tilespmem:$0xF100] =	vst v63  }
0xf1: {  	_ =	swait.ge [sflag:s28], $0x80  }
0xf2: {  	[sflag:s28] =	ssyncset.done $0x0  }
0xf3: {  	[sflag:s28] =	ssyncadd.s32 $0xFFFFFF80  }
0xf4: {  	_ =	swait.ge [sflag:s28], $0x80  }
0xf5: {  	[sflag:s28] =	ssyncset.done $0x0  }
0xf6: {  	[sflag:s28] =	ssyncadd.s32 $0xFFFFFF80  }
0xf7: {  	_ =	swait.ge [sflag:s28], $0x80  }
0xf8: {  	[sflag:s28] =	ssyncset.done $0x0  }
0xf9: {  	[sflag:s28] =	ssyncadd.s32 $0xFFFFFF80  }
0xfa: {  	_ =	swait.ge [sflag:s28], $0x80  }
0xfb: {  	[sflag:s28] =	ssyncset.done $0x0  }
0xfc: {  	[sflag:s28] =	ssyncadd.s32 $0xFFFFFF80  }
0xfd: {  	_ =	swait.ge [sflag:s28], $0x80  }
0xfe: {  	[sflag:s28] =	ssyncset.done $0x0  }
0xff: {  	[sflag:s28] =	ssyncadd.s32 $0xFFFFFF80  }
0x100: {  	_ =	swait.ge [sflag:s28], $0x80  }
0x101: {  	[sflag:s28] =	ssyncset.done $0x0  }
0x102: {  	[sflag:s28] =	ssyncadd.s32 $0xFFFFFF80  }
0x103: {  	_ =	swait.ge [sflag:s28], $0x80  }
0x104: {  	[sflag:s28] =	ssyncset.done $0x0  }
0x105: {  	[sflag:s28] =	ssyncadd.s32 $0xFFFFFF80  }
0x106: {  	_ =	swait.ge [sflag:s28], $0x80  }
0x107: {  	[sflag:s28] =	ssyncset.done $0x0  }
0x108: {  	s6 =	sadd.s32 $0x6400, s0;
	[sflag:s28] =	ssyncadd.s32 $0xFFFFFF80  }
0x109: {  	[spmem:s2] =	stream.indirect.scatter.add.f32 [tilespmem:s19], [sflag:$0x2], $0x1, s6, s18, $0xb8;
	[tilespmem:$0xF100] =	vst v63  }
0x10a: {  	s4 =	sadd.s32 $0x6480, s0  }
0x10b: {  	[spmem:s2] =	stream.indirect.scatter.add.f32 [tilespmem:s20], [sflag:$0x2], $0x1, s4, s18, $0xb8;
	[tilespmem:$0xF100] =	vst v63  }
0x10c: {  	s6 =	sadd.s32 $0x6500, s0  }
0x10d: {  	[spmem:s2] =	stream.indirect.scatter.add.f32 [tilespmem:s21], [sflag:$0x2], $0x1, s6, s18, $0xb8;
	[tilespmem:$0xF100] =	vst v63  }
0x10e: {  	s4 =	sadd.s32 $0x6580, s0  }
0x10f: {  	[spmem:s2] =	stream.indirect.scatter.add.f32 [tilespmem:s22], [sflag:$0x2], $0x1, s4, s18, $0xb8;
	[tilespmem:$0xF100] =	vst v63  }
0x110: {  	s6 =	sadd.s32 $0x6600, s0  }
0x111: {  	[spmem:s2] =	stream.indirect.scatter.add.f32 [tilespmem:s23], [sflag:$0x2], $0x1, s6, s18, $0xb8;
	[tilespmem:$0xF100] =	vst v63  }
0x112: {  	s4 =	sadd.s32 $0x6680, s0  }
0x113: {  	[spmem:s2] =	stream.indirect.scatter.add.f32 [tilespmem:s24], [sflag:$0x2], $0x1, s4, s18, $0xb8;
	[tilespmem:$0xF100] =	vst v63  }
0x114: {  	s6 =	sadd.s32 $0x6700, s0  }
0x115: {  	[spmem:s2] =	stream.indirect.scatter.add.f32 [tilespmem:s25], [sflag:$0x2], $0x1, s6, s18, $0xb8;
	[tilespmem:$0xF100] =	vst v63  }
0x116: {  	s0 =	sadd.s32 $0x6780, s0  }
0x117: {  	[spmem:s2] =	stream.indirect.scatter.add.f32 [tilespmem:s26], [sflag:$0x2], $0x1, s0, s18, $0xb8;
	[tilespmem:$0xF100] =	vst v63  }
0x118: {  	_ =	swait.ge [sflag:s29], $0x80  }
0x119: {  	[sflag:s29] =	ssyncset.done $0x0  }
0x11a: {  	[sflag:s29] =	ssyncadd.s32 $0xFFFFFF80  }
0x11b: {  	_ =	swait.ge [sflag:s29], $0x80  }
0x11c: {  	[sflag:s29] =	ssyncset.done $0x0  }
0x11d: {  	[sflag:s29] =	ssyncadd.s32 $0xFFFFFF80  }
0x11e: {  	_ =	swait.ge [sflag:s29], $0x80  }
0x11f: {  	[sflag:s29] =	ssyncset.done $0x0  }
0x120: {  	[sflag:s29] =	ssyncadd.s32 $0xFFFFFF80  }
0x121: {  	_ =	swait.ge [sflag:s29], $0x80  }
0x122: {  	[sflag:s29] =	ssyncset.done $0x0  }
0x123: {  	[sflag:s29] =	ssyncadd.s32 $0xFFFFFF80  }
0x124: {  	_ =	swait.ge [sflag:s29], $0x80  }
0x125: {  	[sflag:s29] =	ssyncset.done $0x0  }
0x126: {  	[sflag:s29] =	ssyncadd.s32 $0xFFFFFF80  }
0x127: {  	_ =	swait.ge [sflag:s29], $0x80  }
0x128: {  	[sflag:s29] =	ssyncset.done $0x0  }
0x129: {  	[sflag:s29] =	ssyncadd.s32 $0xFFFFFF80  }
0x12a: {  	_ =	swait.ge [sflag:s29], $0x80  }
0x12b: {  	[sflag:s29] =	ssyncset.done $0x0  }
0x12c: {  	[sflag:s29] =	ssyncadd.s32 $0xFFFFFF80  }
0x12d: {  	_ =	swait.ge [sflag:s29], $0x80  }
0x12e: {  	s1 =	simm.s32 @!p1 $0x1800;
	[sflag:s29] =	ssyncset.done $0x0  }
0x12f: {  	s4 =	simm.s32 @!p1 $0xC800;
	s0 =	simm.s32 @!p1 $0x80;
	[sflag:s29] =	ssyncadd.s32 $0xFFFFFF80  }
0x130: {  	[tilespmem:s4], [sflag:$0x1] =	stream.indirect.gather @!p1 [spmem:s3], $0x1, s1, s0, $0xb8;
	[tilespmem:$0xF100] =	vst v63  }
0x131: {  	s6 =	simm.s32 @!p1 $0xC880;
	s1 =	simm.s32 @!p1 $0x1880  }
0x132: {  	[tilespmem:s6], [sflag:$0x1] =	stream.indirect.gather @!p1 [spmem:s3], $0x1, s1, s0, $0xb8;
	[tilespmem:$0xF100] =	vst v63  }
0x133: {  	s1 =	simm.s32 @!p1 $0x1  }
0x134: {  	_ =	swait.ge @!p1 [sflag:s1], $0x80  }
0x135: {  	[sflag:s1] =	ssyncset.done @!p1 $0x0  }
0x136: {  	[sflag:s1] =	ssyncadd.s32 @!p1 $0xFFFFFF80  }
0x137: {  	_ =	swait.ge @!p1 [sflag:s1], $0x80  }
0x138: {  	[sflag:s1] =	ssyncset.done @!p1 $0x0  }
0x139: {  	[sflag:s1] =	ssyncadd.s32 @!p1 $0xFFFFFF80;
	s1 =	simm.s32 @!p1 $0x7C00  }
0x13a: {  	[spmem:s2] =	stream.indirect.scatter.add.f32 @!p1 [tilespmem:s4], [sflag:$0x2], $0x1, s1, s0, $0xb8;
	[tilespmem:$0xF100] =	vst v63  }
0x13b: {  	s1 =	simm.s32 @!p1 $0x7C80  }
0x13c: {  	[spmem:s2] =	stream.indirect.scatter.add.f32 @!p1 [tilespmem:s6], [sflag:$0x2], $0x1, s1, s0, $0xb8;
	[tilespmem:$0xF100] =	vst v63  }
0x13d: {  	s0 =	simm.s32 @!p1 $0x2  }
0x13e: {  	_ =	swait.ge @!p1 [sflag:s0], $0x80  }
0x13f: {  	[sflag:s0] =	ssyncset.done @!p1 $0x0  }
0x140: {  	[sflag:s0] =	ssyncadd.s32 @!p1 $0xFFFFFF80  }
0x141: {  	_ =	swait.ge @!p1 [sflag:s0], $0x80  }
0x142: {  	[sflag:s0] =	ssyncset.done @!p1 $0x0  }
0x143: {  	[sflag:s0] =	ssyncadd.s32 @!p1 $0xFFFFFF80  }
0x144: {  	[bflag:$0x0] =	sbarrier.arrive $0xFFFF  }
0x145: {  	[tilespmem:s16], [sflag:$0x3] =	stream.linear.gather [spmem:s5], $0xC40, $0x38;
	[tilespmem:$0xF100] =	vst v63  }
0x146: {  	_ =	swait.ge [sflag:s17], $0xC40  }
0x147: {  	s30 =	sadd.s32 $0x1, s30;
	[sflag:s17] =	ssyncset.done $0x0  }
0x148: {  	s31 =	simm.s32 $0x0;
	p2 =	sne.s32 s30, s15;
	[sflag:s17] =	ssyncadd.s32 $0xFFFFF3C0  }
0x149: {  	[hbm4b:s14+s31] =	stream.linear.scatter [tilespmem:s16], [sflag:$0x3], $0xC40, $0x38;
	[tilespmem:$0xF100] =	vst v63  }
.Ltmp4:
0x14a: {  	_ = 	snop;
	(pc) =	sbr.rel @p2 .LBB2_1-.Ltmp4, $4  }
.Ltmp5:
0x14b: {  	_ = 	snop;
	(pc) =	sbr.rel @!p2 .LBB2_9-.Ltmp5, $4  }
0x14c: {  	_ =	swait.ge [sflag:s17], $0xC40  }
0x14d: {  	[sflag:s17] =	ssyncset.done $0x0  }
0x14e: {  	[sflag:s17] =	ssyncadd.s32 $0xFFFFF3C0  }
0x14f: {  	_ = 	snop  }
.LBB2_5:
.Ltmp6:
0x150: {  	(pc) =	sbr.rel .LBB2_8-.Ltmp6, $2  }
0x151: {  	_ =	sdelay $0x2  }
0x152: {  	s0 =	simm.s32 $0x1000  }
.LBB2_9:
0x153: {  	_ =	sfence.sel $0x180000  }
0x154: {  	[bflag:$0x0] =	sbarrier.arrive $0xFFFF  }
0x155: {  	_ =	strace $0x9000004A  }
0x156: {  	s0 =	stileid.u32;
	[bflag:$0x2] =	sbarrier.arrive $0xFFFF  }
0x157: {  	p0 =	sne.s32 s0, $0x0;
	s0 =	rddreg [dreg:$0x4]  }
0x158: {  	s0 =	sadd.s32 @!p0 $0x100000, s0  }
0x159: {  	[sflag:s0] =	ssyncadd.tile.s32 @!p0 $0x1;
	_ =	shalt  }
.Lfunc_end2:
_tile_overlayer_lowered:
.L_overlay_start_2:
0x15a: {  	(tag) =	ssettag $0x2  }
0x15b: {  	s0 =	rddreg [dreg:$0x0];
	s2 =	stileid.u32  }
0x15c: {  	s1 =	rddreg [dreg:$0x1];
	p0 =	sne.s32 s2, $0x0  }
0x15d: {  	s3 =	rddreg [dreg:$0x2];
	[bflag:$0x3] =	sbarrier.arrive $0xFFFF;
	s2 =	simm.s32 @!p0 $0x1C03  }
0x15e: {  	[timem:s3], [sflag:s2] =	dma.local @!p0 [hbm:s0], s1  }
0x15f: {  	s0 =	simm.s32 @!p0 $0x3  }
0x160: {  	_ =	swait.ge @!p0 [sflag:s0], s1  }
0x161: {  	s1 =	ssub.s32 @!p0 $0x0, s1;
	[sflag:s0] =	ssyncset.done @!p0 $0x0  }
0x162: {  	[sflag:s0] =	ssyncadd.s32 @!p0 s1  }
0x163: {  	[bflag:$0x3] =	sbarrier.arrive $0xFFFF  }
0x164: {  	_ =	shalt  }

</sc_bundles>
